<compile_context>
chip_gen: v7x
topology: tpu7x:2x2x1
jax: 0.10.2.dev20260603
libtpu: 0.0.44.dev20260713+nightly
codegen_flags: <defaults>
</compile_context>

<pallas_src>
import functools

import jax
import jax.numpy as jnp
from jax import lax
from jax.experimental import pallas as pl
from jax.experimental.pallas import tpu as pltpu
from jax.experimental.pallas import tpu_sc as plsc

N_NODES = 100000
N_EDGES = 1600000
N_PAD = 102400
NC = 2
NS = 16
NW = NC * NS
RPT = N_PAD // NS
CH = 16
NCH = 4
EBD = 5000
NBD = N_EDGES // EBD // NW
EB4 = 2000
NB4 = N_EDGES // EB4 // NW
EB2 = 400
NB2 = N_EDGES // EB2 // NW
RB = 1024
NTB = N_PAD // RB

_sc_mesh = functools.partial(
    plsc.VectorSubcoreMesh, core_axis_name="c", subcore_axis_name="s")


def _worker_id():
    return lax.axis_index("s") * NC + lax.axis_index("c")


def _edge_sweep(w, src_hbm, dst_hbm, table, acc_sh, sidx, didx, rows,
                semi, semg, sems, eb, nblocks):
    def fire_idx(b, p):
        off = (w + NW * b) * eb
        pltpu.async_copy(src_hbm.at[pl.ds(off, eb)], sidx[p], semi[p])
        pltpu.async_copy(dst_hbm.at[pl.ds(off, eb)], didx[p], semi[p])

    def wait_idx(p):
        pltpu.make_async_copy(src_hbm.at[pl.ds(0, eb)], sidx[p], semi[p]).wait()
        pltpu.make_async_copy(dst_hbm.at[pl.ds(0, eb)], didx[p], semi[p]).wait()

    def fire_scatter(p):
        if table is None:
            pltpu.async_copy(rows[0], acc_sh.at[didx[p]], sems[p], add=True)
        else:
            pltpu.async_copy(rows[p], acc_sh.at[didx[p]], sems[p], add=True)

    def wait_scatter(p):
        if table is None:
            pltpu.make_async_copy(rows[0], acc_sh.at[didx[p]], sems[p]).wait()
        else:
            pltpu.make_async_copy(rows[p], acc_sh.at[didx[p]], sems[p]).wait()

    def step(b, p, prefetch):
        wait_idx(p)
        if table is not None:
            gcopy = pltpu.async_copy(table.at[sidx[p]], rows[p], semg[p])

        if isinstance(b, int) and b > 0:
            wait_scatter(1 - p)
        elif not isinstance(b, int):
            @pl.when(b > 0)
            def _():
                wait_scatter(1 - p)

        if prefetch:
            @pl.when(b + 1 < nblocks)
            def _():
                fire_idx(b + 1, 1 - p)

        if table is not None:
            gcopy.wait()
        fire_scatter(p)

    fire_idx(0, 0)

    def dbl(i, carry):
        step(2 * i, 0, True)
        step(2 * i + 1, 1, True)
        return carry

    lax.fori_loop(0, nblocks // 2, dbl, 0)
    if nblocks % 2:
        step(nblocks - 1, 0, False)
    wait_scatter((nblocks - 1) % 2)


def _sc_deg_body(dst_hbm, ones_hbm, zeros_hbm, out_hbm,
                 ones_v, didx0, didx1, acc_sh, semi0, semi1, sems0, sems1):
    c = lax.axis_index("c")
    s = lax.axis_index("s")
    w = _worker_id()
    pltpu.sync_copy(ones_hbm, ones_v)
    pltpu.sync_copy(zeros_hbm, acc_sh.at[pl.ds(s * RPT, RPT)])
    plsc.subcore_barrier()
    _edge_sweep(w, dst_hbm, dst_hbm, None, acc_sh,
                [didx0, didx1], [didx0, didx1], [ones_v],
                [semi0, semi1], None, [sems0, sems1], EBD, NBD)
    plsc.subcore_barrier()
    pltpu.sync_copy(acc_sh.at[pl.ds(s * RPT, RPT)],
                    out_hbm.at[pl.ds(c * N_PAD + s * RPT, RPT)])


def _deg_call(dst):
    ones = jnp.ones((EBD,), jnp.float32)
    zeros = jnp.zeros((RPT,), jnp.float32)
    return pl.kernel(
        _sc_deg_body,
        out_type=jax.ShapeDtypeStruct((NC * N_PAD,), jnp.float32),
        mesh=_sc_mesh(),
        compiler_params=pltpu.CompilerParams(use_tc_tiling_on_sc=False),
        scratch_types=[
            pltpu.VMEM((EBD,), jnp.float32),
            pltpu.VMEM((EBD,), jnp.int32),
            pltpu.VMEM((EBD,), jnp.int32),
            pltpu.VMEM_SHARED((N_PAD,), jnp.float32),
            pltpu.SemaphoreType.DMA,
            pltpu.SemaphoreType.DMA,
            pltpu.SemaphoreType.DMA,
            pltpu.SemaphoreType.DMA,
        ],
    )(dst, ones, zeros)


def _sc_seg4_body(src_hbm, dst_hbm, g1_hbm, zeros_hbm, out_hbm,
                  sidx0, sidx1, didx0, didx1, rows0, rows1, acc_sh,
                  semi0, semi1, semg0, semg1, sems0, sems1):
    c = lax.axis_index("c")
    s = lax.axis_index("s")
    w = _worker_id()
    pltpu.sync_copy(zeros_hbm, acc_sh.at[pl.ds(s * RPT, RPT)])
    plsc.subcore_barrier()
    _edge_sweep(w, src_hbm, dst_hbm, g1_hbm, acc_sh,
                [sidx0, sidx1], [didx0, didx1], [rows0, rows1],
                [semi0, semi1], [semg0, semg1], [sems0, sems1], EB4, NB4)
    plsc.subcore_barrier()
    pltpu.sync_copy(acc_sh.at[pl.ds(s * RPT, RPT)],
                    out_hbm.at[pl.ds(s * RPT, RPT), pl.ds(8 * c, 8)])


def _seg4_call(src, dst, g1):
    zeros = jnp.zeros((RPT, 8), jnp.float32)
    return pl.kernel(
        _sc_seg4_body,
        out_type=jax.ShapeDtypeStruct((N_PAD, 16), jnp.float32),
        mesh=_sc_mesh(),
        compiler_params=pltpu.CompilerParams(use_tc_tiling_on_sc=False),
        scratch_types=[
            pltpu.VMEM((EB4,), jnp.int32),
            pltpu.VMEM((EB4,), jnp.int32),
            pltpu.VMEM((EB4,), jnp.int32),
            pltpu.VMEM((EB4,), jnp.int32),
            pltpu.VMEM((EB4, 8), jnp.float32),
            pltpu.VMEM((EB4, 8), jnp.float32),
            pltpu.VMEM_SHARED((N_PAD, 8), jnp.float32),
            pltpu.SemaphoreType.DMA,
            pltpu.SemaphoreType.DMA,
            pltpu.SemaphoreType.DMA,
            pltpu.SemaphoreType.DMA,
            pltpu.SemaphoreType.DMA,
            pltpu.SemaphoreType.DMA,
        ],
    )(src, dst, g1, zeros)


def _sc_seg16_body(src_hbm, dst_hbm, g0_hbm, g1_hbm, g2_hbm, g3_hbm,
                   zeros_hbm, out_hbm,
                   sidx0, sidx1, didx0, didx1, rows0, rows1, acc_sh,
                   semi0, semi1, semg0, semg1, sems0, sems1):
    c = lax.axis_index("c")
    s = lax.axis_index("s")
    w = _worker_id()
    tables = [g0_hbm, g1_hbm, g2_hbm, g3_hbm]
    for chunk in range(NCH):
        pltpu.sync_copy(zeros_hbm, acc_sh.at[pl.ds(s * RPT, RPT)])
        plsc.subcore_barrier()
        _edge_sweep(w, src_hbm, dst_hbm, tables[chunk], acc_sh,
                    [sidx0, sidx1], [didx0, didx1], [rows0, rows1],
                    [semi0, semi1], [semg0, semg1], [sems0, sems1], EB2, NB2)
        plsc.subcore_barrier()
        base = c * N_PAD + s * RPT
        pltpu.sync_copy(acc_sh.at[pl.ds(s * RPT, RPT)],
                        out_hbm.at[pl.ds(base, RPT), pl.ds(CH * chunk, CH)])
        plsc.subcore_barrier()


def _seg16_call(src, dst, g2s):
    zeros = jnp.zeros((RPT, CH), jnp.float32)
    return pl.kernel(
        _sc_seg16_body,
        out_type=jax.ShapeDtypeStruct((NC * N_PAD, 64), jnp.float32),
        mesh=_sc_mesh(),
        compiler_params=pltpu.CompilerParams(use_tc_tiling_on_sc=False),
        scratch_types=[
            pltpu.VMEM((EB2,), jnp.int32),
            pltpu.VMEM((EB2,), jnp.int32),
            pltpu.VMEM((EB2,), jnp.int32),
            pltpu.VMEM((EB2,), jnp.int32),
            pltpu.VMEM((EB2, CH), jnp.float32),
            pltpu.VMEM((EB2, CH), jnp.float32),
            pltpu.VMEM_SHARED((N_PAD, CH), jnp.float32),
            pltpu.SemaphoreType.DMA,
            pltpu.SemaphoreType.DMA,
            pltpu.SemaphoreType.DMA,
            pltpu.SemaphoreType.DMA,
            pltpu.SemaphoreType.DMA,
            pltpu.SemaphoreType.DMA,
        ],
    )(src, dst, *g2s, zeros)


def _tc_prep_body(degp_ref, x_ref, dis_ref, g1_ref):
    deg = degp_ref[0] + degp_ref[1] + 1.0
    dis = lax.rsqrt(jnp.maximum(deg, 1.0))
    dis_ref[...] = dis
    g1 = dis * x_ref[...]
    g1_ref[...] = jnp.concatenate([g1, jnp.zeros_like(g1)], axis=1)


def _prep_call(degp, x_pad):
    return pl.pallas_call(
        _tc_prep_body,
        grid=(NTB,),
        in_specs=[
            pl.BlockSpec((NC, RB, 1), lambda i: (0, i, 0)),
            pl.BlockSpec((RB, 4), lambda i: (i, 0)),
        ],
        out_specs=[
            pl.BlockSpec((RB, 1), lambda i: (i, 0)),
            pl.BlockSpec((RB, 8), lambda i: (i, 0)),
        ],
        out_shape=[
            jax.ShapeDtypeStruct((N_PAD, 1), jnp.float32),
            jax.ShapeDtypeStruct((N_PAD, 8), jnp.float32),
        ],
    )(degp, x_pad)


def _tc_l1_body(seg_ref, g1_ref, dis_ref, w1_ref, b1_ref, *out_refs):
    dis = dis_ref[...]
    agg = dis * (seg_ref[:, 0:4] + seg_ref[:, 8:12] + g1_ref[:, :4])
    h1 = jnp.dot(agg, w1_ref[...], preferred_element_type=jnp.float32,
                 precision=lax.Precision.HIGHEST)
    h1 = jnp.maximum(h1 + b1_ref[...], 0.0)
    g2 = dis * h1
    for chunk in range(NCH):
        out_refs[chunk][...] = g2[:, chunk * CH:(chunk + 1) * CH]
    out_refs[NCH][...] = dis * g2


def _l1_call(seg1, g1, dis, W1, b1):
    return pl.pallas_call(
        _tc_l1_body,
        grid=(NTB,),
        in_specs=[
            pl.BlockSpec((RB, 16), lambda i: (i, 0)),
            pl.BlockSpec((RB, 8), lambda i: (i, 0)),
            pl.BlockSpec((RB, 1), lambda i: (i, 0)),
            pl.BlockSpec((4, 64), lambda i: (0, 0)),
            pl.BlockSpec((1, 64), lambda i: (0, 0)),
        ],
        out_specs=[pl.BlockSpec((RB, CH), lambda i: (i, 0))
                   for _ in range(NCH)] + [pl.BlockSpec((RB, 64), lambda i: (i, 0))],
        out_shape=[jax.ShapeDtypeStruct((N_PAD, CH), jnp.float32)
                   for _ in range(NCH)] + [jax.ShapeDtypeStruct((N_PAD, 64), jnp.float32)],
    )(seg1, g1, dis, W1, b1)


def _tc_l2_body(seg_ref, z_ref, dis_ref,
                w2_ref, b2_ref, wfc_ref, bfc_ref, out_ref):
    dis = dis_ref[...]
    agg = dis * (seg_ref[0] + seg_ref[1]) + z_ref[...]
    h2 = jnp.dot(agg, w2_ref[...], preferred_element_type=jnp.float32,
                 precision=lax.Precision.HIGHEST)
    h2 = jnp.maximum(h2 + b2_ref[...], 0.0)
    out = jnp.dot(h2, wfc_ref[...], preferred_element_type=jnp.float32,
                 precision=lax.Precision.HIGHEST)
    out_ref[...] = out + bfc_ref[...]


def _l2_call(seg2, z, dis, W2, b2, Wfc, bfc):
    return pl.pallas_call(
        _tc_l2_body,
        grid=(NTB,),
        in_specs=[
            pl.BlockSpec((NC, RB, 64), lambda i: (0, i, 0)),
            pl.BlockSpec((RB, 64), lambda i: (i, 0)),
            pl.BlockSpec((RB, 1), lambda i: (i, 0)),
            pl.BlockSpec((64, 64), lambda i: (0, 0)),
            pl.BlockSpec((1, 64), lambda i: (0, 0)),
            pl.BlockSpec((64, 2), lambda i: (0, 0)),
            pl.BlockSpec((1, 2), lambda i: (0, 0)),
        ],
        out_specs=pl.BlockSpec((RB, 2), lambda i: (i, 0)),
        out_shape=jax.ShapeDtypeStruct((N_PAD, 2), jnp.float32),
    )(seg2, z, dis, W2, b2, Wfc, bfc)


def kernel(x, edge_index, W1, b1, W2, b2, Wfc, bfc):
    src = edge_index[0]
    dst = edge_index[1]
    x_pad = jnp.pad(x, ((0, N_PAD - N_NODES), (0, 0)))

    degp = _deg_call(dst).reshape(NC, N_PAD, 1)
    dis, g1 = _prep_call(degp, x_pad)
    seg1 = _seg4_call(src, dst, g1)
    *g2s, z = _l1_call(seg1, g1, dis, W1, b1.reshape(1, 64))
    seg2 = _seg16_call(src, dst, g2s).reshape(NC, N_PAD, 64)
    out = _l2_call(seg2, z, dis, W2, b2.reshape(1, 64),
                   Wfc, bfc.reshape(1, 2))
    return out[:N_NODES]

# --- scband reference (transcript-rebuilt; emitter-appended) ---
"""Pipeline reference for scband-gcnscore-matching-denoising-model-13116830122442 (READ-ONLY COPY).

The authoritative reference and input builder live on the scoring server;
editing this copy changes nothing except your own understanding.
"""

import jax, jax.numpy as jnp
import numpy as np

N = 100000
E = 1600000
IN_DIM = 4
HID = 64
OUT = 2


def gcn_layer(x, src, dst, deg_inv_sqrt, W, b):
    # PyG GCNConv: h = x @ W; propagate with symmetric norm; add bias after aggregation
    h = x @ W
    norm = deg_inv_sqrt[src] * deg_inv_sqrt[dst]
    msg = jnp.take(h, src, axis=0) * norm[:, None]
    out = jnp.zeros((N, h.shape[1]), dtype=h.dtype).at[dst].add(msg)
    return out + b


def setup_inputs(seed: int = 0) -> dict:
    key = jax.random.key(seed)
    ks = jax.random.split(key, 8)
    x = jax.random.normal(ks[0], (N, IN_DIM), dtype=jnp.float32)
    edge_index = jax.random.randint(ks[1], (2, E), 0, N, dtype=jnp.int32)
    # parameters (glorot-ish init)
    W1 = jax.random.normal(ks[2], (IN_DIM, HID), dtype=jnp.float32) * (1.0 / np.sqrt(IN_DIM))
    b1 = jnp.zeros((HID,), dtype=jnp.float32)
    W2 = jax.random.normal(ks[3], (HID, HID), dtype=jnp.float32) * (1.0 / np.sqrt(HID))
    b2 = jnp.zeros((HID,), dtype=jnp.float32)
    Wfc = jax.random.normal(ks[4], (HID, OUT), dtype=jnp.float32) * (1.0 / np.sqrt(HID))
    bfc = jnp.zeros((OUT,), dtype=jnp.float32)
    return {"x": x, "edge_index": edge_index, "W1": W1, "b1": b1, "W2": W2, "b2": b2, "Wfc": Wfc, "bfc": bfc}


def reference(x, edge_index, W1, b1, W2, b2, Wfc, bfc):
    # add self-loops (GCNConv default add_self_loops=True)
    loop = jnp.arange(N, dtype=edge_index.dtype)
    src = jnp.concatenate([edge_index[0], loop])
    dst = jnp.concatenate([edge_index[1], loop])
    deg = jnp.zeros((N,), dtype=jnp.float32).at[dst].add(1.0)
    deg_inv_sqrt = jax.lax.rsqrt(jnp.maximum(deg, 1.0))
    h = jax.nn.relu(gcn_layer(x, src, dst, deg_inv_sqrt, W1, b1))
    h = jax.nn.relu(gcn_layer(h, src, dst, deg_inv_sqrt, W2, b2))
    return h @ Wfc + bfc

if __name__ == "__main__":
    import jax
    _d = setup_inputs()
    print(jax.jit(kernel)(*tuple(_d.values())))

</pallas_src>

<mosaic_0001>
#map = affine_map<(d0, d1) -> (0)>
#map1 = affine_map<(d0, d1) -> (0, 0)>
module attributes {stable_mosaic.version = 14 : i64} {
  func.func @_sc_seg16_body(%arg0: i32, %arg1: i32, %arg2: memref<1600000xi32, #tpu.memory_space<hbm>>, %arg3: memref<1600000xi32, #tpu.memory_space<hbm>>, %arg4: memref<102400x16xf32, #tpu.memory_space<hbm>>, %arg5: memref<102400x16xf32, #tpu.memory_space<hbm>>, %arg6: memref<102400x16xf32, #tpu.memory_space<hbm>>, %arg7: memref<102400x16xf32, #tpu.memory_space<hbm>>, %arg8: memref<6400x16xf32, #tpu.memory_space<hbm>>, %arg9: memref<204800x64xf32, #tpu.memory_space<hbm>>, %arg10: memref<400xi32, #tpu.memory_space<vmem>>, %arg11: memref<400xi32, #tpu.memory_space<vmem>>, %arg12: memref<400xi32, #tpu.memory_space<vmem>>, %arg13: memref<400xi32, #tpu.memory_space<vmem>>, %arg14: memref<400x16xf32, #tpu.memory_space<vmem>>, %arg15: memref<400x16xf32, #tpu.memory_space<vmem>>, %arg16: memref<102400x16xf32, #tpu.memory_space<vmem_shared>>, %arg17: memref<!tpu.dma_semaphore, #tpu.memory_space<semaphore_mem>>, %arg18: memref<!tpu.dma_semaphore, #tpu.memory_space<semaphore_mem>>, %arg19: memref<!tpu.dma_semaphore, #tpu.memory_space<semaphore_mem>>, %arg20: memref<!tpu.dma_semaphore, #tpu.memory_space<semaphore_mem>>, %arg21: memref<!tpu.dma_semaphore, #tpu.memory_space<semaphore_mem>>, %arg22: memref<!tpu.dma_semaphore, #tpu.memory_space<semaphore_mem>>) attributes {dimension_semantics = [#tpu.dimension_semantics<core_parallel>, #tpu.dimension_semantics<subcore_parallel>], iteration_bounds = array<i64: 2, 16>, scalar_prefetch = 0 : i64, scratch_operands = 13 : i64, tpu.core_type = #tpu.core_type<sc_vector_subcore>, window_params = [{transform_indices = #map}, {transform_indices = #map}, {transform_indices = #map1}, {transform_indices = #map1}, {transform_indices = #map1}, {transform_indices = #map1}, {transform_indices = #map1}, {transform_indices = #map1}]} {
    %mul3A = arith.constant 2 : i32
    %mul3A_0 = arith.muli %arg1, %mul3A : i32
    %add3A = arith.addi %mul3A_0, %arg0 : i32
    %mul3A_1 = arith.constant 6400 : i32
    %mul3A_2 = arith.muli %arg1, %mul3A_1 : i32
    "tpu.region"() ({
      %run_scoped3A = tpu.sem_alloc : memref<!tpu.dma_semaphore, #tpu.memory_space<semaphore_mem>>
      %dma_start3A_193 = arith.constant 0 : i32
      %dma_start3A_194 = tpu.memref_slice %arg16[%mul3A_2, %dma_start3A_193] : memref<102400x16xf32, #tpu.memory_space<vmem_shared>> -> memref<6400x16xf32, #tpu.memory_space<vmem_shared>>
      tpu.enqueue_dma source(%arg8 : memref<6400x16xf32, #tpu.memory_space<hbm>>) target(%dma_start3A_194 : memref<6400x16xf32, #tpu.memory_space<vmem_shared>>) target_semaphore(%run_scoped3A : memref<!tpu.dma_semaphore, #tpu.memory_space<semaphore_mem>>)
      %dma_wait3A_195 = arith.constant 0 : i32
      %dma_wait3A_196 = tpu.memref_slice %arg16[%mul3A_2, %dma_wait3A_195] : memref<102400x16xf32, #tpu.memory_space<vmem_shared>> -> memref<6400x16xf32, #tpu.memory_space<vmem_shared>>
      tpu.wait_dma2 semaphore(%run_scoped3A : memref<!tpu.dma_semaphore, #tpu.memory_space<semaphore_mem>>) src(%arg8 : memref<6400x16xf32, #tpu.memory_space<hbm>>) dst(%dma_wait3A_196 : memref<6400x16xf32, #tpu.memory_space<vmem_shared>>)
      tpu.yield
    }) : () -> ()
    %barrier3A = arith.constant 0 : index
    tpu.barrier barrier_id(%barrier3A)
    %add3A_3 = arith.constant 0 : i32
    %add3A_4 = arith.addi %add3A, %add3A_3 : i32
    %mul3A_5 = arith.constant 400 : i32
    %mul3A_6 = arith.muli %add3A_4, %mul3A_5 : i32
    %dma_start3A = tpu.memref_slice %arg2[%mul3A_6] : memref<1600000xi32, #tpu.memory_space<hbm>> -> memref<400xi32, #tpu.memory_space<hbm>>
    %dma_start3A_7 = tpu.memref_slice %arg2[%mul3A_6] : memref<1600000xi32, #tpu.memory_space<hbm>> -> memref<400xi32, #tpu.memory_space<hbm>>
    tpu.enqueue_dma source(%dma_start3A_7 : memref<400xi32, #tpu.memory_space<hbm>>) target(%arg10 : memref<400xi32, #tpu.memory_space<vmem>>) target_semaphore(%arg17 : memref<!tpu.dma_semaphore, #tpu.memory_space<semaphore_mem>>)
    %dma_start3A_8 = tpu.memref_slice %arg3[%mul3A_6] : memref<1600000xi32, #tpu.memory_space<hbm>> -> memref<400xi32, #tpu.memory_space<hbm>>
    %dma_start3A_9 = tpu.memref_slice %arg3[%mul3A_6] : memref<1600000xi32, #tpu.memory_space<hbm>> -> memref<400xi32, #tpu.memory_space<hbm>>
    tpu.enqueue_dma source(%dma_start3A_9 : memref<400xi32, #tpu.memory_space<hbm>>) target(%arg12 : memref<400xi32, #tpu.memory_space<vmem>>) target_semaphore(%arg17 : memref<!tpu.dma_semaphore, #tpu.memory_space<semaphore_mem>>)
    %scan3A = arith.constant 0 : i32
    %scan3A_10 = arith.constant 0 : i32
    %scan3A_11 = arith.constant 62 : i32
    %scan3A_12 = arith.addi %scan3A_10, %scan3A_11 : i32
    %scan3A_13 = arith.constant 1 : i32
    scf.for %scan3A_193 = %scan3A_10 to %scan3A_12 step %scan3A_13  : i32 {
      %mul3A_194 = arith.constant 2 : i32
      %mul3A_195 = arith.muli %mul3A_194, %scan3A_193 : i32
      %dma_wait3A_196 = arith.constant 0 : i32
      %dma_wait3A_197 = tpu.memref_slice %arg2[%dma_wait3A_196] : memref<1600000xi32, #tpu.memory_space<hbm>> -> memref<400xi32, #tpu.memory_space<hbm>>
      %dma_wait3A_198 = arith.constant 0 : i32
      %dma_wait3A_199 = tpu.memref_slice %arg2[%dma_wait3A_198] : memref<1600000xi32, #tpu.memory_space<hbm>> -> memref<400xi32, #tpu.memory_space<hbm>>
      tpu.wait_dma2 semaphore(%arg17 : memref<!tpu.dma_semaphore, #tpu.memory_space<semaphore_mem>>) src(%dma_wait3A_199 : memref<400xi32, #tpu.memory_space<hbm>>) dst(%arg10 : memref<400xi32, #tpu.memory_space<vmem>>)
      %dma_wait3A_200 = arith.constant 0 : i32
      %dma_wait3A_201 = tpu.memref_slice %arg3[%dma_wait3A_200] : memref<1600000xi32, #tpu.memory_space<hbm>> -> memref<400xi32, #tpu.memory_space<hbm>>
      %dma_wait3A_202 = arith.constant 0 : i32
      %dma_wait3A_203 = tpu.memref_slice %arg3[%dma_wait3A_202] : memref<1600000xi32, #tpu.memory_space<hbm>> -> memref<400xi32, #tpu.memory_space<hbm>>
      tpu.wait_dma2 semaphore(%arg17 : memref<!tpu.dma_semaphore, #tpu.memory_space<semaphore_mem>>) src(%dma_wait3A_203 : memref<400xi32, #tpu.memory_space<hbm>>) dst(%arg12 : memref<400xi32, #tpu.memory_space<vmem>>)
      %dma_start3A_204 = arith.constant 0 : i32
      %dma_start3A_205 = arith.constant 0 : i32
      %dma_start3A_206 = tpu.memref_slice %arg4[%dma_start3A_204, %dma_start3A_205] : memref<102400x16xf32, #tpu.memory_space<hbm>> -> memref<102400x16xf32, #tpu.memory_space<hbm>>
      tpu.enqueue_indirect_dma source(%dma_start3A_206 : memref<102400x16xf32, #tpu.memory_space<hbm>>) target(%arg14 : memref<400x16xf32, #tpu.memory_space<vmem>>) offsets(%arg10 : memref<400xi32, #tpu.memory_space<vmem>>) semaphore(%arg19 : memref<!tpu.dma_semaphore, #tpu.memory_space<semaphore_mem>>)
      %gt3A = arith.constant 0 : i32
      %gt3A_207 = arith.cmpi sgt, %mul3A_195, %gt3A : i32
      %convert_element_type3A = arith.extui %gt3A_207 : i1 to i32
      %cond3A = arith.constant 0 : i32
      %cond3A_208 = arith.cmpi ne, %convert_element_type3A, %cond3A : i32
      scf.if %cond3A_208 {
        %dma_wait3A_254 = arith.constant 0 : i32
        %dma_wait3A_255 = arith.constant 0 : i32
        %dma_wait3A_256 = tpu.memref_slice %arg16[%dma_wait3A_254, %dma_wait3A_255] : memref<102400x16xf32, #tpu.memory_space<vmem_shared>> -> memref<102400x16xf32, #tpu.memory_space<vmem_shared>>
        tpu.wait_indirect_dma semaphore(%arg22 : memref<!tpu.dma_semaphore, #tpu.memory_space<semaphore_mem>>) src(%arg15 : memref<400x16xf32, #tpu.memory_space<vmem>>) dst(%dma_wait3A_256 : memref<102400x16xf32, #tpu.memory_space<vmem_shared>>)
      } else {
      }
      %add3A_209 = arith.constant 1 : i32
      %add3A_210 = arith.addi %mul3A_195, %add3A_209 : i32
      %lt3A = arith.constant 125 : i32
      %lt3A_211 = arith.cmpi slt, %add3A_210, %lt3A : i32
      %convert_element_type3A_212 = arith.extui %lt3A_211 : i1 to i32
      %cond3A_213 = arith.constant 0 : i32
      %cond3A_214 = arith.cmpi ne, %convert_element_type3A_212, %cond3A_213 : i32
      scf.if %cond3A_214 {
        %add3A_254 = arith.constant 1 : i32
        %add3A_255 = arith.addi %mul3A_195, %add3A_254 : i32
        %mul3A_256 = arith.constant 32 : i32
        %mul3A_257 = arith.muli %mul3A_256, %add3A_255 : i32
        %add3A_258 = arith.addi %add3A, %mul3A_257 : i32
        %mul3A_259 = arith.constant 400 : i32
        %mul3A_260 = arith.muli %add3A_258, %mul3A_259 : i32
        %dma_start3A_261 = tpu.memref_slice %arg2[%mul3A_260] : memref<1600000xi32, #tpu.memory_space<hbm>> -> memref<400xi32, #tpu.memory_space<hbm>>
        %dma_start3A_262 = tpu.memref_slice %arg2[%mul3A_260] : memref<1600000xi32, #tpu.memory_space<hbm>> -> memref<400xi32, #tpu.memory_space<hbm>>
        tpu.enqueue_dma source(%dma_start3A_262 : memref<400xi32, #tpu.memory_space<hbm>>) target(%arg11 : memref<400xi32, #tpu.memory_space<vmem>>) target_semaphore(%arg18 : memref<!tpu.dma_semaphore, #tpu.memory_space<semaphore_mem>>)
        %dma_start3A_263 = tpu.memref_slice %arg3[%mul3A_260] : memref<1600000xi32, #tpu.memory_space<hbm>> -> memref<400xi32, #tpu.memory_space<hbm>>
        %dma_start3A_264 = tpu.memref_slice %arg3[%mul3A_260] : memref<1600000xi32, #tpu.memory_space<hbm>> -> memref<400xi32, #tpu.memory_space<hbm>>
        tpu.enqueue_dma source(%dma_start3A_264 : memref<400xi32, #tpu.memory_space<hbm>>) target(%arg13 : memref<400xi32, #tpu.memory_space<vmem>>) target_semaphore(%arg18 : memref<!tpu.dma_semaphore, #tpu.memory_space<semaphore_mem>>)
      } else {
      }
      %dma_wait3A_215 = arith.constant 0 : i32
      %dma_wait3A_216 = arith.constant 0 : i32
      %dma_wait3A_217 = tpu.memref_slice %arg4[%dma_wait3A_215, %dma_wait3A_216] : memref<102400x16xf32, #tpu.memory_space<hbm>> -> memref<102400x16xf32, #tpu.memory_space<hbm>>
      tpu.wait_indirect_dma semaphore(%arg19 : memref<!tpu.dma_semaphore, #tpu.memory_space<semaphore_mem>>) src(%dma_wait3A_217 : memref<102400x16xf32, #tpu.memory_space<hbm>>) dst(%arg14 : memref<400x16xf32, #tpu.memory_space<vmem>>)
      %dma_start3A_218 = arith.constant 0 : i32
      %dma_start3A_219 = arith.constant 0 : i32
      %dma_start3A_220 = tpu.memref_slice %arg16[%dma_start3A_218, %dma_start3A_219] : memref<102400x16xf32, #tpu.memory_space<vmem_shared>> -> memref<102400x16xf32, #tpu.memory_space<vmem_shared>>
      tpu.enqueue_indirect_dma source(%arg14 : memref<400x16xf32, #tpu.memory_space<vmem>>) target(%dma_start3A_220 : memref<102400x16xf32, #tpu.memory_space<vmem_shared>>) offsets(%arg12 : memref<400xi32, #tpu.memory_space<vmem>>) semaphore(%arg21 : memref<!tpu.dma_semaphore, #tpu.memory_space<semaphore_mem>>) {add = true}
      %mul3A_221 = arith.constant 2 : i32
      %mul3A_222 = arith.muli %mul3A_221, %scan3A_193 : i32
      %add3A_223 = arith.constant 1 : i32
      %add3A_224 = arith.addi %mul3A_222, %add3A_223 : i32
      %dma_wait3A_225 = arith.constant 0 : i32
      %dma_wait3A_226 = tpu.memref_slice %arg2[%dma_wait3A_225] : memref<1600000xi32, #tpu.memory_space<hbm>> -> memref<400xi32, #tpu.memory_space<hbm>>
      %dma_wait3A_227 = arith.constant 0 : i32
      %dma_wait3A_228 = tpu.memref_slice %arg2[%dma_wait3A_227] : memref<1600000xi32, #tpu.memory_space<hbm>> -> memref<400xi32, #tpu.memory_space<hbm>>
      tpu.wait_dma2 semaphore(%arg18 : memref<!tpu.dma_semaphore, #tpu.memory_space<semaphore_mem>>) src(%dma_wait3A_228 : memref<400xi32, #tpu.memory_space<hbm>>) dst(%arg11 : memref<400xi32, #tpu.memory_space<vmem>>)
      %dma_wait3A_229 = arith.constant 0 : i32
      %dma_wait3A_230 = tpu.memref_slice %arg3[%dma_wait3A_229] : memref<1600000xi32, #tpu.memory_space<hbm>> -> memref<400xi32, #tpu.memory_space<hbm>>
      %dma_wait3A_231 = arith.constant 0 : i32
      %dma_wait3A_232 = tpu.memref_slice %arg3[%dma_wait3A_231] : memref<1600000xi32, #tpu.memory_space<hbm>> -> memref<400xi32, #tpu.memory_space<hbm>>
      tpu.wait_dma2 semaphore(%arg18 : memref<!tpu.dma_semaphore, #tpu.memory_space<semaphore_mem>>) src(%dma_wait3A_232 : memref<400xi32, #tpu.memory_space<hbm>>) dst(%arg13 : memref<400xi32, #tpu.memory_space<vmem>>)
      %dma_start3A_233 = arith.constant 0 : i32
      %dma_start3A_234 = arith.constant 0 : i32
      %dma_start3A_235 = tpu.memref_slice %arg4[%dma_start3A_233, %dma_start3A_234] : memref<102400x16xf32, #tpu.memory_space<hbm>> -> memref<102400x16xf32, #tpu.memory_space<hbm>>
      tpu.enqueue_indirect_dma source(%dma_start3A_235 : memref<102400x16xf32, #tpu.memory_space<hbm>>) target(%arg15 : memref<400x16xf32, #tpu.memory_space<vmem>>) offsets(%arg11 : memref<400xi32, #tpu.memory_space<vmem>>) semaphore(%arg20 : memref<!tpu.dma_semaphore, #tpu.memory_space<semaphore_mem>>)
      %gt3A_236 = arith.constant 0 : i32
      %gt3A_237 = arith.cmpi sgt, %add3A_224, %gt3A_236 : i32
      %convert_element_type3A_238 = arith.extui %gt3A_237 : i1 to i32
      %cond3A_239 = arith.constant 0 : i32
      %cond3A_240 = arith.cmpi ne, %convert_element_type3A_238, %cond3A_239 : i32
      scf.if %cond3A_240 {
        %dma_wait3A_254 = arith.constant 0 : i32
        %dma_wait3A_255 = arith.constant 0 : i32
        %dma_wait3A_256 = tpu.memref_slice %arg16[%dma_wait3A_254, %dma_wait3A_255] : memref<102400x16xf32, #tpu.memory_space<vmem_shared>> -> memref<102400x16xf32, #tpu.memory_space<vmem_shared>>
        tpu.wait_indirect_dma semaphore(%arg21 : memref<!tpu.dma_semaphore, #tpu.memory_space<semaphore_mem>>) src(%arg14 : memref<400x16xf32, #tpu.memory_space<vmem>>) dst(%dma_wait3A_256 : memref<102400x16xf32, #tpu.memory_space<vmem_shared>>)
      } else {
      }
      %add3A_241 = arith.constant 1 : i32
      %add3A_242 = arith.addi %add3A_224, %add3A_241 : i32
      %lt3A_243 = arith.constant 125 : i32
      %lt3A_244 = arith.cmpi slt, %add3A_242, %lt3A_243 : i32
      %convert_element_type3A_245 = arith.extui %lt3A_244 : i1 to i32
      %cond3A_246 = arith.constant 0 : i32
      %cond3A_247 = arith.cmpi ne, %convert_element_type3A_245, %cond3A_246 : i32
      scf.if %cond3A_247 {
        %add3A_254 = arith.constant 1 : i32
        %add3A_255 = arith.addi %add3A_224, %add3A_254 : i32
        %mul3A_256 = arith.constant 32 : i32
        %mul3A_257 = arith.muli %mul3A_256, %add3A_255 : i32
        %add3A_258 = arith.addi %add3A, %mul3A_257 : i32
        %mul3A_259 = arith.constant 400 : i32
        %mul3A_260 = arith.muli %add3A_258, %mul3A_259 : i32
        %dma_start3A_261 = tpu.memref_slice %arg2[%mul3A_260] : memref<1600000xi32, #tpu.memory_space<hbm>> -> memref<400xi32, #tpu.memory_space<hbm>>
        %dma_start3A_262 = tpu.memref_slice %arg2[%mul3A_260] : memref<1600000xi32, #tpu.memory_space<hbm>> -> memref<400xi32, #tpu.memory_space<hbm>>
        tpu.enqueue_dma source(%dma_start3A_262 : memref<400xi32, #tpu.memory_space<hbm>>) target(%arg10 : memref<400xi32, #tpu.memory_space<vmem>>) target_semaphore(%arg17 : memref<!tpu.dma_semaphore, #tpu.memory_space<semaphore_mem>>)
        %dma_start3A_263 = tpu.memref_slice %arg3[%mul3A_260] : memref<1600000xi32, #tpu.memory_space<hbm>> -> memref<400xi32, #tpu.memory_space<hbm>>
        %dma_start3A_264 = tpu.memref_slice %arg3[%mul3A_260] : memref<1600000xi32, #tpu.memory_space<hbm>> -> memref<400xi32, #tpu.memory_space<hbm>>
        tpu.enqueue_dma source(%dma_start3A_264 : memref<400xi32, #tpu.memory_space<hbm>>) target(%arg12 : memref<400xi32, #tpu.memory_space<vmem>>) target_semaphore(%arg17 : memref<!tpu.dma_semaphore, #tpu.memory_space<semaphore_mem>>)
      } else {
      }
      %dma_wait3A_248 = arith.constant 0 : i32
      %dma_wait3A_249 = arith.constant 0 : i32
      %dma_wait3A_250 = tpu.memref_slice %arg4[%dma_wait3A_248, %dma_wait3A_249] : memref<102400x16xf32, #tpu.memory_space<hbm>> -> memref<102400x16xf32, #tpu.memory_space<hbm>>
      tpu.wait_indirect_dma semaphore(%arg20 : memref<!tpu.dma_semaphore, #tpu.memory_space<semaphore_mem>>) src(%dma_wait3A_250 : memref<102400x16xf32, #tpu.memory_space<hbm>>) dst(%arg15 : memref<400x16xf32, #tpu.memory_space<vmem>>)
      %dma_start3A_251 = arith.constant 0 : i32
      %dma_start3A_252 = arith.constant 0 : i32
      %dma_start3A_253 = tpu.memref_slice %arg16[%dma_start3A_251, %dma_start3A_252] : memref<102400x16xf32, #tpu.memory_space<vmem_shared>> -> memref<102400x16xf32, #tpu.memory_space<vmem_shared>>
      tpu.enqueue_indirect_dma source(%arg15 : memref<400x16xf32, #tpu.memory_space<vmem>>) target(%dma_start3A_253 : memref<102400x16xf32, #tpu.memory_space<vmem_shared>>) offsets(%arg13 : memref<400xi32, #tpu.memory_space<vmem>>) semaphore(%arg22 : memref<!tpu.dma_semaphore, #tpu.memory_space<semaphore_mem>>) {add = true}
    }
    %scan3A_14 = arith.constant 62 : i32
    %dma_wait3A = arith.constant 0 : i32
    %dma_wait3A_15 = tpu.memref_slice %arg2[%dma_wait3A] : memref<1600000xi32, #tpu.memory_space<hbm>> -> memref<400xi32, #tpu.memory_space<hbm>>
    %dma_wait3A_16 = arith.constant 0 : i32
    %dma_wait3A_17 = tpu.memref_slice %arg2[%dma_wait3A_16] : memref<1600000xi32, #tpu.memory_space<hbm>> -> memref<400xi32, #tpu.memory_space<hbm>>
    tpu.wait_dma2 semaphore(%arg17 : memref<!tpu.dma_semaphore, #tpu.memory_space<semaphore_mem>>) src(%dma_wait3A_17 : memref<400xi32, #tpu.memory_space<hbm>>) dst(%arg10 : memref<400xi32, #tpu.memory_space<vmem>>)
    %dma_wait3A_18 = arith.constant 0 : i32
    %dma_wait3A_19 = tpu.memref_slice %arg3[%dma_wait3A_18] : memref<1600000xi32, #tpu.memory_space<hbm>> -> memref<400xi32, #tpu.memory_space<hbm>>
    %dma_wait3A_20 = arith.constant 0 : i32
    %dma_wait3A_21 = tpu.memref_slice %arg3[%dma_wait3A_20] : memref<1600000xi32, #tpu.memory_space<hbm>> -> memref<400xi32, #tpu.memory_space<hbm>>
    tpu.wait_dma2 semaphore(%arg17 : memref<!tpu.dma_semaphore, #tpu.memory_space<semaphore_mem>>) src(%dma_wait3A_21 : memref<400xi32, #tpu.memory_space<hbm>>) dst(%arg12 : memref<400xi32, #tpu.memory_space<vmem>>)
    %dma_start3A_22 = arith.constant 0 : i32
    %dma_start3A_23 = arith.constant 0 : i32
    %dma_start3A_24 = tpu.memref_slice %arg4[%dma_start3A_22, %dma_start3A_23] : memref<102400x16xf32, #tpu.memory_space<hbm>> -> memref<102400x16xf32, #tpu.memory_space<hbm>>
    tpu.enqueue_indirect_dma source(%dma_start3A_24 : memref<102400x16xf32, #tpu.memory_space<hbm>>) target(%arg14 : memref<400x16xf32, #tpu.memory_space<vmem>>) offsets(%arg10 : memref<400xi32, #tpu.memory_space<vmem>>) semaphore(%arg19 : memref<!tpu.dma_semaphore, #tpu.memory_space<semaphore_mem>>)
    %dma_wait3A_25 = arith.constant 0 : i32
    %dma_wait3A_26 = arith.constant 0 : i32
    %dma_wait3A_27 = tpu.memref_slice %arg16[%dma_wait3A_25, %dma_wait3A_26] : memref<102400x16xf32, #tpu.memory_space<vmem_shared>> -> memref<102400x16xf32, #tpu.memory_space<vmem_shared>>
    tpu.wait_indirect_dma semaphore(%arg22 : memref<!tpu.dma_semaphore, #tpu.memory_space<semaphore_mem>>) src(%arg15 : memref<400x16xf32, #tpu.memory_space<vmem>>) dst(%dma_wait3A_27 : memref<102400x16xf32, #tpu.memory_space<vmem_shared>>)
    %dma_wait3A_28 = arith.constant 0 : i32
    %dma_wait3A_29 = arith.constant 0 : i32
    %dma_wait3A_30 = tpu.memref_slice %arg4[%dma_wait3A_28, %dma_wait3A_29] : memref<102400x16xf32, #tpu.memory_space<hbm>> -> memref<102400x16xf32, #tpu.memory_space<hbm>>
    tpu.wait_indirect_dma semaphore(%arg19 : memref<!tpu.dma_semaphore, #tpu.memory_space<semaphore_mem>>) src(%dma_wait3A_30 : memref<102400x16xf32, #tpu.memory_space<hbm>>) dst(%arg14 : memref<400x16xf32, #tpu.memory_space<vmem>>)
    %dma_start3A_31 = arith.constant 0 : i32
    %dma_start3A_32 = arith.constant 0 : i32
    %dma_start3A_33 = tpu.memref_slice %arg16[%dma_start3A_31, %dma_start3A_32] : memref<102400x16xf32, #tpu.memory_space<vmem_shared>> -> memref<102400x16xf32, #tpu.memory_space<vmem_shared>>
    tpu.enqueue_indirect_dma source(%arg14 : memref<400x16xf32, #tpu.memory_space<vmem>>) target(%dma_start3A_33 : memref<102400x16xf32, #tpu.memory_space<vmem_shared>>) offsets(%arg12 : memref<400xi32, #tpu.memory_space<vmem>>) semaphore(%arg21 : memref<!tpu.dma_semaphore, #tpu.memory_space<semaphore_mem>>) {add = true}
    %dma_wait3A_34 = arith.constant 0 : i32
    %dma_wait3A_35 = arith.constant 0 : i32
    %dma_wait3A_36 = tpu.memref_slice %arg16[%dma_wait3A_34, %dma_wait3A_35] : memref<102400x16xf32, #tpu.memory_space<vmem_shared>> -> memref<102400x16xf32, #tpu.memory_space<vmem_shared>>
    tpu.wait_indirect_dma semaphore(%arg21 : memref<!tpu.dma_semaphore, #tpu.memory_space<semaphore_mem>>) src(%arg14 : memref<400x16xf32, #tpu.memory_space<vmem>>) dst(%dma_wait3A_36 : memref<102400x16xf32, #tpu.memory_space<vmem_shared>>)
    %barrier3A_37 = arith.constant 0 : index
    tpu.barrier barrier_id(%barrier3A_37)
    %mul3A_38 = arith.constant 102400 : i32
    %mul3A_39 = arith.muli %arg0, %mul3A_38 : i32
    %mul3A_40 = arith.constant 6400 : i32
    %mul3A_41 = arith.muli %arg1, %mul3A_40 : i32
    %add3A_42 = arith.addi %mul3A_39, %mul3A_41 : i32
    %mul3A_43 = arith.constant 6400 : i32
    %mul3A_44 = arith.muli %arg1, %mul3A_43 : i32
    "tpu.region"() ({
      %run_scoped3A = tpu.sem_alloc : memref<!tpu.dma_semaphore, #tpu.memory_space<semaphore_mem>>
      %dma_start3A_193 = arith.constant 0 : i32
      %dma_start3A_194 = tpu.memref_slice %arg9[%add3A_42, %dma_start3A_193] : memref<204800x64xf32, #tpu.memory_space<hbm>> -> memref<6400x16xf32, #tpu.memory_space<hbm>>
      %dma_start3A_195 = arith.constant 0 : i32
      %dma_start3A_196 = tpu.memref_slice %arg16[%mul3A_44, %dma_start3A_195] : memref<102400x16xf32, #tpu.memory_space<vmem_shared>> -> memref<6400x16xf32, #tpu.memory_space<vmem_shared>>
      tpu.enqueue_dma source(%dma_start3A_196 : memref<6400x16xf32, #tpu.memory_space<vmem_shared>>) target(%dma_start3A_194 : memref<6400x16xf32, #tpu.memory_space<hbm>>) target_semaphore(%run_scoped3A : memref<!tpu.dma_semaphore, #tpu.memory_space<semaphore_mem>>)
      %dma_wait3A_197 = arith.constant 0 : i32
      %dma_wait3A_198 = tpu.memref_slice %arg9[%add3A_42, %dma_wait3A_197] : memref<204800x64xf32, #tpu.memory_space<hbm>> -> memref<6400x16xf32, #tpu.memory_space<hbm>>
      %dma_wait3A_199 = arith.constant 0 : i32
      %dma_wait3A_200 = tpu.memref_slice %arg16[%mul3A_44, %dma_wait3A_199] : memref<102400x16xf32, #tpu.memory_space<vmem_shared>> -> memref<6400x16xf32, #tpu.memory_space<vmem_shared>>
      tpu.wait_dma2 semaphore(%run_scoped3A : memref<!tpu.dma_semaphore, #tpu.memory_space<semaphore_mem>>) src(%dma_wait3A_200 : memref<6400x16xf32, #tpu.memory_space<vmem_shared>>) dst(%dma_wait3A_198 : memref<6400x16xf32, #tpu.memory_space<hbm>>)
      tpu.yield
    }) : () -> ()
    %barrier3A_45 = arith.constant 0 : index
    tpu.barrier barrier_id(%barrier3A_45)
    %mul3A_46 = arith.constant 6400 : i32
    %mul3A_47 = arith.muli %arg1, %mul3A_46 : i32
    "tpu.region"() ({
      %run_scoped3A = tpu.sem_alloc : memref<!tpu.dma_semaphore, #tpu.memory_space<semaphore_mem>>
      %dma_start3A_193 = arith.constant 0 : i32
      %dma_start3A_194 = tpu.memref_slice %arg16[%mul3A_47, %dma_start3A_193] : memref<102400x16xf32, #tpu.memory_space<vmem_shared>> -> memref<6400x16xf32, #tpu.memory_space<vmem_shared>>
      tpu.enqueue_dma source(%arg8 : memref<6400x16xf32, #tpu.memory_space<hbm>>) target(%dma_start3A_194 : memref<6400x16xf32, #tpu.memory_space<vmem_shared>>) target_semaphore(%run_scoped3A : memref<!tpu.dma_semaphore, #tpu.memory_space<semaphore_mem>>)
      %dma_wait3A_195 = arith.constant 0 : i32
      %dma_wait3A_196 = tpu.memref_slice %arg16[%mul3A_47, %dma_wait3A_195] : memref<102400x16xf32, #tpu.memory_space<vmem_shared>> -> memref<6400x16xf32, #tpu.memory_space<vmem_shared>>
      tpu.wait_dma2 semaphore(%run_scoped3A : memref<!tpu.dma_semaphore, #tpu.memory_space<semaphore_mem>>) src(%arg8 : memref<6400x16xf32, #tpu.memory_space<hbm>>) dst(%dma_wait3A_196 : memref<6400x16xf32, #tpu.memory_space<vmem_shared>>)
      tpu.yield
    }) : () -> ()
    %barrier3A_48 = arith.constant 0 : index
    tpu.barrier barrier_id(%barrier3A_48)
    %add3A_49 = arith.constant 0 : i32
    %add3A_50 = arith.addi %add3A, %add3A_49 : i32
    %mul3A_51 = arith.constant 400 : i32
    %mul3A_52 = arith.muli %add3A_50, %mul3A_51 : i32
    %dma_start3A_53 = tpu.memref_slice %arg2[%mul3A_52] : memref<1600000xi32, #tpu.memory_space<hbm>> -> memref<400xi32, #tpu.memory_space<hbm>>
    %dma_start3A_54 = tpu.memref_slice %arg2[%mul3A_52] : memref<1600000xi32, #tpu.memory_space<hbm>> -> memref<400xi32, #tpu.memory_space<hbm>>
    tpu.enqueue_dma source(%dma_start3A_54 : memref<400xi32, #tpu.memory_space<hbm>>) target(%arg10 : memref<400xi32, #tpu.memory_space<vmem>>) target_semaphore(%arg17 : memref<!tpu.dma_semaphore, #tpu.memory_space<semaphore_mem>>)
    %dma_start3A_55 = tpu.memref_slice %arg3[%mul3A_52] : memref<1600000xi32, #tpu.memory_space<hbm>> -> memref<400xi32, #tpu.memory_space<hbm>>
    %dma_start3A_56 = tpu.memref_slice %arg3[%mul3A_52] : memref<1600000xi32, #tpu.memory_space<hbm>> -> memref<400xi32, #tpu.memory_space<hbm>>
    tpu.enqueue_dma source(%dma_start3A_56 : memref<400xi32, #tpu.memory_space<hbm>>) target(%arg12 : memref<400xi32, #tpu.memory_space<vmem>>) target_semaphore(%arg17 : memref<!tpu.dma_semaphore, #tpu.memory_space<semaphore_mem>>)
    %scan3A_57 = arith.constant 0 : i32
    %scan3A_58 = arith.constant 0 : i32
    %scan3A_59 = arith.constant 62 : i32
    %scan3A_60 = arith.addi %scan3A_58, %scan3A_59 : i32
    %scan3A_61 = arith.constant 1 : i32
    scf.for %scan3A_193 = %scan3A_58 to %scan3A_60 step %scan3A_61  : i32 {
      %mul3A_194 = arith.constant 2 : i32
      %mul3A_195 = arith.muli %mul3A_194, %scan3A_193 : i32
      %dma_wait3A_196 = arith.constant 0 : i32
      %dma_wait3A_197 = tpu.memref_slice %arg2[%dma_wait3A_196] : memref<1600000xi32, #tpu.memory_space<hbm>> -> memref<400xi32, #tpu.memory_space<hbm>>
      %dma_wait3A_198 = arith.constant 0 : i32
      %dma_wait3A_199 = tpu.memref_slice %arg2[%dma_wait3A_198] : memref<1600000xi32, #tpu.memory_space<hbm>> -> memref<400xi32, #tpu.memory_space<hbm>>
      tpu.wait_dma2 semaphore(%arg17 : memref<!tpu.dma_semaphore, #tpu.memory_space<semaphore_mem>>) src(%dma_wait3A_199 : memref<400xi32, #tpu.memory_space<hbm>>) dst(%arg10 : memref<400xi32, #tpu.memory_space<vmem>>)
      %dma_wait3A_200 = arith.constant 0 : i32
      %dma_wait3A_201 = tpu.memref_slice %arg3[%dma_wait3A_200] : memref<1600000xi32, #tpu.memory_space<hbm>> -> memref<400xi32, #tpu.memory_space<hbm>>
      %dma_wait3A_202 = arith.constant 0 : i32
      %dma_wait3A_203 = tpu.memref_slice %arg3[%dma_wait3A_202] : memref<1600000xi32, #tpu.memory_space<hbm>> -> memref<400xi32, #tpu.memory_space<hbm>>
      tpu.wait_dma2 semaphore(%arg17 : memref<!tpu.dma_semaphore, #tpu.memory_space<semaphore_mem>>) src(%dma_wait3A_203 : memref<400xi32, #tpu.memory_space<hbm>>) dst(%arg12 : memref<400xi32, #tpu.memory_space<vmem>>)
      %dma_start3A_204 = arith.constant 0 : i32
      %dma_start3A_205 = arith.constant 0 : i32
      %dma_start3A_206 = tpu.memref_slice %arg5[%dma_start3A_204, %dma_start3A_205] : memref<102400x16xf32, #tpu.memory_space<hbm>> -> memref<102400x16xf32, #tpu.memory_space<hbm>>
      tpu.enqueue_indirect_dma source(%dma_start3A_206 : memref<102400x16xf32, #tpu.memory_space<hbm>>) target(%arg14 : memref<400x16xf32, #tpu.memory_space<vmem>>) offsets(%arg10 : memref<400xi32, #tpu.memory_space<vmem>>) semaphore(%arg19 : memref<!tpu.dma_semaphore, #tpu.memory_space<semaphore_mem>>)
      %gt3A = arith.constant 0 : i32
      %gt3A_207 = arith.cmpi sgt, %mul3A_195, %gt3A : i32
      %convert_element_type3A = arith.extui %gt3A_207 : i1 to i32
      %cond3A = arith.constant 0 : i32
      %cond3A_208 = arith.cmpi ne, %convert_element_type3A, %cond3A : i32
      scf.if %cond3A_208 {
        %dma_wait3A_254 = arith.constant 0 : i32
        %dma_wait3A_255 = arith.constant 0 : i32
        %dma_wait3A_256 = tpu.memref_slice %arg16[%dma_wait3A_254, %dma_wait3A_255] : memref<102400x16xf32, #tpu.memory_space<vmem_shared>> -> memref<102400x16xf32, #tpu.memory_space<vmem_shared>>
        tpu.wait_indirect_dma semaphore(%arg22 : memref<!tpu.dma_semaphore, #tpu.memory_space<semaphore_mem>>) src(%arg15 : memref<400x16xf32, #tpu.memory_space<vmem>>) dst(%dma_wait3A_256 : memref<102400x16xf32, #tpu.memory_space<vmem_shared>>)
      } else {
      }
      %add3A_209 = arith.constant 1 : i32
      %add3A_210 = arith.addi %mul3A_195, %add3A_209 : i32
      %lt3A = arith.constant 125 : i32
      %lt3A_211 = arith.cmpi slt, %add3A_210, %lt3A : i32
      %convert_element_type3A_212 = arith.extui %lt3A_211 : i1 to i32
      %cond3A_213 = arith.constant 0 : i32
      %cond3A_214 = arith.cmpi ne, %convert_element_type3A_212, %cond3A_213 : i32
      scf.if %cond3A_214 {
        %add3A_254 = arith.constant 1 : i32
        %add3A_255 = arith.addi %mul3A_195, %add3A_254 : i32
        %mul3A_256 = arith.constant 32 : i32
        %mul3A_257 = arith.muli %mul3A_256, %add3A_255 : i32
        %add3A_258 = arith.addi %add3A, %mul3A_257 : i32
        %mul3A_259 = arith.constant 400 : i32
        %mul3A_260 = arith.muli %add3A_258, %mul3A_259 : i32
        %dma_start3A_261 = tpu.memref_slice %arg2[%mul3A_260] : memref<1600000xi32, #tpu.memory_space<hbm>> -> memref<400xi32, #tpu.memory_space<hbm>>
        %dma_start3A_262 = tpu.memref_slice %arg2[%mul3A_260] : memref<1600000xi32, #tpu.memory_space<hbm>> -> memref<400xi32, #tpu.memory_space<hbm>>
        tpu.enqueue_dma source(%dma_start3A_262 : memref<400xi32, #tpu.memory_space<hbm>>) target(%arg11 : memref<400xi32, #tpu.memory_space<vmem>>) target_semaphore(%arg18 : memref<!tpu.dma_semaphore, #tpu.memory_space<semaphore_mem>>)
        %dma_start3A_263 = tpu.memref_slice %arg3[%mul3A_260] : memref<1600000xi32, #tpu.memory_space<hbm>> -> memref<400xi32, #tpu.memory_space<hbm>>
        %dma_start3A_264 = tpu.memref_slice %arg3[%mul3A_260] : memref<1600000xi32, #tpu.memory_space<hbm>> -> memref<400xi32, #tpu.memory_space<hbm>>
        tpu.enqueue_dma source(%dma_start3A_264 : memref<400xi32, #tpu.memory_space<hbm>>) target(%arg13 : memref<400xi32, #tpu.memory_space<vmem>>) target_semaphore(%arg18 : memref<!tpu.dma_semaphore, #tpu.memory_space<semaphore_mem>>)
      } else {
      }
      %dma_wait3A_215 = arith.constant 0 : i32
      %dma_wait3A_216 = arith.constant 0 : i32
      %dma_wait3A_217 = tpu.memref_slice %arg5[%dma_wait3A_215, %dma_wait3A_216] : memref<102400x16xf32, #tpu.memory_space<hbm>> -> memref<102400x16xf32, #tpu.memory_space<hbm>>
      tpu.wait_indirect_dma semaphore(%arg19 : memref<!tpu.dma_semaphore, #tpu.memory_space<semaphore_mem>>) src(%dma_wait3A_217 : memref<102400x16xf32, #tpu.memory_space<hbm>>) dst(%arg14 : memref<400x16xf32, #tpu.memory_space<vmem>>)
      %dma_start3A_218 = arith.constant 0 : i32
      %dma_start3A_219 = arith.constant 0 : i32
      %dma_start3A_220 = tpu.memref_slice %arg16[%dma_start3A_218, %dma_start3A_219] : memref<102400x16xf32, #tpu.memory_space<vmem_shared>> -> memref<102400x16xf32, #tpu.memory_space<vmem_shared>>
      tpu.enqueue_indirect_dma source(%arg14 : memref<400x16xf32, #tpu.memory_space<vmem>>) target(%dma_start3A_220 : memref<102400x16xf32, #tpu.memory_space<vmem_shared>>) offsets(%arg12 : memref<400xi32, #tpu.memory_space<vmem>>) semaphore(%arg21 : memref<!tpu.dma_semaphore, #tpu.memory_space<semaphore_mem>>) {add = true}
      %mul3A_221 = arith.constant 2 : i32
      %mul3A_222 = arith.muli %mul3A_221, %scan3A_193 : i32
      %add3A_223 = arith.constant 1 : i32
      %add3A_224 = arith.addi %mul3A_222, %add3A_223 : i32
      %dma_wait3A_225 = arith.constant 0 : i32
      %dma_wait3A_226 = tpu.memref_slice %arg2[%dma_wait3A_225] : memref<1600000xi32, #tpu.memory_space<hbm>> -> memref<400xi32, #tpu.memory_space<hbm>>
      %dma_wait3A_227 = arith.constant 0 : i32
      %dma_wait3A_228 = tpu.memref_slice %arg2[%dma_wait3A_227] : memref<1600000xi32, #tpu.memory_space<hbm>> -> memref<400xi32, #tpu.memory_space<hbm>>
      tpu.wait_dma2 semaphore(%arg18 : memref<!tpu.dma_semaphore, #tpu.memory_space<semaphore_mem>>) src(%dma_wait3A_228 : memref<400xi32, #tpu.memory_space<hbm>>) dst(%arg11 : memref<400xi32, #tpu.memory_space<vmem>>)
      %dma_wait3A_229 = arith.constant 0 : i32
      %dma_wait3A_230 = tpu.memref_slice %arg3[%dma_wait3A_229] : memref<1600000xi32, #tpu.memory_space<hbm>> -> memref<400xi32, #tpu.memory_space<hbm>>
      %dma_wait3A_231 = arith.constant 0 : i32
      %dma_wait3A_232 = tpu.memref_slice %arg3[%dma_wait3A_231] : memref<1600000xi32, #tpu.memory_space<hbm>> -> memref<400xi32, #tpu.memory_space<hbm>>
      tpu.wait_dma2 semaphore(%arg18 : memref<!tpu.dma_semaphore, #tpu.memory_space<semaphore_mem>>) src(%dma_wait3A_232 : memref<400xi32, #tpu.memory_space<hbm>>) dst(%arg13 : memref<400xi32, #tpu.memory_space<vmem>>)
      %dma_start3A_233 = arith.constant 0 : i32
      %dma_start3A_234 = arith.constant 0 : i32
      %dma_start3A_235 = tpu.memref_slice %arg5[%dma_start3A_233, %dma_start3A_234] : memref<102400x16xf32, #tpu.memory_space<hbm>> -> memref<102400x16xf32, #tpu.memory_space<hbm>>
      tpu.enqueue_indirect_dma source(%dma_start3A_235 : memref<102400x16xf32, #tpu.memory_space<hbm>>) target(%arg15 : memref<400x16xf32, #tpu.memory_space<vmem>>) offsets(%arg11 : memref<400xi32, #tpu.memory_space<vmem>>) semaphore(%arg20 : memref<!tpu.dma_semaphore, #tpu.memory_space<semaphore_mem>>)
      %gt3A_236 = arith.constant 0 : i32
      %gt3A_237 = arith.cmpi sgt, %add3A_224, %gt3A_236 : i32
      %convert_element_type3A_238 = arith.extui %gt3A_237 : i1 to i32
      %cond3A_239 = arith.constant 0 : i32
      %cond3A_240 = arith.cmpi ne, %convert_element_type3A_238, %cond3A_239 : i32
      scf.if %cond3A_240 {
        %dma_wait3A_254 = arith.constant 0 : i32
        %dma_wait3A_255 = arith.constant 0 : i32
        %dma_wait3A_256 = tpu.memref_slice %arg16[%dma_wait3A_254, %dma_wait3A_255] : memref<102400x16xf32, #tpu.memory_space<vmem_shared>> -> memref<102400x16xf32, #tpu.memory_space<vmem_shared>>
        tpu.wait_indirect_dma semaphore(%arg21 : memref<!tpu.dma_semaphore, #tpu.memory_space<semaphore_mem>>) src(%arg14 : memref<400x16xf32, #tpu.memory_space<vmem>>) dst(%dma_wait3A_256 : memref<102400x16xf32, #tpu.memory_space<vmem_shared>>)
      } else {
      }
      %add3A_241 = arith.constant 1 : i32
      %add3A_242 = arith.addi %add3A_224, %add3A_241 : i32
      %lt3A_243 = arith.constant 125 : i32
      %lt3A_244 = arith.cmpi slt, %add3A_242, %lt3A_243 : i32
      %convert_element_type3A_245 = arith.extui %lt3A_244 : i1 to i32
      %cond3A_246 = arith.constant 0 : i32
      %cond3A_247 = arith.cmpi ne, %convert_element_type3A_245, %cond3A_246 : i32
      scf.if %cond3A_247 {
        %add3A_254 = arith.constant 1 : i32
        %add3A_255 = arith.addi %add3A_224, %add3A_254 : i32
        %mul3A_256 = arith.constant 32 : i32
        %mul3A_257 = arith.muli %mul3A_256, %add3A_255 : i32
        %add3A_258 = arith.addi %add3A, %mul3A_257 : i32
        %mul3A_259 = arith.constant 400 : i32
        %mul3A_260 = arith.muli %add3A_258, %mul3A_259 : i32
        %dma_start3A_261 = tpu.memref_slice %arg2[%mul3A_260] : memref<1600000xi32, #tpu.memory_space<hbm>> -> memref<400xi32, #tpu.memory_space<hbm>>
        %dma_start3A_262 = tpu.memref_slice %arg2[%mul3A_260] : memref<1600000xi32, #tpu.memory_space<hbm>> -> memref<400xi32, #tpu.memory_space<hbm>>
        tpu.enqueue_dma source(%dma_start3A_262 : memref<400xi32, #tpu.memory_space<hbm>>) target(%arg10 : memref<400xi32, #tpu.memory_space<vmem>>) target_semaphore(%arg17 : memref<!tpu.dma_semaphore, #tpu.memory_space<semaphore_mem>>)
        %dma_start3A_263 = tpu.memref_slice %arg3[%mul3A_260] : memref<1600000xi32, #tpu.memory_space<hbm>> -> memref<400xi32, #tpu.memory_space<hbm>>
        %dma_start3A_264 = tpu.memref_slice %arg3[%mul3A_260] : memref<1600000xi32, #tpu.memory_space<hbm>> -> memref<400xi32, #tpu.memory_space<hbm>>
        tpu.enqueue_dma source(%dma_start3A_264 : memref<400xi32, #tpu.memory_space<hbm>>) target(%arg12 : memref<400xi32, #tpu.memory_space<vmem>>) target_semaphore(%arg17 : memref<!tpu.dma_semaphore, #tpu.memory_space<semaphore_mem>>)
      } else {
      }
      %dma_wait3A_248 = arith.constant 0 : i32
      %dma_wait3A_249 = arith.constant 0 : i32
      %dma_wait3A_250 = tpu.memref_slice %arg5[%dma_wait3A_248, %dma_wait3A_249] : memref<102400x16xf32, #tpu.memory_space<hbm>> -> memref<102400x16xf32, #tpu.memory_space<hbm>>
      tpu.wait_indirect_dma semaphore(%arg20 : memref<!tpu.dma_semaphore, #tpu.memory_space<semaphore_mem>>) src(%dma_wait3A_250 : memref<102400x16xf32, #tpu.memory_space<hbm>>) dst(%arg15 : memref<400x16xf32, #tpu.memory_space<vmem>>)
      %dma_start3A_251 = arith.constant 0 : i32
      %dma_start3A_252 = arith.constant 0 : i32
      %dma_start3A_253 = tpu.memref_slice %arg16[%dma_start3A_251, %dma_start3A_252] : memref<102400x16xf32, #tpu.memory_space<vmem_shared>> -> memref<102400x16xf32, #tpu.memory_space<vmem_shared>>
      tpu.enqueue_indirect_dma source(%arg15 : memref<400x16xf32, #tpu.memory_space<vmem>>) target(%dma_start3A_253 : memref<102400x16xf32, #tpu.memory_space<vmem_shared>>) offsets(%arg13 : memref<400xi32, #tpu.memory_space<vmem>>) semaphore(%arg22 : memref<!tpu.dma_semaphore, #tpu.memory_space<semaphore_mem>>) {add = true}
    }
    %scan3A_62 = arith.constant 62 : i32
    %dma_wait3A_63 = arith.constant 0 : i32
    %dma_wait3A_64 = tpu.memref_slice %arg2[%dma_wait3A_63] : memref<1600000xi32, #tpu.memory_space<hbm>> -> memref<400xi32, #tpu.memory_space<hbm>>
    %dma_wait3A_65 = arith.constant 0 : i32
    %dma_wait3A_66 = tpu.memref_slice %arg2[%dma_wait3A_65] : memref<1600000xi32, #tpu.memory_space<hbm>> -> memref<400xi32, #tpu.memory_space<hbm>>
    tpu.wait_dma2 semaphore(%arg17 : memref<!tpu.dma_semaphore, #tpu.memory_space<semaphore_mem>>) src(%dma_wait3A_66 : memref<400xi32, #tpu.memory_space<hbm>>) dst(%arg10 : memref<400xi32, #tpu.memory_space<vmem>>)
    %dma_wait3A_67 = arith.constant 0 : i32
    %dma_wait3A_68 = tpu.memref_slice %arg3[%dma_wait3A_67] : memref<1600000xi32, #tpu.memory_space<hbm>> -> memref<400xi32, #tpu.memory_space<hbm>>
    %dma_wait3A_69 = arith.constant 0 : i32
    %dma_wait3A_70 = tpu.memref_slice %arg3[%dma_wait3A_69] : memref<1600000xi32, #tpu.memory_space<hbm>> -> memref<400xi32, #tpu.memory_space<hbm>>
    tpu.wait_dma2 semaphore(%arg17 : memref<!tpu.dma_semaphore, #tpu.memory_space<semaphore_mem>>) src(%dma_wait3A_70 : memref<400xi32, #tpu.memory_space<hbm>>) dst(%arg12 : memref<400xi32, #tpu.memory_space<vmem>>)
    %dma_start3A_71 = arith.constant 0 : i32
    %dma_start3A_72 = arith.constant 0 : i32
    %dma_start3A_73 = tpu.memref_slice %arg5[%dma_start3A_71, %dma_start3A_72] : memref<102400x16xf32, #tpu.memory_space<hbm>> -> memref<102400x16xf32, #tpu.memory_space<hbm>>
    tpu.enqueue_indirect_dma source(%dma_start3A_73 : memref<102400x16xf32, #tpu.memory_space<hbm>>) target(%arg14 : memref<400x16xf32, #tpu.memory_space<vmem>>) offsets(%arg10 : memref<400xi32, #tpu.memory_space<vmem>>) semaphore(%arg19 : memref<!tpu.dma_semaphore, #tpu.memory_space<semaphore_mem>>)
    %dma_wait3A_74 = arith.constant 0 : i32
    %dma_wait3A_75 = arith.constant 0 : i32
    %dma_wait3A_76 = tpu.memref_slice %arg16[%dma_wait3A_74, %dma_wait3A_75] : memref<102400x16xf32, #tpu.memory_space<vmem_shared>> -> memref<102400x16xf32, #tpu.memory_space<vmem_shared>>
    tpu.wait_indirect_dma semaphore(%arg22 : memref<!tpu.dma_semaphore, #tpu.memory_space<semaphore_mem>>) src(%arg15 : memref<400x16xf32, #tpu.memory_space<vmem>>) dst(%dma_wait3A_76 : memref<102400x16xf32, #tpu.memory_space<vmem_shared>>)
    %dma_wait3A_77 = arith.constant 0 : i32
    %dma_wait3A_78 = arith.constant 0 : i32
    %dma_wait3A_79 = tpu.memref_slice %arg5[%dma_wait3A_77, %dma_wait3A_78] : memref<102400x16xf32, #tpu.memory_space<hbm>> -> memref<102400x16xf32, #tpu.memory_space<hbm>>
    tpu.wait_indirect_dma semaphore(%arg19 : memref<!tpu.dma_semaphore, #tpu.memory_space<semaphore_mem>>) src(%dma_wait3A_79 : memref<102400x16xf32, #tpu.memory_space<hbm>>) dst(%arg14 : memref<400x16xf32, #tpu.memory_space<vmem>>)
    %dma_start3A_80 = arith.constant 0 : i32
    %dma_start3A_81 = arith.constant 0 : i32
    %dma_start3A_82 = tpu.memref_slice %arg16[%dma_start3A_80, %dma_start3A_81] : memref<102400x16xf32, #tpu.memory_space<vmem_shared>> -> memref<102400x16xf32, #tpu.memory_space<vmem_shared>>
    tpu.enqueue_indirect_dma source(%arg14 : memref<400x16xf32, #tpu.memory_space<vmem>>) target(%dma_start3A_82 : memref<102400x16xf32, #tpu.memory_space<vmem_shared>>) offsets(%arg12 : memref<400xi32, #tpu.memory_space<vmem>>) semaphore(%arg21 : memref<!tpu.dma_semaphore, #tpu.memory_space<semaphore_mem>>) {add = true}
    %dma_wait3A_83 = arith.constant 0 : i32
    %dma_wait3A_84 = arith.constant 0 : i32
    %dma_wait3A_85 = tpu.memref_slice %arg16[%dma_wait3A_83, %dma_wait3A_84] : memref<102400x16xf32, #tpu.memory_space<vmem_shared>> -> memref<102400x16xf32, #tpu.memory_space<vmem_shared>>
    tpu.wait_indirect_dma semaphore(%arg21 : memref<!tpu.dma_semaphore, #tpu.memory_space<semaphore_mem>>) src(%arg14 : memref<400x16xf32, #tpu.memory_space<vmem>>) dst(%dma_wait3A_85 : memref<102400x16xf32, #tpu.memory_space<vmem_shared>>)
    %barrier3A_86 = arith.constant 0 : index
    tpu.barrier barrier_id(%barrier3A_86)
    %mul3A_87 = arith.constant 102400 : i32
    %mul3A_88 = arith.muli %arg0, %mul3A_87 : i32
    %mul3A_89 = arith.constant 6400 : i32
    %mul3A_90 = arith.muli %arg1, %mul3A_89 : i32
    %add3A_91 = arith.addi %mul3A_88, %mul3A_90 : i32
    %mul3A_92 = arith.constant 6400 : i32
    %mul3A_93 = arith.muli %arg1, %mul3A_92 : i32
    "tpu.region"() ({
      %run_scoped3A = tpu.sem_alloc : memref<!tpu.dma_semaphore, #tpu.memory_space<semaphore_mem>>
      %dma_start3A_193 = arith.constant 16 : i32
      %dma_start3A_194 = tpu.memref_slice %arg9[%add3A_91, %dma_start3A_193] : memref<204800x64xf32, #tpu.memory_space<hbm>> -> memref<6400x16xf32, #tpu.memory_space<hbm>>
      %dma_start3A_195 = arith.constant 0 : i32
      %dma_start3A_196 = tpu.memref_slice %arg16[%mul3A_93, %dma_start3A_195] : memref<102400x16xf32, #tpu.memory_space<vmem_shared>> -> memref<6400x16xf32, #tpu.memory_space<vmem_shared>>
      tpu.enqueue_dma source(%dma_start3A_196 : memref<6400x16xf32, #tpu.memory_space<vmem_shared>>) target(%dma_start3A_194 : memref<6400x16xf32, #tpu.memory_space<hbm>>) target_semaphore(%run_scoped3A : memref<!tpu.dma_semaphore, #tpu.memory_space<semaphore_mem>>)
      %dma_wait3A_197 = arith.constant 16 : i32
      %dma_wait3A_198 = tpu.memref_slice %arg9[%add3A_91, %dma_wait3A_197] : memref<204800x64xf32, #tpu.memory_space<hbm>> -> memref<6400x16xf32, #tpu.memory_space<hbm>>
      %dma_wait3A_199 = arith.constant 0 : i32
      %dma_wait3A_200 = tpu.memref_slice %arg16[%mul3A_93, %dma_wait3A_199] : memref<102400x16xf32, #tpu.memory_space<vmem_shared>> -> memref<6400x16xf32, #tpu.memory_space<vmem_shared>>
      tpu.wait_dma2 semaphore(%run_scoped3A : memref<!tpu.dma_semaphore, #tpu.memory_space<semaphore_mem>>) src(%dma_wait3A_200 : memref<6400x16xf32, #tpu.memory_space<vmem_shared>>) dst(%dma_wait3A_198 : memref<6400x16xf32, #tpu.memory_space<hbm>>)
      tpu.yield
    }) : () -> ()
    %barrier3A_94 = arith.constant 0 : index
    tpu.barrier barrier_id(%barrier3A_94)
    %mul3A_95 = arith.constant 6400 : i32
    %mul3A_96 = arith.muli %arg1, %mul3A_95 : i32
    "tpu.region"() ({
      %run_scoped3A = tpu.sem_alloc : memref<!tpu.dma_semaphore, #tpu.memory_space<semaphore_mem>>
      %dma_start3A_193 = arith.constant 0 : i32
      %dma_start3A_194 = tpu.memref_slice %arg16[%mul3A_96, %dma_start3A_193] : memref<102400x16xf32, #tpu.memory_space<vmem_shared>> -> memref<6400x16xf32, #tpu.memory_space<vmem_shared>>
      tpu.enqueue_dma source(%arg8 : memref<6400x16xf32, #tpu.memory_space<hbm>>) target(%dma_start3A_194 : memref<6400x16xf32, #tpu.memory_space<vmem_shared>>) target_semaphore(%run_scoped3A : memref<!tpu.dma_semaphore, #tpu.memory_space<semaphore_mem>>)
      %dma_wait3A_195 = arith.constant 0 : i32
      %dma_wait3A_196 = tpu.memref_slice %arg16[%mul3A_96, %dma_wait3A_195] : memref<102400x16xf32, #tpu.memory_space<vmem_shared>> -> memref<6400x16xf32, #tpu.memory_space<vmem_shared>>
      tpu.wait_dma2 semaphore(%run_scoped3A : memref<!tpu.dma_semaphore, #tpu.memory_space<semaphore_mem>>) src(%arg8 : memref<6400x16xf32, #tpu.memory_space<hbm>>) dst(%dma_wait3A_196 : memref<6400x16xf32, #tpu.memory_space<vmem_shared>>)
      tpu.yield
    }) : () -> ()
    %barrier3A_97 = arith.constant 0 : index
    tpu.barrier barrier_id(%barrier3A_97)
    %add3A_98 = arith.constant 0 : i32
    %add3A_99 = arith.addi %add3A, %add3A_98 : i32
    %mul3A_100 = arith.constant 400 : i32
    %mul3A_101 = arith.muli %add3A_99, %mul3A_100 : i32
    %dma_start3A_102 = tpu.memref_slice %arg2[%mul3A_101] : memref<1600000xi32, #tpu.memory_space<hbm>> -> memref<400xi32, #tpu.memory_space<hbm>>
    %dma_start3A_103 = tpu.memref_slice %arg2[%mul3A_101] : memref<1600000xi32, #tpu.memory_space<hbm>> -> memref<400xi32, #tpu.memory_space<hbm>>
    tpu.enqueue_dma source(%dma_start3A_103 : memref<400xi32, #tpu.memory_space<hbm>>) target(%arg10 : memref<400xi32, #tpu.memory_space<vmem>>) target_semaphore(%arg17 : memref<!tpu.dma_semaphore, #tpu.memory_space<semaphore_mem>>)
    %dma_start3A_104 = tpu.memref_slice %arg3[%mul3A_101] : memref<1600000xi32, #tpu.memory_space<hbm>> -> memref<400xi32, #tpu.memory_space<hbm>>
    %dma_start3A_105 = tpu.memref_slice %arg3[%mul3A_101] : memref<1600000xi32, #tpu.memory_space<hbm>> -> memref<400xi32, #tpu.memory_space<hbm>>
    tpu.enqueue_dma source(%dma_start3A_105 : memref<400xi32, #tpu.memory_space<hbm>>) target(%arg12 : memref<400xi32, #tpu.memory_space<vmem>>) target_semaphore(%arg17 : memref<!tpu.dma_semaphore, #tpu.memory_space<semaphore_mem>>)
    %scan3A_106 = arith.constant 0 : i32
    %scan3A_107 = arith.constant 0 : i32
    %scan3A_108 = arith.constant 62 : i32
    %scan3A_109 = arith.addi %scan3A_107, %scan3A_108 : i32
    %scan3A_110 = arith.constant 1 : i32
    scf.for %scan3A_193 = %scan3A_107 to %scan3A_109 step %scan3A_110  : i32 {
      %mul3A_194 = arith.constant 2 : i32
      %mul3A_195 = arith.muli %mul3A_194, %scan3A_193 : i32
      %dma_wait3A_196 = arith.constant 0 : i32
      %dma_wait3A_197 = tpu.memref_slice %arg2[%dma_wait3A_196] : memref<1600000xi32, #tpu.memory_space<hbm>> -> memref<400xi32, #tpu.memory_space<hbm>>
      %dma_wait3A_198 = arith.constant 0 : i32
      %dma_wait3A_199 = tpu.memref_slice %arg2[%dma_wait3A_198] : memref<1600000xi32, #tpu.memory_space<hbm>> -> memref<400xi32, #tpu.memory_space<hbm>>
      tpu.wait_dma2 semaphore(%arg17 : memref<!tpu.dma_semaphore, #tpu.memory_space<semaphore_mem>>) src(%dma_wait3A_199 : memref<400xi32, #tpu.memory_space<hbm>>) dst(%arg10 : memref<400xi32, #tpu.memory_space<vmem>>)
      %dma_wait3A_200 = arith.constant 0 : i32
      %dma_wait3A_201 = tpu.memref_slice %arg3[%dma_wait3A_200] : memref<1600000xi32, #tpu.memory_space<hbm>> -> memref<400xi32, #tpu.memory_space<hbm>>
      %dma_wait3A_202 = arith.constant 0 : i32
      %dma_wait3A_203 = tpu.memref_slice %arg3[%dma_wait3A_202] : memref<1600000xi32, #tpu.memory_space<hbm>> -> memref<400xi32, #tpu.memory_space<hbm>>
      tpu.wait_dma2 semaphore(%arg17 : memref<!tpu.dma_semaphore, #tpu.memory_space<semaphore_mem>>) src(%dma_wait3A_203 : memref<400xi32, #tpu.memory_space<hbm>>) dst(%arg12 : memref<400xi32, #tpu.memory_space<vmem>>)
      %dma_start3A_204 = arith.constant 0 : i32
      %dma_start3A_205 = arith.constant 0 : i32
      %dma_start3A_206 = tpu.memref_slice %arg6[%dma_start3A_204, %dma_start3A_205] : memref<102400x16xf32, #tpu.memory_space<hbm>> -> memref<102400x16xf32, #tpu.memory_space<hbm>>
      tpu.enqueue_indirect_dma source(%dma_start3A_206 : memref<102400x16xf32, #tpu.memory_space<hbm>>) target(%arg14 : memref<400x16xf32, #tpu.memory_space<vmem>>) offsets(%arg10 : memref<400xi32, #tpu.memory_space<vmem>>) semaphore(%arg19 : memref<!tpu.dma_semaphore, #tpu.memory_space<semaphore_mem>>)
      %gt3A = arith.constant 0 : i32
      %gt3A_207 = arith.cmpi sgt, %mul3A_195, %gt3A : i32
      %convert_element_type3A = arith.extui %gt3A_207 : i1 to i32
      %cond3A = arith.constant 0 : i32
      %cond3A_208 = arith.cmpi ne, %convert_element_type3A, %cond3A : i32
      scf.if %cond3A_208 {
        %dma_wait3A_254 = arith.constant 0 : i32
        %dma_wait3A_255 = arith.constant 0 : i32
        %dma_wait3A_256 = tpu.memref_slice %arg16[%dma_wait3A_254, %dma_wait3A_255] : memref<102400x16xf32, #tpu.memory_space<vmem_shared>> -> memref<102400x16xf32, #tpu.memory_space<vmem_shared>>
        tpu.wait_indirect_dma semaphore(%arg22 : memref<!tpu.dma_semaphore, #tpu.memory_space<semaphore_mem>>) src(%arg15 : memref<400x16xf32, #tpu.memory_space<vmem>>) dst(%dma_wait3A_256 : memref<102400x16xf32, #tpu.memory_space<vmem_shared>>)
      } else {
      }
      %add3A_209 = arith.constant 1 : i32
      %add3A_210 = arith.addi %mul3A_195, %add3A_209 : i32
      %lt3A = arith.constant 125 : i32
      %lt3A_211 = arith.cmpi slt, %add3A_210, %lt3A : i32
      %convert_element_type3A_212 = arith.extui %lt3A_211 : i1 to i32
      %cond3A_213 = arith.constant 0 : i32
      %cond3A_214 = arith.cmpi ne, %convert_element_type3A_212, %cond3A_213 : i32
      scf.if %cond3A_214 {
        %add3A_254 = arith.constant 1 : i32
        %add3A_255 = arith.addi %mul3A_195, %add3A_254 : i32
        %mul3A_256 = arith.constant 32 : i32
        %mul3A_257 = arith.muli %mul3A_256, %add3A_255 : i32
        %add3A_258 = arith.addi %add3A, %mul3A_257 : i32
        %mul3A_259 = arith.constant 400 : i32
        %mul3A_260 = arith.muli %add3A_258, %mul3A_259 : i32
        %dma_start3A_261 = tpu.memref_slice %arg2[%mul3A_260] : memref<1600000xi32, #tpu.memory_space<hbm>> -> memref<400xi32, #tpu.memory_space<hbm>>
        %dma_start3A_262 = tpu.memref_slice %arg2[%mul3A_260] : memref<1600000xi32, #tpu.memory_space<hbm>> -> memref<400xi32, #tpu.memory_space<hbm>>
        tpu.enqueue_dma source(%dma_start3A_262 : memref<400xi32, #tpu.memory_space<hbm>>) target(%arg11 : memref<400xi32, #tpu.memory_space<vmem>>) target_semaphore(%arg18 : memref<!tpu.dma_semaphore, #tpu.memory_space<semaphore_mem>>)
        %dma_start3A_263 = tpu.memref_slice %arg3[%mul3A_260] : memref<1600000xi32, #tpu.memory_space<hbm>> -> memref<400xi32, #tpu.memory_space<hbm>>
        %dma_start3A_264 = tpu.memref_slice %arg3[%mul3A_260] : memref<1600000xi32, #tpu.memory_space<hbm>> -> memref<400xi32, #tpu.memory_space<hbm>>
        tpu.enqueue_dma source(%dma_start3A_264 : memref<400xi32, #tpu.memory_space<hbm>>) target(%arg13 : memref<400xi32, #tpu.memory_space<vmem>>) target_semaphore(%arg18 : memref<!tpu.dma_semaphore, #tpu.memory_space<semaphore_mem>>)
      } else {
      }
      %dma_wait3A_215 = arith.constant 0 : i32
      %dma_wait3A_216 = arith.constant 0 : i32
      %dma_wait3A_217 = tpu.memref_slice %arg6[%dma_wait3A_215, %dma_wait3A_216] : memref<102400x16xf32, #tpu.memory_space<hbm>> -> memref<102400x16xf32, #tpu.memory_space<hbm>>
      tpu.wait_indirect_dma semaphore(%arg19 : memref<!tpu.dma_semaphore, #tpu.memory_space<semaphore_mem>>) src(%dma_wait3A_217 : memref<102400x16xf32, #tpu.memory_space<hbm>>) dst(%arg14 : memref<400x16xf32, #tpu.memory_space<vmem>>)
      %dma_start3A_218 = arith.constant 0 : i32
      %dma_start3A_219 = arith.constant 0 : i32
      %dma_start3A_220 = tpu.memref_slice %arg16[%dma_start3A_218, %dma_start3A_219] : memref<102400x16xf32, #tpu.memory_space<vmem_shared>> -> memref<102400x16xf32, #tpu.memory_space<vmem_shared>>
      tpu.enqueue_indirect_dma source(%arg14 : memref<400x16xf32, #tpu.memory_space<vmem>>) target(%dma_start3A_220 : memref<102400x16xf32, #tpu.memory_space<vmem_shared>>) offsets(%arg12 : memref<400xi32, #tpu.memory_space<vmem>>) semaphore(%arg21 : memref<!tpu.dma_semaphore, #tpu.memory_space<semaphore_mem>>) {add = true}
      %mul3A_221 = arith.constant 2 : i32
      %mul3A_222 = arith.muli %mul3A_221, %scan3A_193 : i32
      %add3A_223 = arith.constant 1 : i32
      %add3A_224 = arith.addi %mul3A_222, %add3A_223 : i32
      %dma_wait3A_225 = arith.constant 0 : i32
      %dma_wait3A_226 = tpu.memref_slice %arg2[%dma_wait3A_225] : memref<1600000xi32, #tpu.memory_space<hbm>> -> memref<400xi32, #tpu.memory_space<hbm>>
      %dma_wait3A_227 = arith.constant 0 : i32
      %dma_wait3A_228 = tpu.memref_slice %arg2[%dma_wait3A_227] : memref<1600000xi32, #tpu.memory_space<hbm>> -> memref<400xi32, #tpu.memory_space<hbm>>
      tpu.wait_dma2 semaphore(%arg18 : memref<!tpu.dma_semaphore, #tpu.memory_space<semaphore_mem>>) src(%dma_wait3A_228 : memref<400xi32, #tpu.memory_space<hbm>>) dst(%arg11 : memref<400xi32, #tpu.memory_space<vmem>>)
      %dma_wait3A_229 = arith.constant 0 : i32
      %dma_wait3A_230 = tpu.memref_slice %arg3[%dma_wait3A_229] : memref<1600000xi32, #tpu.memory_space<hbm>> -> memref<400xi32, #tpu.memory_space<hbm>>
      %dma_wait3A_231 = arith.constant 0 : i32
      %dma_wait3A_232 = tpu.memref_slice %arg3[%dma_wait3A_231] : memref<1600000xi32, #tpu.memory_space<hbm>> -> memref<400xi32, #tpu.memory_space<hbm>>
      tpu.wait_dma2 semaphore(%arg18 : memref<!tpu.dma_semaphore, #tpu.memory_space<semaphore_mem>>) src(%dma_wait3A_232 : memref<400xi32, #tpu.memory_space<hbm>>) dst(%arg13 : memref<400xi32, #tpu.memory_space<vmem>>)
      %dma_start3A_233 = arith.constant 0 : i32
      %dma_start3A_234 = arith.constant 0 : i32
      %dma_start3A_235 = tpu.memref_slice %arg6[%dma_start3A_233, %dma_start3A_234] : memref<102400x16xf32, #tpu.memory_space<hbm>> -> memref<102400x16xf32, #tpu.memory_space<hbm>>
      tpu.enqueue_indirect_dma source(%dma_start3A_235 : memref<102400x16xf32, #tpu.memory_space<hbm>>) target(%arg15 : memref<400x16xf32, #tpu.memory_space<vmem>>) offsets(%arg11 : memref<400xi32, #tpu.memory_space<vmem>>) semaphore(%arg20 : memref<!tpu.dma_semaphore, #tpu.memory_space<semaphore_mem>>)
      %gt3A_236 = arith.constant 0 : i32
      %gt3A_237 = arith.cmpi sgt, %add3A_224, %gt3A_236 : i32
      %convert_element_type3A_238 = arith.extui %gt3A_237 : i1 to i32
      %cond3A_239 = arith.constant 0 : i32
      %cond3A_240 = arith.cmpi ne, %convert_element_type3A_238, %cond3A_239 : i32
      scf.if %cond3A_240 {
        %dma_wait3A_254 = arith.constant 0 : i32
        %dma_wait3A_255 = arith.constant 0 : i32
        %dma_wait3A_256 = tpu.memref_slice %arg16[%dma_wait3A_254, %dma_wait3A_255] : memref<102400x16xf32, #tpu.memory_space<vmem_shared>> -> memref<102400x16xf32, #tpu.memory_space<vmem_shared>>
        tpu.wait_indirect_dma semaphore(%arg21 : memref<!tpu.dma_semaphore, #tpu.memory_space<semaphore_mem>>) src(%arg14 : memref<400x16xf32, #tpu.memory_space<vmem>>) dst(%dma_wait3A_256 : memref<102400x16xf32, #tpu.memory_space<vmem_shared>>)
      } else {
      }
      %add3A_241 = arith.constant 1 : i32
      %add3A_242 = arith.addi %add3A_224, %add3A_241 : i32
      %lt3A_243 = arith.constant 125 : i32
      %lt3A_244 = arith.cmpi slt, %add3A_242, %lt3A_243 : i32
      %convert_element_type3A_245 = arith.extui %lt3A_244 : i1 to i32
      %cond3A_246 = arith.constant 0 : i32
      %cond3A_247 = arith.cmpi ne, %convert_element_type3A_245, %cond3A_246 : i32
      scf.if %cond3A_247 {
        %add3A_254 = arith.constant 1 : i32
        %add3A_255 = arith.addi %add3A_224, %add3A_254 : i32
        %mul3A_256 = arith.constant 32 : i32
        %mul3A_257 = arith.muli %mul3A_256, %add3A_255 : i32
        %add3A_258 = arith.addi %add3A, %mul3A_257 : i32
        %mul3A_259 = arith.constant 400 : i32
        %mul3A_260 = arith.muli %add3A_258, %mul3A_259 : i32
        %dma_start3A_261 = tpu.memref_slice %arg2[%mul3A_260] : memref<1600000xi32, #tpu.memory_space<hbm>> -> memref<400xi32, #tpu.memory_space<hbm>>
        %dma_start3A_262 = tpu.memref_slice %arg2[%mul3A_260] : memref<1600000xi32, #tpu.memory_space<hbm>> -> memref<400xi32, #tpu.memory_space<hbm>>
        tpu.enqueue_dma source(%dma_start3A_262 : memref<400xi32, #tpu.memory_space<hbm>>) target(%arg10 : memref<400xi32, #tpu.memory_space<vmem>>) target_semaphore(%arg17 : memref<!tpu.dma_semaphore, #tpu.memory_space<semaphore_mem>>)
        %dma_start3A_263 = tpu.memref_slice %arg3[%mul3A_260] : memref<1600000xi32, #tpu.memory_space<hbm>> -> memref<400xi32, #tpu.memory_space<hbm>>
        %dma_start3A_264 = tpu.memref_slice %arg3[%mul3A_260] : memref<1600000xi32, #tpu.memory_space<hbm>> -> memref<400xi32, #tpu.memory_space<hbm>>
        tpu.enqueue_dma source(%dma_start3A_264 : memref<400xi32, #tpu.memory_space<hbm>>) target(%arg12 : memref<400xi32, #tpu.memory_space<vmem>>) target_semaphore(%arg17 : memref<!tpu.dma_semaphore, #tpu.memory_space<semaphore_mem>>)
      } else {
      }
      %dma_wait3A_248 = arith.constant 0 : i32
      %dma_wait3A_249 = arith.constant 0 : i32
      %dma_wait3A_250 = tpu.memref_slice %arg6[%dma_wait3A_248, %dma_wait3A_249] : memref<102400x16xf32, #tpu.memory_space<hbm>> -> memref<102400x16xf32, #tpu.memory_space<hbm>>
      tpu.wait_indirect_dma semaphore(%arg20 : memref<!tpu.dma_semaphore, #tpu.memory_space<semaphore_mem>>) src(%dma_wait3A_250 : memref<102400x16xf32, #tpu.memory_space<hbm>>) dst(%arg15 : memref<400x16xf32, #tpu.memory_space<vmem>>)
      %dma_start3A_251 = arith.constant 0 : i32
      %dma_start3A_252 = arith.constant 0 : i32
      %dma_start3A_253 = tpu.memref_slice %arg16[%dma_start3A_251, %dma_start3A_252] : memref<102400x16xf32, #tpu.memory_space<vmem_shared>> -> memref<102400x16xf32, #tpu.memory_space<vmem_shared>>
      tpu.enqueue_indirect_dma source(%arg15 : memref<400x16xf32, #tpu.memory_space<vmem>>) target(%dma_start3A_253 : memref<102400x16xf32, #tpu.memory_space<vmem_shared>>) offsets(%arg13 : memref<400xi32, #tpu.memory_space<vmem>>) semaphore(%arg22 : memref<!tpu.dma_semaphore, #tpu.memory_space<semaphore_mem>>) {add = true}
    }
    %scan3A_111 = arith.constant 62 : i32
    %dma_wait3A_112 = arith.constant 0 : i32
    %dma_wait3A_113 = tpu.memref_slice %arg2[%dma_wait3A_112] : memref<1600000xi32, #tpu.memory_space<hbm>> -> memref<400xi32, #tpu.memory_space<hbm>>
    %dma_wait3A_114 = arith.constant 0 : i32
    %dma_wait3A_115 = tpu.memref_slice %arg2[%dma_wait3A_114] : memref<1600000xi32, #tpu.memory_space<hbm>> -> memref<400xi32, #tpu.memory_space<hbm>>
    tpu.wait_dma2 semaphore(%arg17 : memref<!tpu.dma_semaphore, #tpu.memory_space<semaphore_mem>>) src(%dma_wait3A_115 : memref<400xi32, #tpu.memory_space<hbm>>) dst(%arg10 : memref<400xi32, #tpu.memory_space<vmem>>)
    %dma_wait3A_116 = arith.constant 0 : i32
    %dma_wait3A_117 = tpu.memref_slice %arg3[%dma_wait3A_116] : memref<1600000xi32, #tpu.memory_space<hbm>> -> memref<400xi32, #tpu.memory_space<hbm>>
    %dma_wait3A_118 = arith.constant 0 : i32
    %dma_wait3A_119 = tpu.memref_slice %arg3[%dma_wait3A_118] : memref<1600000xi32, #tpu.memory_space<hbm>> -> memref<400xi32, #tpu.memory_space<hbm>>
    tpu.wait_dma2 semaphore(%arg17 : memref<!tpu.dma_semaphore, #tpu.memory_space<semaphore_mem>>) src(%dma_wait3A_119 : memref<400xi32, #tpu.memory_space<hbm>>) dst(%arg12 : memref<400xi32, #tpu.memory_space<vmem>>)
    %dma_start3A_120 = arith.constant 0 : i32
    %dma_start3A_121 = arith.constant 0 : i32
    %dma_start3A_122 = tpu.memref_slice %arg6[%dma_start3A_120, %dma_start3A_121] : memref<102400x16xf32, #tpu.memory_space<hbm>> -> memref<102400x16xf32, #tpu.memory_space<hbm>>
    tpu.enqueue_indirect_dma source(%dma_start3A_122 : memref<102400x16xf32, #tpu.memory_space<hbm>>) target(%arg14 : memref<400x16xf32, #tpu.memory_space<vmem>>) offsets(%arg10 : memref<400xi32, #tpu.memory_space<vmem>>) semaphore(%arg19 : memref<!tpu.dma_semaphore, #tpu.memory_space<semaphore_mem>>)
    %dma_wait3A_123 = arith.constant 0 : i32
    %dma_wait3A_124 = arith.constant 0 : i32
    %dma_wait3A_125 = tpu.memref_slice %arg16[%dma_wait3A_123, %dma_wait3A_124] : memref<102400x16xf32, #tpu.memory_space<vmem_shared>> -> memref<102400x16xf32, #tpu.memory_space<vmem_shared>>
    tpu.wait_indirect_dma semaphore(%arg22 : memref<!tpu.dma_semaphore, #tpu.memory_space<semaphore_mem>>) src(%arg15 : memref<400x16xf32, #tpu.memory_space<vmem>>) dst(%dma_wait3A_125 : memref<102400x16xf32, #tpu.memory_space<vmem_shared>>)
    %dma_wait3A_126 = arith.constant 0 : i32
    %dma_wait3A_127 = arith.constant 0 : i32
    %dma_wait3A_128 = tpu.memref_slice %arg6[%dma_wait3A_126, %dma_wait3A_127] : memref<102400x16xf32, #tpu.memory_space<hbm>> -> memref<102400x16xf32, #tpu.memory_space<hbm>>
    tpu.wait_indirect_dma semaphore(%arg19 : memref<!tpu.dma_semaphore, #tpu.memory_space<semaphore_mem>>) src(%dma_wait3A_128 : memref<102400x16xf32, #tpu.memory_space<hbm>>) dst(%arg14 : memref<400x16xf32, #tpu.memory_space<vmem>>)
    %dma_start3A_129 = arith.constant 0 : i32
    %dma_start3A_130 = arith.constant 0 : i32
    %dma_start3A_131 = tpu.memref_slice %arg16[%dma_start3A_129, %dma_start3A_130] : memref<102400x16xf32, #tpu.memory_space<vmem_shared>> -> memref<102400x16xf32, #tpu.memory_space<vmem_shared>>
    tpu.enqueue_indirect_dma source(%arg14 : memref<400x16xf32, #tpu.memory_space<vmem>>) target(%dma_start3A_131 : memref<102400x16xf32, #tpu.memory_space<vmem_shared>>) offsets(%arg12 : memref<400xi32, #tpu.memory_space<vmem>>) semaphore(%arg21 : memref<!tpu.dma_semaphore, #tpu.memory_space<semaphore_mem>>) {add = true}
    %dma_wait3A_132 = arith.constant 0 : i32
    %dma_wait3A_133 = arith.constant 0 : i32
    %dma_wait3A_134 = tpu.memref_slice %arg16[%dma_wait3A_132, %dma_wait3A_133] : memref<102400x16xf32, #tpu.memory_space<vmem_shared>> -> memref<102400x16xf32, #tpu.memory_space<vmem_shared>>
    tpu.wait_indirect_dma semaphore(%arg21 : memref<!tpu.dma_semaphore, #tpu.memory_space<semaphore_mem>>) src(%arg14 : memref<400x16xf32, #tpu.memory_space<vmem>>) dst(%dma_wait3A_134 : memref<102400x16xf32, #tpu.memory_space<vmem_shared>>)
    %barrier3A_135 = arith.constant 0 : index
    tpu.barrier barrier_id(%barrier3A_135)
    %mul3A_136 = arith.constant 102400 : i32
    %mul3A_137 = arith.muli %arg0, %mul3A_136 : i32
    %mul3A_138 = arith.constant 6400 : i32
    %mul3A_139 = arith.muli %arg1, %mul3A_138 : i32
    %add3A_140 = arith.addi %mul3A_137, %mul3A_139 : i32
    %mul3A_141 = arith.constant 6400 : i32
    %mul3A_142 = arith.muli %arg1, %mul3A_141 : i32
    "tpu.region"() ({
      %run_scoped3A = tpu.sem_alloc : memref<!tpu.dma_semaphore, #tpu.memory_space<semaphore_mem>>
      %dma_start3A_193 = arith.constant 32 : i32
      %dma_start3A_194 = tpu.memref_slice %arg9[%add3A_140, %dma_start3A_193] : memref<204800x64xf32, #tpu.memory_space<hbm>> -> memref<6400x16xf32, #tpu.memory_space<hbm>>
      %dma_start3A_195 = arith.constant 0 : i32
      %dma_start3A_196 = tpu.memref_slice %arg16[%mul3A_142, %dma_start3A_195] : memref<102400x16xf32, #tpu.memory_space<vmem_shared>> -> memref<6400x16xf32, #tpu.memory_space<vmem_shared>>
      tpu.enqueue_dma source(%dma_start3A_196 : memref<6400x16xf32, #tpu.memory_space<vmem_shared>>) target(%dma_start3A_194 : memref<6400x16xf32, #tpu.memory_space<hbm>>) target_semaphore(%run_scoped3A : memref<!tpu.dma_semaphore, #tpu.memory_space<semaphore_mem>>)
      %dma_wait3A_197 = arith.constant 32 : i32
      %dma_wait3A_198 = tpu.memref_slice %arg9[%add3A_140, %dma_wait3A_197] : memref<204800x64xf32, #tpu.memory_space<hbm>> -> memref<6400x16xf32, #tpu.memory_space<hbm>>
      %dma_wait3A_199 = arith.constant 0 : i32
      %dma_wait3A_200 = tpu.memref_slice %arg16[%mul3A_142, %dma_wait3A_199] : memref<102400x16xf32, #tpu.memory_space<vmem_shared>> -> memref<6400x16xf32, #tpu.memory_space<vmem_shared>>
      tpu.wait_dma2 semaphore(%run_scoped3A : memref<!tpu.dma_semaphore, #tpu.memory_space<semaphore_mem>>) src(%dma_wait3A_200 : memref<6400x16xf32, #tpu.memory_space<vmem_shared>>) dst(%dma_wait3A_198 : memref<6400x16xf32, #tpu.memory_space<hbm>>)
      tpu.yield
    }) : () -> ()
    %barrier3A_143 = arith.constant 0 : index
    tpu.barrier barrier_id(%barrier3A_143)
    %mul3A_144 = arith.constant 6400 : i32
    %mul3A_145 = arith.muli %arg1, %mul3A_144 : i32
    "tpu.region"() ({
      %run_scoped3A = tpu.sem_alloc : memref<!tpu.dma_semaphore, #tpu.memory_space<semaphore_mem>>
      %dma_start3A_193 = arith.constant 0 : i32
      %dma_start3A_194 = tpu.memref_slice %arg16[%mul3A_145, %dma_start3A_193] : memref<102400x16xf32, #tpu.memory_space<vmem_shared>> -> memref<6400x16xf32, #tpu.memory_space<vmem_shared>>
      tpu.enqueue_dma source(%arg8 : memref<6400x16xf32, #tpu.memory_space<hbm>>) target(%dma_start3A_194 : memref<6400x16xf32, #tpu.memory_space<vmem_shared>>) target_semaphore(%run_scoped3A : memref<!tpu.dma_semaphore, #tpu.memory_space<semaphore_mem>>)
      %dma_wait3A_195 = arith.constant 0 : i32
      %dma_wait3A_196 = tpu.memref_slice %arg16[%mul3A_145, %dma_wait3A_195] : memref<102400x16xf32, #tpu.memory_space<vmem_shared>> -> memref<6400x16xf32, #tpu.memory_space<vmem_shared>>
      tpu.wait_dma2 semaphore(%run_scoped3A : memref<!tpu.dma_semaphore, #tpu.memory_space<semaphore_mem>>) src(%arg8 : memref<6400x16xf32, #tpu.memory_space<hbm>>) dst(%dma_wait3A_196 : memref<6400x16xf32, #tpu.memory_space<vmem_shared>>)
      tpu.yield
    }) : () -> ()
    %barrier3A_146 = arith.constant 0 : index
    tpu.barrier barrier_id(%barrier3A_146)
    %add3A_147 = arith.constant 0 : i32
    %add3A_148 = arith.addi %add3A, %add3A_147 : i32
    %mul3A_149 = arith.constant 400 : i32
    %mul3A_150 = arith.muli %add3A_148, %mul3A_149 : i32
    %dma_start3A_151 = tpu.memref_slice %arg2[%mul3A_150] : memref<1600000xi32, #tpu.memory_space<hbm>> -> memref<400xi32, #tpu.memory_space<hbm>>
    %dma_start3A_152 = tpu.memref_slice %arg2[%mul3A_150] : memref<1600000xi32, #tpu.memory_space<hbm>> -> memref<400xi32, #tpu.memory_space<hbm>>
    tpu.enqueue_dma source(%dma_start3A_152 : memref<400xi32, #tpu.memory_space<hbm>>) target(%arg10 : memref<400xi32, #tpu.memory_space<vmem>>) target_semaphore(%arg17 : memref<!tpu.dma_semaphore, #tpu.memory_space<semaphore_mem>>)
    %dma_start3A_153 = tpu.memref_slice %arg3[%mul3A_150] : memref<1600000xi32, #tpu.memory_space<hbm>> -> memref<400xi32, #tpu.memory_space<hbm>>
    %dma_start3A_154 = tpu.memref_slice %arg3[%mul3A_150] : memref<1600000xi32, #tpu.memory_space<hbm>> -> memref<400xi32, #tpu.memory_space<hbm>>
    tpu.enqueue_dma source(%dma_start3A_154 : memref<400xi32, #tpu.memory_space<hbm>>) target(%arg12 : memref<400xi32, #tpu.memory_space<vmem>>) target_semaphore(%arg17 : memref<!tpu.dma_semaphore, #tpu.memory_space<semaphore_mem>>)
    %scan3A_155 = arith.constant 0 : i32
    %scan3A_156 = arith.constant 0 : i32
    %scan3A_157 = arith.constant 62 : i32
    %scan3A_158 = arith.addi %scan3A_156, %scan3A_157 : i32
    %scan3A_159 = arith.constant 1 : i32
    scf.for %scan3A_193 = %scan3A_156 to %scan3A_158 step %scan3A_159  : i32 {
      %mul3A_194 = arith.constant 2 : i32
      %mul3A_195 = arith.muli %mul3A_194, %scan3A_193 : i32
      %dma_wait3A_196 = arith.constant 0 : i32
      %dma_wait3A_197 = tpu.memref_slice %arg2[%dma_wait3A_196] : memref<1600000xi32, #tpu.memory_space<hbm>> -> memref<400xi32, #tpu.memory_space<hbm>>
      %dma_wait3A_198 = arith.constant 0 : i32
      %dma_wait3A_199 = tpu.memref_slice %arg2[%dma_wait3A_198] : memref<1600000xi32, #tpu.memory_space<hbm>> -> memref<400xi32, #tpu.memory_space<hbm>>
      tpu.wait_dma2 semaphore(%arg17 : memref<!tpu.dma_semaphore, #tpu.memory_space<semaphore_mem>>) src(%dma_wait3A_199 : memref<400xi32, #tpu.memory_space<hbm>>) dst(%arg10 : memref<400xi32, #tpu.memory_space<vmem>>)
      %dma_wait3A_200 = arith.constant 0 : i32
      %dma_wait3A_201 = tpu.memref_slice %arg3[%dma_wait3A_200] : memref<1600000xi32, #tpu.memory_space<hbm>> -> memref<400xi32, #tpu.memory_space<hbm>>
      %dma_wait3A_202 = arith.constant 0 : i32
      %dma_wait3A_203 = tpu.memref_slice %arg3[%dma_wait3A_202] : memref<1600000xi32, #tpu.memory_space<hbm>> -> memref<400xi32, #tpu.memory_space<hbm>>
      tpu.wait_dma2 semaphore(%arg17 : memref<!tpu.dma_semaphore, #tpu.memory_space<semaphore_mem>>) src(%dma_wait3A_203 : memref<400xi32, #tpu.memory_space<hbm>>) dst(%arg12 : memref<400xi32, #tpu.memory_space<vmem>>)
      %dma_start3A_204 = arith.constant 0 : i32
      %dma_start3A_205 = arith.constant 0 : i32
      %dma_start3A_206 = tpu.memref_slice %arg7[%dma_start3A_204, %dma_start3A_205] : memref<102400x16xf32, #tpu.memory_space<hbm>> -> memref<102400x16xf32, #tpu.memory_space<hbm>>
      tpu.enqueue_indirect_dma source(%dma_start3A_206 : memref<102400x16xf32, #tpu.memory_space<hbm>>) target(%arg14 : memref<400x16xf32, #tpu.memory_space<vmem>>) offsets(%arg10 : memref<400xi32, #tpu.memory_space<vmem>>) semaphore(%arg19 : memref<!tpu.dma_semaphore, #tpu.memory_space<semaphore_mem>>)
      %gt3A = arith.constant 0 : i32
      %gt3A_207 = arith.cmpi sgt, %mul3A_195, %gt3A : i32
      %convert_element_type3A = arith.extui %gt3A_207 : i1 to i32
      %cond3A = arith.constant 0 : i32
      %cond3A_208 = arith.cmpi ne, %convert_element_type3A, %cond3A : i32
      scf.if %cond3A_208 {
        %dma_wait3A_254 = arith.constant 0 : i32
        %dma_wait3A_255 = arith.constant 0 : i32
        %dma_wait3A_256 = tpu.memref_slice %arg16[%dma_wait3A_254, %dma_wait3A_255] : memref<102400x16xf32, #tpu.memory_space<vmem_shared>> -> memref<102400x16xf32, #tpu.memory_space<vmem_shared>>
        tpu.wait_indirect_dma semaphore(%arg22 : memref<!tpu.dma_semaphore, #tpu.memory_space<semaphore_mem>>) src(%arg15 : memref<400x16xf32, #tpu.memory_space<vmem>>) dst(%dma_wait3A_256 : memref<102400x16xf32, #tpu.memory_space<vmem_shared>>)
      } else {
      }
      %add3A_209 = arith.constant 1 : i32
      %add3A_210 = arith.addi %mul3A_195, %add3A_209 : i32
      %lt3A = arith.constant 125 : i32
      %lt3A_211 = arith.cmpi slt, %add3A_210, %lt3A : i32
      %convert_element_type3A_212 = arith.extui %lt3A_211 : i1 to i32
      %cond3A_213 = arith.constant 0 : i32
      %cond3A_214 = arith.cmpi ne, %convert_element_type3A_212, %cond3A_213 : i32
      scf.if %cond3A_214 {
        %add3A_254 = arith.constant 1 : i32
        %add3A_255 = arith.addi %mul3A_195, %add3A_254 : i32
        %mul3A_256 = arith.constant 32 : i32
        %mul3A_257 = arith.muli %mul3A_256, %add3A_255 : i32
        %add3A_258 = arith.addi %add3A, %mul3A_257 : i32
        %mul3A_259 = arith.constant 400 : i32
        %mul3A_260 = arith.muli %add3A_258, %mul3A_259 : i32
        %dma_start3A_261 = tpu.memref_slice %arg2[%mul3A_260] : memref<1600000xi32, #tpu.memory_space<hbm>> -> memref<400xi32, #tpu.memory_space<hbm>>
        %dma_start3A_262 = tpu.memref_slice %arg2[%mul3A_260] : memref<1600000xi32, #tpu.memory_space<hbm>> -> memref<400xi32, #tpu.memory_space<hbm>>
        tpu.enqueue_dma source(%dma_start3A_262 : memref<400xi32, #tpu.memory_space<hbm>>) target(%arg11 : memref<400xi32, #tpu.memory_space<vmem>>) target_semaphore(%arg18 : memref<!tpu.dma_semaphore, #tpu.memory_space<semaphore_mem>>)
        %dma_start3A_263 = tpu.memref_slice %arg3[%mul3A_260] : memref<1600000xi32, #tpu.memory_space<hbm>> -> memref<400xi32, #tpu.memory_space<hbm>>
        %dma_start3A_264 = tpu.memref_slice %arg3[%mul3A_260] : memref<1600000xi32, #tpu.memory_space<hbm>> -> memref<400xi32, #tpu.memory_space<hbm>>
        tpu.enqueue_dma source(%dma_start3A_264 : memref<400xi32, #tpu.memory_space<hbm>>) target(%arg13 : memref<400xi32, #tpu.memory_space<vmem>>) target_semaphore(%arg18 : memref<!tpu.dma_semaphore, #tpu.memory_space<semaphore_mem>>)
      } else {
      }
      %dma_wait3A_215 = arith.constant 0 : i32
      %dma_wait3A_216 = arith.constant 0 : i32
      %dma_wait3A_217 = tpu.memref_slice %arg7[%dma_wait3A_215, %dma_wait3A_216] : memref<102400x16xf32, #tpu.memory_space<hbm>> -> memref<102400x16xf32, #tpu.memory_space<hbm>>
      tpu.wait_indirect_dma semaphore(%arg19 : memref<!tpu.dma_semaphore, #tpu.memory_space<semaphore_mem>>) src(%dma_wait3A_217 : memref<102400x16xf32, #tpu.memory_space<hbm>>) dst(%arg14 : memref<400x16xf32, #tpu.memory_space<vmem>>)
      %dma_start3A_218 = arith.constant 0 : i32
      %dma_start3A_219 = arith.constant 0 : i32
      %dma_start3A_220 = tpu.memref_slice %arg16[%dma_start3A_218, %dma_start3A_219] : memref<102400x16xf32, #tpu.memory_space<vmem_shared>> -> memref<102400x16xf32, #tpu.memory_space<vmem_shared>>
      tpu.enqueue_indirect_dma source(%arg14 : memref<400x16xf32, #tpu.memory_space<vmem>>) target(%dma_start3A_220 : memref<102400x16xf32, #tpu.memory_space<vmem_shared>>) offsets(%arg12 : memref<400xi32, #tpu.memory_space<vmem>>) semaphore(%arg21 : memref<!tpu.dma_semaphore, #tpu.memory_space<semaphore_mem>>) {add = true}
      %mul3A_221 = arith.constant 2 : i32
      %mul3A_222 = arith.muli %mul3A_221, %scan3A_193 : i32
      %add3A_223 = arith.constant 1 : i32
      %add3A_224 = arith.addi %mul3A_222, %add3A_223 : i32
      %dma_wait3A_225 = arith.constant 0 : i32
      %dma_wait3A_226 = tpu.memref_slice %arg2[%dma_wait3A_225] : memref<1600000xi32, #tpu.memory_space<hbm>> -> memref<400xi32, #tpu.memory_space<hbm>>
      %dma_wait3A_227 = arith.constant 0 : i32
      %dma_wait3A_228 = tpu.memref_slice %arg2[%dma_wait3A_227] : memref<1600000xi32, #tpu.memory_space<hbm>> -> memref<400xi32, #tpu.memory_space<hbm>>
      tpu.wait_dma2 semaphore(%arg18 : memref<!tpu.dma_semaphore, #tpu.memory_space<semaphore_mem>>) src(%dma_wait3A_228 : memref<400xi32, #tpu.memory_space<hbm>>) dst(%arg11 : memref<400xi32, #tpu.memory_space<vmem>>)
      %dma_wait3A_229 = arith.constant 0 : i32
      %dma_wait3A_230 = tpu.memref_slice %arg3[%dma_wait3A_229] : memref<1600000xi32, #tpu.memory_space<hbm>> -> memref<400xi32, #tpu.memory_space<hbm>>
      %dma_wait3A_231 = arith.constant 0 : i32
      %dma_wait3A_232 = tpu.memref_slice %arg3[%dma_wait3A_231] : memref<1600000xi32, #tpu.memory_space<hbm>> -> memref<400xi32, #tpu.memory_space<hbm>>
      tpu.wait_dma2 semaphore(%arg18 : memref<!tpu.dma_semaphore, #tpu.memory_space<semaphore_mem>>) src(%dma_wait3A_232 : memref<400xi32, #tpu.memory_space<hbm>>) dst(%arg13 : memref<400xi32, #tpu.memory_space<vmem>>)
      %dma_start3A_233 = arith.constant 0 : i32
      %dma_start3A_234 = arith.constant 0 : i32
      %dma_start3A_235 = tpu.memref_slice %arg7[%dma_start3A_233, %dma_start3A_234] : memref<102400x16xf32, #tpu.memory_space<hbm>> -> memref<102400x16xf32, #tpu.memory_space<hbm>>
      tpu.enqueue_indirect_dma source(%dma_start3A_235 : memref<102400x16xf32, #tpu.memory_space<hbm>>) target(%arg15 : memref<400x16xf32, #tpu.memory_space<vmem>>) offsets(%arg11 : memref<400xi32, #tpu.memory_space<vmem>>) semaphore(%arg20 : memref<!tpu.dma_semaphore, #tpu.memory_space<semaphore_mem>>)
      %gt3A_236 = arith.constant 0 : i32
      %gt3A_237 = arith.cmpi sgt, %add3A_224, %gt3A_236 : i32
      %convert_element_type3A_238 = arith.extui %gt3A_237 : i1 to i32
      %cond3A_239 = arith.constant 0 : i32
      %cond3A_240 = arith.cmpi ne, %convert_element_type3A_238, %cond3A_239 : i32
      scf.if %cond3A_240 {
        %dma_wait3A_254 = arith.constant 0 : i32
        %dma_wait3A_255 = arith.constant 0 : i32
        %dma_wait3A_256 = tpu.memref_slice %arg16[%dma_wait3A_254, %dma_wait3A_255] : memref<102400x16xf32, #tpu.memory_space<vmem_shared>> -> memref<102400x16xf32, #tpu.memory_space<vmem_shared>>
        tpu.wait_indirect_dma semaphore(%arg21 : memref<!tpu.dma_semaphore, #tpu.memory_space<semaphore_mem>>) src(%arg14 : memref<400x16xf32, #tpu.memory_space<vmem>>) dst(%dma_wait3A_256 : memref<102400x16xf32, #tpu.memory_space<vmem_shared>>)
      } else {
      }
      %add3A_241 = arith.constant 1 : i32
      %add3A_242 = arith.addi %add3A_224, %add3A_241 : i32
      %lt3A_243 = arith.constant 125 : i32
      %lt3A_244 = arith.cmpi slt, %add3A_242, %lt3A_243 : i32
      %convert_element_type3A_245 = arith.extui %lt3A_244 : i1 to i32
      %cond3A_246 = arith.constant 0 : i32
      %cond3A_247 = arith.cmpi ne, %convert_element_type3A_245, %cond3A_246 : i32
      scf.if %cond3A_247 {
        %add3A_254 = arith.constant 1 : i32
        %add3A_255 = arith.addi %add3A_224, %add3A_254 : i32
        %mul3A_256 = arith.constant 32 : i32
        %mul3A_257 = arith.muli %mul3A_256, %add3A_255 : i32
        %add3A_258 = arith.addi %add3A, %mul3A_257 : i32
        %mul3A_259 = arith.constant 400 : i32
        %mul3A_260 = arith.muli %add3A_258, %mul3A_259 : i32
        %dma_start3A_261 = tpu.memref_slice %arg2[%mul3A_260] : memref<1600000xi32, #tpu.memory_space<hbm>> -> memref<400xi32, #tpu.memory_space<hbm>>
        %dma_start3A_262 = tpu.memref_slice %arg2[%mul3A_260] : memref<1600000xi32, #tpu.memory_space<hbm>> -> memref<400xi32, #tpu.memory_space<hbm>>
        tpu.enqueue_dma source(%dma_start3A_262 : memref<400xi32, #tpu.memory_space<hbm>>) target(%arg10 : memref<400xi32, #tpu.memory_space<vmem>>) target_semaphore(%arg17 : memref<!tpu.dma_semaphore, #tpu.memory_space<semaphore_mem>>)
        %dma_start3A_263 = tpu.memref_slice %arg3[%mul3A_260] : memref<1600000xi32, #tpu.memory_space<hbm>> -> memref<400xi32, #tpu.memory_space<hbm>>
        %dma_start3A_264 = tpu.memref_slice %arg3[%mul3A_260] : memref<1600000xi32, #tpu.memory_space<hbm>> -> memref<400xi32, #tpu.memory_space<hbm>>
        tpu.enqueue_dma source(%dma_start3A_264 : memref<400xi32, #tpu.memory_space<hbm>>) target(%arg12 : memref<400xi32, #tpu.memory_space<vmem>>) target_semaphore(%arg17 : memref<!tpu.dma_semaphore, #tpu.memory_space<semaphore_mem>>)
      } else {
      }
      %dma_wait3A_248 = arith.constant 0 : i32
      %dma_wait3A_249 = arith.constant 0 : i32
      %dma_wait3A_250 = tpu.memref_slice %arg7[%dma_wait3A_248, %dma_wait3A_249] : memref<102400x16xf32, #tpu.memory_space<hbm>> -> memref<102400x16xf32, #tpu.memory_space<hbm>>
      tpu.wait_indirect_dma semaphore(%arg20 : memref<!tpu.dma_semaphore, #tpu.memory_space<semaphore_mem>>) src(%dma_wait3A_250 : memref<102400x16xf32, #tpu.memory_space<hbm>>) dst(%arg15 : memref<400x16xf32, #tpu.memory_space<vmem>>)
      %dma_start3A_251 = arith.constant 0 : i32
      %dma_start3A_252 = arith.constant 0 : i32
      %dma_start3A_253 = tpu.memref_slice %arg16[%dma_start3A_251, %dma_start3A_252] : memref<102400x16xf32, #tpu.memory_space<vmem_shared>> -> memref<102400x16xf32, #tpu.memory_space<vmem_shared>>
      tpu.enqueue_indirect_dma source(%arg15 : memref<400x16xf32, #tpu.memory_space<vmem>>) target(%dma_start3A_253 : memref<102400x16xf32, #tpu.memory_space<vmem_shared>>) offsets(%arg13 : memref<400xi32, #tpu.memory_space<vmem>>) semaphore(%arg22 : memref<!tpu.dma_semaphore, #tpu.memory_space<semaphore_mem>>) {add = true}
    }
    %scan3A_160 = arith.constant 62 : i32
    %dma_wait3A_161 = arith.constant 0 : i32
    %dma_wait3A_162 = tpu.memref_slice %arg2[%dma_wait3A_161] : memref<1600000xi32, #tpu.memory_space<hbm>> -> memref<400xi32, #tpu.memory_space<hbm>>
    %dma_wait3A_163 = arith.constant 0 : i32
    %dma_wait3A_164 = tpu.memref_slice %arg2[%dma_wait3A_163] : memref<1600000xi32, #tpu.memory_space<hbm>> -> memref<400xi32, #tpu.memory_space<hbm>>
    tpu.wait_dma2 semaphore(%arg17 : memref<!tpu.dma_semaphore, #tpu.memory_space<semaphore_mem>>) src(%dma_wait3A_164 : memref<400xi32, #tpu.memory_space<hbm>>) dst(%arg10 : memref<400xi32, #tpu.memory_space<vmem>>)
    %dma_wait3A_165 = arith.constant 0 : i32
    %dma_wait3A_166 = tpu.memref_slice %arg3[%dma_wait3A_165] : memref<1600000xi32, #tpu.memory_space<hbm>> -> memref<400xi32, #tpu.memory_space<hbm>>
    %dma_wait3A_167 = arith.constant 0 : i32
    %dma_wait3A_168 = tpu.memref_slice %arg3[%dma_wait3A_167] : memref<1600000xi32, #tpu.memory_space<hbm>> -> memref<400xi32, #tpu.memory_space<hbm>>
    tpu.wait_dma2 semaphore(%arg17 : memref<!tpu.dma_semaphore, #tpu.memory_space<semaphore_mem>>) src(%dma_wait3A_168 : memref<400xi32, #tpu.memory_space<hbm>>) dst(%arg12 : memref<400xi32, #tpu.memory_space<vmem>>)
    %dma_start3A_169 = arith.constant 0 : i32
    %dma_start3A_170 = arith.constant 0 : i32
    %dma_start3A_171 = tpu.memref_slice %arg7[%dma_start3A_169, %dma_start3A_170] : memref<102400x16xf32, #tpu.memory_space<hbm>> -> memref<102400x16xf32, #tpu.memory_space<hbm>>
    tpu.enqueue_indirect_dma source(%dma_start3A_171 : memref<102400x16xf32, #tpu.memory_space<hbm>>) target(%arg14 : memref<400x16xf32, #tpu.memory_space<vmem>>) offsets(%arg10 : memref<400xi32, #tpu.memory_space<vmem>>) semaphore(%arg19 : memref<!tpu.dma_semaphore, #tpu.memory_space<semaphore_mem>>)
    %dma_wait3A_172 = arith.constant 0 : i32
    %dma_wait3A_173 = arith.constant 0 : i32
    %dma_wait3A_174 = tpu.memref_slice %arg16[%dma_wait3A_172, %dma_wait3A_173] : memref<102400x16xf32, #tpu.memory_space<vmem_shared>> -> memref<102400x16xf32, #tpu.memory_space<vmem_shared>>
    tpu.wait_indirect_dma semaphore(%arg22 : memref<!tpu.dma_semaphore, #tpu.memory_space<semaphore_mem>>) src(%arg15 : memref<400x16xf32, #tpu.memory_space<vmem>>) dst(%dma_wait3A_174 : memref<102400x16xf32, #tpu.memory_space<vmem_shared>>)
    %dma_wait3A_175 = arith.constant 0 : i32
    %dma_wait3A_176 = arith.constant 0 : i32
    %dma_wait3A_177 = tpu.memref_slice %arg7[%dma_wait3A_175, %dma_wait3A_176] : memref<102400x16xf32, #tpu.memory_space<hbm>> -> memref<102400x16xf32, #tpu.memory_space<hbm>>
    tpu.wait_indirect_dma semaphore(%arg19 : memref<!tpu.dma_semaphore, #tpu.memory_space<semaphore_mem>>) src(%dma_wait3A_177 : memref<102400x16xf32, #tpu.memory_space<hbm>>) dst(%arg14 : memref<400x16xf32, #tpu.memory_space<vmem>>)
    %dma_start3A_178 = arith.constant 0 : i32
    %dma_start3A_179 = arith.constant 0 : i32
    %dma_start3A_180 = tpu.memref_slice %arg16[%dma_start3A_178, %dma_start3A_179] : memref<102400x16xf32, #tpu.memory_space<vmem_shared>> -> memref<102400x16xf32, #tpu.memory_space<vmem_shared>>
    tpu.enqueue_indirect_dma source(%arg14 : memref<400x16xf32, #tpu.memory_space<vmem>>) target(%dma_start3A_180 : memref<102400x16xf32, #tpu.memory_space<vmem_shared>>) offsets(%arg12 : memref<400xi32, #tpu.memory_space<vmem>>) semaphore(%arg21 : memref<!tpu.dma_semaphore, #tpu.memory_space<semaphore_mem>>) {add = true}
    %dma_wait3A_181 = arith.constant 0 : i32
    %dma_wait3A_182 = arith.constant 0 : i32
    %dma_wait3A_183 = tpu.memref_slice %arg16[%dma_wait3A_181, %dma_wait3A_182] : memref<102400x16xf32, #tpu.memory_space<vmem_shared>> -> memref<102400x16xf32, #tpu.memory_space<vmem_shared>>
    tpu.wait_indirect_dma semaphore(%arg21 : memref<!tpu.dma_semaphore, #tpu.memory_space<semaphore_mem>>) src(%arg14 : memref<400x16xf32, #tpu.memory_space<vmem>>) dst(%dma_wait3A_183 : memref<102400x16xf32, #tpu.memory_space<vmem_shared>>)
    %barrier3A_184 = arith.constant 0 : index
    tpu.barrier barrier_id(%barrier3A_184)
    %mul3A_185 = arith.constant 102400 : i32
    %mul3A_186 = arith.muli %arg0, %mul3A_185 : i32
    %mul3A_187 = arith.constant 6400 : i32
    %mul3A_188 = arith.muli %arg1, %mul3A_187 : i32
    %add3A_189 = arith.addi %mul3A_186, %mul3A_188 : i32
    %mul3A_190 = arith.constant 6400 : i32
    %mul3A_191 = arith.muli %arg1, %mul3A_190 : i32
    "tpu.region"() ({
      %run_scoped3A = tpu.sem_alloc : memref<!tpu.dma_semaphore, #tpu.memory_space<semaphore_mem>>
      %dma_start3A_193 = arith.constant 48 : i32
      %dma_start3A_194 = tpu.memref_slice %arg9[%add3A_189, %dma_start3A_193] : memref<204800x64xf32, #tpu.memory_space<hbm>> -> memref<6400x16xf32, #tpu.memory_space<hbm>>
      %dma_start3A_195 = arith.constant 0 : i32
      %dma_start3A_196 = tpu.memref_slice %arg16[%mul3A_191, %dma_start3A_195] : memref<102400x16xf32, #tpu.memory_space<vmem_shared>> -> memref<6400x16xf32, #tpu.memory_space<vmem_shared>>
      tpu.enqueue_dma source(%dma_start3A_196 : memref<6400x16xf32, #tpu.memory_space<vmem_shared>>) target(%dma_start3A_194 : memref<6400x16xf32, #tpu.memory_space<hbm>>) target_semaphore(%run_scoped3A : memref<!tpu.dma_semaphore, #tpu.memory_space<semaphore_mem>>)
      %dma_wait3A_197 = arith.constant 48 : i32
      %dma_wait3A_198 = tpu.memref_slice %arg9[%add3A_189, %dma_wait3A_197] : memref<204800x64xf32, #tpu.memory_space<hbm>> -> memref<6400x16xf32, #tpu.memory_space<hbm>>
      %dma_wait3A_199 = arith.constant 0 : i32
      %dma_wait3A_200 = tpu.memref_slice %arg16[%mul3A_191, %dma_wait3A_199] : memref<102400x16xf32, #tpu.memory_space<vmem_shared>> -> memref<6400x16xf32, #tpu.memory_space<vmem_shared>>
      tpu.wait_dma2 semaphore(%run_scoped3A : memref<!tpu.dma_semaphore, #tpu.memory_space<semaphore_mem>>) src(%dma_wait3A_200 : memref<6400x16xf32, #tpu.memory_space<vmem_shared>>) dst(%dma_wait3A_198 : memref<6400x16xf32, #tpu.memory_space<hbm>>)
      tpu.yield
    }) : () -> ()
    %barrier3A_192 = arith.constant 0 : index
    tpu.barrier barrier_id(%barrier3A_192)
    return
  }
}

#map = affine_map<(d0, d1) -> (0)>
module attributes {stable_mosaic.version = 14 : i64} {
  func.func @_sc_deg_body(%arg0: i32, %arg1: i32, %arg2: memref<1600000xi32, #tpu.memory_space<hbm>>, %arg3: memref<5000xf32, #tpu.memory_space<hbm>>, %arg4: memref<6400xf32, #tpu.memory_space<hbm>>, %arg5: memref<204800xf32, #tpu.memory_space<hbm>>, %arg6: memref<5000xf32, #tpu.memory_space<vmem>>, %arg7: memref<5000xi32, #tpu.memory_space<vmem>>, %arg8: memref<5000xi32, #tpu.memory_space<vmem>>, %arg9: memref<102400xf32, #tpu.memory_space<vmem_shared>>, %arg10: memref<!tpu.dma_semaphore, #tpu.memory_space<semaphore_mem>>, %arg11: memref<!tpu.dma_semaphore, #tpu.memory_space<semaphore_mem>>, %arg12: memref<!tpu.dma_semaphore, #tpu.memory_space<semaphore_mem>>, %arg13: memref<!tpu.dma_semaphore, #tpu.memory_space<semaphore_mem>>) attributes {dimension_semantics = [#tpu.dimension_semantics<core_parallel>, #tpu.dimension_semantics<subcore_parallel>], iteration_bounds = array<i64: 2, 16>, scalar_prefetch = 0 : i64, scratch_operands = 8 : i64, tpu.core_type = #tpu.core_type<sc_vector_subcore>, window_params = [{transform_indices = #map}, {transform_indices = #map}, {transform_indices = #map}, {transform_indices = #map}]} {
    %mul3A = arith.constant 2 : i32
    %mul3A_0 = arith.muli %arg1, %mul3A : i32
    %add3A = arith.addi %mul3A_0, %arg0 : i32
    "tpu.region"() ({
      %run_scoped3A = tpu.sem_alloc : memref<!tpu.dma_semaphore, #tpu.memory_space<semaphore_mem>>
      tpu.enqueue_dma source(%arg3 : memref<5000xf32, #tpu.memory_space<hbm>>) target(%arg6 : memref<5000xf32, #tpu.memory_space<vmem>>) target_semaphore(%run_scoped3A : memref<!tpu.dma_semaphore, #tpu.memory_space<semaphore_mem>>)
      tpu.wait_dma2 semaphore(%run_scoped3A : memref<!tpu.dma_semaphore, #tpu.memory_space<semaphore_mem>>) src(%arg3 : memref<5000xf32, #tpu.memory_space<hbm>>) dst(%arg6 : memref<5000xf32, #tpu.memory_space<vmem>>)
      tpu.yield
    }) : () -> ()
    %mul3A_1 = arith.constant 6400 : i32
    %mul3A_2 = arith.muli %arg1, %mul3A_1 : i32
    "tpu.region"() ({
      %run_scoped3A = tpu.sem_alloc : memref<!tpu.dma_semaphore, #tpu.memory_space<semaphore_mem>>
      %dma_start3A_24 = tpu.memref_slice %arg9[%mul3A_2] : memref<102400xf32, #tpu.memory_space<vmem_shared>> -> memref<6400xf32, #tpu.memory_space<vmem_shared>>
      tpu.enqueue_dma source(%arg4 : memref<6400xf32, #tpu.memory_space<hbm>>) target(%dma_start3A_24 : memref<6400xf32, #tpu.memory_space<vmem_shared>>) target_semaphore(%run_scoped3A : memref<!tpu.dma_semaphore, #tpu.memory_space<semaphore_mem>>)
      %dma_wait3A_25 = tpu.memref_slice %arg9[%mul3A_2] : memref<102400xf32, #tpu.memory_space<vmem_shared>> -> memref<6400xf32, #tpu.memory_space<vmem_shared>>
      tpu.wait_dma2 semaphore(%run_scoped3A : memref<!tpu.dma_semaphore, #tpu.memory_space<semaphore_mem>>) src(%arg4 : memref<6400xf32, #tpu.memory_space<hbm>>) dst(%dma_wait3A_25 : memref<6400xf32, #tpu.memory_space<vmem_shared>>)
      tpu.yield
    }) : () -> ()
    %barrier3A = arith.constant 0 : index
    tpu.barrier barrier_id(%barrier3A)
    %add3A_3 = arith.constant 0 : i32
    %add3A_4 = arith.addi %add3A, %add3A_3 : i32
    %mul3A_5 = arith.constant 5000 : i32
    %mul3A_6 = arith.muli %add3A_4, %mul3A_5 : i32
    %dma_start3A = tpu.memref_slice %arg2[%mul3A_6] : memref<1600000xi32, #tpu.memory_space<hbm>> -> memref<5000xi32, #tpu.memory_space<hbm>>
    %dma_start3A_7 = tpu.memref_slice %arg2[%mul3A_6] : memref<1600000xi32, #tpu.memory_space<hbm>> -> memref<5000xi32, #tpu.memory_space<hbm>>
    tpu.enqueue_dma source(%dma_start3A_7 : memref<5000xi32, #tpu.memory_space<hbm>>) target(%arg7 : memref<5000xi32, #tpu.memory_space<vmem>>) target_semaphore(%arg10 : memref<!tpu.dma_semaphore, #tpu.memory_space<semaphore_mem>>)
    %dma_start3A_8 = tpu.memref_slice %arg2[%mul3A_6] : memref<1600000xi32, #tpu.memory_space<hbm>> -> memref<5000xi32, #tpu.memory_space<hbm>>
    %dma_start3A_9 = tpu.memref_slice %arg2[%mul3A_6] : memref<1600000xi32, #tpu.memory_space<hbm>> -> memref<5000xi32, #tpu.memory_space<hbm>>
    tpu.enqueue_dma source(%dma_start3A_9 : memref<5000xi32, #tpu.memory_space<hbm>>) target(%arg7 : memref<5000xi32, #tpu.memory_space<vmem>>) target_semaphore(%arg10 : memref<!tpu.dma_semaphore, #tpu.memory_space<semaphore_mem>>)
    %scan3A = arith.constant 0 : i32
    %scan3A_10 = arith.constant 0 : i32
    %scan3A_11 = arith.constant 5 : i32
    %scan3A_12 = arith.addi %scan3A_10, %scan3A_11 : i32
    %scan3A_13 = arith.constant 1 : i32
    scf.for %scan3A_24 = %scan3A_10 to %scan3A_12 step %scan3A_13  : i32 {
      %mul3A_25 = arith.constant 2 : i32
      %mul3A_26 = arith.muli %mul3A_25, %scan3A_24 : i32
      %dma_wait3A_27 = arith.constant 0 : i32
      %dma_wait3A_28 = tpu.memref_slice %arg2[%dma_wait3A_27] : memref<1600000xi32, #tpu.memory_space<hbm>> -> memref<5000xi32, #tpu.memory_space<hbm>>
      %dma_wait3A_29 = arith.constant 0 : i32
      %dma_wait3A_30 = tpu.memref_slice %arg2[%dma_wait3A_29] : memref<1600000xi32, #tpu.memory_space<hbm>> -> memref<5000xi32, #tpu.memory_space<hbm>>
      tpu.wait_dma2 semaphore(%arg10 : memref<!tpu.dma_semaphore, #tpu.memory_space<semaphore_mem>>) src(%dma_wait3A_30 : memref<5000xi32, #tpu.memory_space<hbm>>) dst(%arg7 : memref<5000xi32, #tpu.memory_space<vmem>>)
      %dma_wait3A_31 = arith.constant 0 : i32
      %dma_wait3A_32 = tpu.memref_slice %arg2[%dma_wait3A_31] : memref<1600000xi32, #tpu.memory_space<hbm>> -> memref<5000xi32, #tpu.memory_space<hbm>>
      %dma_wait3A_33 = arith.constant 0 : i32
      %dma_wait3A_34 = tpu.memref_slice %arg2[%dma_wait3A_33] : memref<1600000xi32, #tpu.memory_space<hbm>> -> memref<5000xi32, #tpu.memory_space<hbm>>
      tpu.wait_dma2 semaphore(%arg10 : memref<!tpu.dma_semaphore, #tpu.memory_space<semaphore_mem>>) src(%dma_wait3A_34 : memref<5000xi32, #tpu.memory_space<hbm>>) dst(%arg7 : memref<5000xi32, #tpu.memory_space<vmem>>)
      %gt3A = arith.constant 0 : i32
      %gt3A_35 = arith.cmpi sgt, %mul3A_26, %gt3A : i32
      %convert_element_type3A = arith.extui %gt3A_35 : i1 to i32
      %cond3A = arith.constant 0 : i32
      %cond3A_36 = arith.cmpi ne, %convert_element_type3A, %cond3A : i32
      scf.if %cond3A_36 {
        %dma_wait3A_71 = arith.constant 0 : i32
        %dma_wait3A_72 = tpu.memref_slice %arg9[%dma_wait3A_71] : memref<102400xf32, #tpu.memory_space<vmem_shared>> -> memref<102400xf32, #tpu.memory_space<vmem_shared>>
        tpu.wait_indirect_dma semaphore(%arg13 : memref<!tpu.dma_semaphore, #tpu.memory_space<semaphore_mem>>) src(%arg6 : memref<5000xf32, #tpu.memory_space<vmem>>) dst(%dma_wait3A_72 : memref<102400xf32, #tpu.memory_space<vmem_shared>>)
      } else {
      }
      %add3A_37 = arith.constant 1 : i32
      %add3A_38 = arith.addi %mul3A_26, %add3A_37 : i32
      %lt3A = arith.constant 10 : i32
      %lt3A_39 = arith.cmpi slt, %add3A_38, %lt3A : i32
      %convert_element_type3A_40 = arith.extui %lt3A_39 : i1 to i32
      %cond3A_41 = arith.constant 0 : i32
      %cond3A_42 = arith.cmpi ne, %convert_element_type3A_40, %cond3A_41 : i32
      scf.if %cond3A_42 {
        %add3A_71 = arith.constant 1 : i32
        %add3A_72 = arith.addi %mul3A_26, %add3A_71 : i32
        %mul3A_73 = arith.constant 32 : i32
        %mul3A_74 = arith.muli %mul3A_73, %add3A_72 : i32
        %add3A_75 = arith.addi %add3A, %mul3A_74 : i32
        %mul3A_76 = arith.constant 5000 : i32
        %mul3A_77 = arith.muli %add3A_75, %mul3A_76 : i32
        %dma_start3A_78 = tpu.memref_slice %arg2[%mul3A_77] : memref<1600000xi32, #tpu.memory_space<hbm>> -> memref<5000xi32, #tpu.memory_space<hbm>>
        %dma_start3A_79 = tpu.memref_slice %arg2[%mul3A_77] : memref<1600000xi32, #tpu.memory_space<hbm>> -> memref<5000xi32, #tpu.memory_space<hbm>>
        tpu.enqueue_dma source(%dma_start3A_79 : memref<5000xi32, #tpu.memory_space<hbm>>) target(%arg8 : memref<5000xi32, #tpu.memory_space<vmem>>) target_semaphore(%arg11 : memref<!tpu.dma_semaphore, #tpu.memory_space<semaphore_mem>>)
        %dma_start3A_80 = tpu.memref_slice %arg2[%mul3A_77] : memref<1600000xi32, #tpu.memory_space<hbm>> -> memref<5000xi32, #tpu.memory_space<hbm>>
        %dma_start3A_81 = tpu.memref_slice %arg2[%mul3A_77] : memref<1600000xi32, #tpu.memory_space<hbm>> -> memref<5000xi32, #tpu.memory_space<hbm>>
        tpu.enqueue_dma source(%dma_start3A_81 : memref<5000xi32, #tpu.memory_space<hbm>>) target(%arg8 : memref<5000xi32, #tpu.memory_space<vmem>>) target_semaphore(%arg11 : memref<!tpu.dma_semaphore, #tpu.memory_space<semaphore_mem>>)
      } else {
      }
      %dma_start3A_43 = arith.constant 0 : i32
      %dma_start3A_44 = tpu.memref_slice %arg9[%dma_start3A_43] : memref<102400xf32, #tpu.memory_space<vmem_shared>> -> memref<102400xf32, #tpu.memory_space<vmem_shared>>
      tpu.enqueue_indirect_dma source(%arg6 : memref<5000xf32, #tpu.memory_space<vmem>>) target(%dma_start3A_44 : memref<102400xf32, #tpu.memory_space<vmem_shared>>) offsets(%arg7 : memref<5000xi32, #tpu.memory_space<vmem>>) semaphore(%arg12 : memref<!tpu.dma_semaphore, #tpu.memory_space<semaphore_mem>>) {add = true}
      %mul3A_45 = arith.constant 2 : i32
      %mul3A_46 = arith.muli %mul3A_45, %scan3A_24 : i32
      %add3A_47 = arith.constant 1 : i32
      %add3A_48 = arith.addi %mul3A_46, %add3A_47 : i32
      %dma_wait3A_49 = arith.constant 0 : i32
      %dma_wait3A_50 = tpu.memref_slice %arg2[%dma_wait3A_49] : memref<1600000xi32, #tpu.memory_space<hbm>> -> memref<5000xi32, #tpu.memory_space<hbm>>
      %dma_wait3A_51 = arith.constant 0 : i32
      %dma_wait3A_52 = tpu.memref_slice %arg2[%dma_wait3A_51] : memref<1600000xi32, #tpu.memory_space<hbm>> -> memref<5000xi32, #tpu.memory_space<hbm>>
      tpu.wait_dma2 semaphore(%arg11 : memref<!tpu.dma_semaphore, #tpu.memory_space<semaphore_mem>>) src(%dma_wait3A_52 : memref<5000xi32, #tpu.memory_space<hbm>>) dst(%arg8 : memref<5000xi32, #tpu.memory_space<vmem>>)
      %dma_wait3A_53 = arith.constant 0 : i32
      %dma_wait3A_54 = tpu.memref_slice %arg2[%dma_wait3A_53] : memref<1600000xi32, #tpu.memory_space<hbm>> -> memref<5000xi32, #tpu.memory_space<hbm>>
      %dma_wait3A_55 = arith.constant 0 : i32
      %dma_wait3A_56 = tpu.memref_slice %arg2[%dma_wait3A_55] : memref<1600000xi32, #tpu.memory_space<hbm>> -> memref<5000xi32, #tpu.memory_space<hbm>>
      tpu.wait_dma2 semaphore(%arg11 : memref<!tpu.dma_semaphore, #tpu.memory_space<semaphore_mem>>) src(%dma_wait3A_56 : memref<5000xi32, #tpu.memory_space<hbm>>) dst(%arg8 : memref<5000xi32, #tpu.memory_space<vmem>>)
      %gt3A_57 = arith.constant 0 : i32
      %gt3A_58 = arith.cmpi sgt, %add3A_48, %gt3A_57 : i32
      %convert_element_type3A_59 = arith.extui %gt3A_58 : i1 to i32
      %cond3A_60 = arith.constant 0 : i32
      %cond3A_61 = arith.cmpi ne, %convert_element_type3A_59, %cond3A_60 : i32
      scf.if %cond3A_61 {
        %dma_wait3A_71 = arith.constant 0 : i32
        %dma_wait3A_72 = tpu.memref_slice %arg9[%dma_wait3A_71] : memref<102400xf32, #tpu.memory_space<vmem_shared>> -> memref<102400xf32, #tpu.memory_space<vmem_shared>>
        tpu.wait_indirect_dma semaphore(%arg12 : memref<!tpu.dma_semaphore, #tpu.memory_space<semaphore_mem>>) src(%arg6 : memref<5000xf32, #tpu.memory_space<vmem>>) dst(%dma_wait3A_72 : memref<102400xf32, #tpu.memory_space<vmem_shared>>)
      } else {
      }
      %add3A_62 = arith.constant 1 : i32
      %add3A_63 = arith.addi %add3A_48, %add3A_62 : i32
      %lt3A_64 = arith.constant 10 : i32
      %lt3A_65 = arith.cmpi slt, %add3A_63, %lt3A_64 : i32
      %convert_element_type3A_66 = arith.extui %lt3A_65 : i1 to i32
      %cond3A_67 = arith.constant 0 : i32
      %cond3A_68 = arith.cmpi ne, %convert_element_type3A_66, %cond3A_67 : i32
      scf.if %cond3A_68 {
        %add3A_71 = arith.constant 1 : i32
        %add3A_72 = arith.addi %add3A_48, %add3A_71 : i32
        %mul3A_73 = arith.constant 32 : i32
        %mul3A_74 = arith.muli %mul3A_73, %add3A_72 : i32
        %add3A_75 = arith.addi %add3A, %mul3A_74 : i32
        %mul3A_76 = arith.constant 5000 : i32
        %mul3A_77 = arith.muli %add3A_75, %mul3A_76 : i32
        %dma_start3A_78 = tpu.memref_slice %arg2[%mul3A_77] : memref<1600000xi32, #tpu.memory_space<hbm>> -> memref<5000xi32, #tpu.memory_space<hbm>>
        %dma_start3A_79 = tpu.memref_slice %arg2[%mul3A_77] : memref<1600000xi32, #tpu.memory_space<hbm>> -> memref<5000xi32, #tpu.memory_space<hbm>>
        tpu.enqueue_dma source(%dma_start3A_79 : memref<5000xi32, #tpu.memory_space<hbm>>) target(%arg7 : memref<5000xi32, #tpu.memory_space<vmem>>) target_semaphore(%arg10 : memref<!tpu.dma_semaphore, #tpu.memory_space<semaphore_mem>>)
        %dma_start3A_80 = tpu.memref_slice %arg2[%mul3A_77] : memref<1600000xi32, #tpu.memory_space<hbm>> -> memref<5000xi32, #tpu.memory_space<hbm>>
        %dma_start3A_81 = tpu.memref_slice %arg2[%mul3A_77] : memref<1600000xi32, #tpu.memory_space<hbm>> -> memref<5000xi32, #tpu.memory_space<hbm>>
        tpu.enqueue_dma source(%dma_start3A_81 : memref<5000xi32, #tpu.memory_space<hbm>>) target(%arg7 : memref<5000xi32, #tpu.memory_space<vmem>>) target_semaphore(%arg10 : memref<!tpu.dma_semaphore, #tpu.memory_space<semaphore_mem>>)
      } else {
      }
      %dma_start3A_69 = arith.constant 0 : i32
      %dma_start3A_70 = tpu.memref_slice %arg9[%dma_start3A_69] : memref<102400xf32, #tpu.memory_space<vmem_shared>> -> memref<102400xf32, #tpu.memory_space<vmem_shared>>
      tpu.enqueue_indirect_dma source(%arg6 : memref<5000xf32, #tpu.memory_space<vmem>>) target(%dma_start3A_70 : memref<102400xf32, #tpu.memory_space<vmem_shared>>) offsets(%arg8 : memref<5000xi32, #tpu.memory_space<vmem>>) semaphore(%arg13 : memref<!tpu.dma_semaphore, #tpu.memory_space<semaphore_mem>>) {add = true}
    }
    %scan3A_14 = arith.constant 5 : i32
    %dma_wait3A = arith.constant 0 : i32
    %dma_wait3A_15 = tpu.memref_slice %arg9[%dma_wait3A] : memref<102400xf32, #tpu.memory_space<vmem_shared>> -> memref<102400xf32, #tpu.memory_space<vmem_shared>>
    tpu.wait_indirect_dma semaphore(%arg13 : memref<!tpu.dma_semaphore, #tpu.memory_space<semaphore_mem>>) src(%arg6 : memref<5000xf32, #tpu.memory_space<vmem>>) dst(%dma_wait3A_15 : memref<102400xf32, #tpu.memory_space<vmem_shared>>)
    %barrier3A_16 = arith.constant 0 : index
    tpu.barrier barrier_id(%barrier3A_16)
    %mul3A_17 = arith.constant 6400 : i32
    %mul3A_18 = arith.muli %arg1, %mul3A_17 : i32
    %mul3A_19 = arith.constant 102400 : i32
    %mul3A_20 = arith.muli %arg0, %mul3A_19 : i32
    %mul3A_21 = arith.constant 6400 : i32
    %mul3A_22 = arith.muli %arg1, %mul3A_21 : i32
    %add3A_23 = arith.addi %mul3A_20, %mul3A_22 : i32
    "tpu.region"() ({
      %run_scoped3A = tpu.sem_alloc : memref<!tpu.dma_semaphore, #tpu.memory_space<semaphore_mem>>
      %dma_start3A_24 = tpu.memref_slice %arg5[%add3A_23] : memref<204800xf32, #tpu.memory_space<hbm>> -> memref<6400xf32, #tpu.memory_space<hbm>>
      %dma_start3A_25 = tpu.memref_slice %arg9[%mul3A_18] : memref<102400xf32, #tpu.memory_space<vmem_shared>> -> memref<6400xf32, #tpu.memory_space<vmem_shared>>
      tpu.enqueue_dma source(%dma_start3A_25 : memref<6400xf32, #tpu.memory_space<vmem_shared>>) target(%dma_start3A_24 : memref<6400xf32, #tpu.memory_space<hbm>>) target_semaphore(%run_scoped3A : memref<!tpu.dma_semaphore, #tpu.memory_space<semaphore_mem>>)
      %dma_wait3A_26 = tpu.memref_slice %arg5[%add3A_23] : memref<204800xf32, #tpu.memory_space<hbm>> -> memref<6400xf32, #tpu.memory_space<hbm>>
      %dma_wait3A_27 = tpu.memref_slice %arg9[%mul3A_18] : memref<102400xf32, #tpu.memory_space<vmem_shared>> -> memref<6400xf32, #tpu.memory_space<vmem_shared>>
      tpu.wait_dma2 semaphore(%run_scoped3A : memref<!tpu.dma_semaphore, #tpu.memory_space<semaphore_mem>>) src(%dma_wait3A_27 : memref<6400xf32, #tpu.memory_space<vmem_shared>>) dst(%dma_wait3A_26 : memref<6400xf32, #tpu.memory_space<hbm>>)
      tpu.yield
    }) : () -> ()
    return
  }
}

#map = affine_map<(d0, d1) -> (0)>
#map1 = affine_map<(d0, d1) -> (0, 0)>
module attributes {stable_mosaic.version = 14 : i64} {
  func.func @_sc_seg4_body(%arg0: i32, %arg1: i32, %arg2: memref<1600000xi32, #tpu.memory_space<hbm>>, %arg3: memref<1600000xi32, #tpu.memory_space<hbm>>, %arg4: memref<102400x8xf32, #tpu.memory_space<hbm>>, %arg5: memref<6400x8xf32, #tpu.memory_space<hbm>>, %arg6: memref<102400x16xf32, #tpu.memory_space<hbm>>, %arg7: memref<2000xi32, #tpu.memory_space<vmem>>, %arg8: memref<2000xi32, #tpu.memory_space<vmem>>, %arg9: memref<2000xi32, #tpu.memory_space<vmem>>, %arg10: memref<2000xi32, #tpu.memory_space<vmem>>, %arg11: memref<2000x8xf32, #tpu.memory_space<vmem>>, %arg12: memref<2000x8xf32, #tpu.memory_space<vmem>>, %arg13: memref<102400x8xf32, #tpu.memory_space<vmem_shared>>, %arg14: memref<!tpu.dma_semaphore, #tpu.memory_space<semaphore_mem>>, %arg15: memref<!tpu.dma_semaphore, #tpu.memory_space<semaphore_mem>>, %arg16: memref<!tpu.dma_semaphore, #tpu.memory_space<semaphore_mem>>, %arg17: memref<!tpu.dma_semaphore, #tpu.memory_space<semaphore_mem>>, %arg18: memref<!tpu.dma_semaphore, #tpu.memory_space<semaphore_mem>>, %arg19: memref<!tpu.dma_semaphore, #tpu.memory_space<semaphore_mem>>) attributes {dimension_semantics = [#tpu.dimension_semantics<core_parallel>, #tpu.dimension_semantics<subcore_parallel>], iteration_bounds = array<i64: 2, 16>, scalar_prefetch = 0 : i64, scratch_operands = 13 : i64, tpu.core_type = #tpu.core_type<sc_vector_subcore>, window_params = [{transform_indices = #map}, {transform_indices = #map}, {transform_indices = #map1}, {transform_indices = #map1}, {transform_indices = #map1}]} {
    %mul3A = arith.constant 2 : i32
    %mul3A_0 = arith.muli %arg1, %mul3A : i32
    %add3A = arith.addi %mul3A_0, %arg0 : i32
    %mul3A_1 = arith.constant 6400 : i32
    %mul3A_2 = arith.muli %arg1, %mul3A_1 : i32
    "tpu.region"() ({
      %run_scoped3A = tpu.sem_alloc : memref<!tpu.dma_semaphore, #tpu.memory_space<semaphore_mem>>
      %dma_start3A_44 = arith.constant 0 : i32
      %dma_start3A_45 = tpu.memref_slice %arg13[%mul3A_2, %dma_start3A_44] : memref<102400x8xf32, #tpu.memory_space<vmem_shared>> -> memref<6400x8xf32, #tpu.memory_space<vmem_shared>>
      tpu.enqueue_dma source(%arg5 : memref<6400x8xf32, #tpu.memory_space<hbm>>) target(%dma_start3A_45 : memref<6400x8xf32, #tpu.memory_space<vmem_shared>>) target_semaphore(%run_scoped3A : memref<!tpu.dma_semaphore, #tpu.memory_space<semaphore_mem>>)
      %dma_wait3A_46 = arith.constant 0 : i32
      %dma_wait3A_47 = tpu.memref_slice %arg13[%mul3A_2, %dma_wait3A_46] : memref<102400x8xf32, #tpu.memory_space<vmem_shared>> -> memref<6400x8xf32, #tpu.memory_space<vmem_shared>>
      tpu.wait_dma2 semaphore(%run_scoped3A : memref<!tpu.dma_semaphore, #tpu.memory_space<semaphore_mem>>) src(%arg5 : memref<6400x8xf32, #tpu.memory_space<hbm>>) dst(%dma_wait3A_47 : memref<6400x8xf32, #tpu.memory_space<vmem_shared>>)
      tpu.yield
    }) : () -> ()
    %barrier3A = arith.constant 0 : index
    tpu.barrier barrier_id(%barrier3A)
    %add3A_3 = arith.constant 0 : i32
    %add3A_4 = arith.addi %add3A, %add3A_3 : i32
    %mul3A_5 = arith.constant 2000 : i32
    %mul3A_6 = arith.muli %add3A_4, %mul3A_5 : i32
    %dma_start3A = tpu.memref_slice %arg2[%mul3A_6] : memref<1600000xi32, #tpu.memory_space<hbm>> -> memref<2000xi32, #tpu.memory_space<hbm>>
    %dma_start3A_7 = tpu.memref_slice %arg2[%mul3A_6] : memref<1600000xi32, #tpu.memory_space<hbm>> -> memref<2000xi32, #tpu.memory_space<hbm>>
    tpu.enqueue_dma source(%dma_start3A_7 : memref<2000xi32, #tpu.memory_space<hbm>>) target(%arg7 : memref<2000xi32, #tpu.memory_space<vmem>>) target_semaphore(%arg14 : memref<!tpu.dma_semaphore, #tpu.memory_space<semaphore_mem>>)
    %dma_start3A_8 = tpu.memref_slice %arg3[%mul3A_6] : memref<1600000xi32, #tpu.memory_space<hbm>> -> memref<2000xi32, #tpu.memory_space<hbm>>
    %dma_start3A_9 = tpu.memref_slice %arg3[%mul3A_6] : memref<1600000xi32, #tpu.memory_space<hbm>> -> memref<2000xi32, #tpu.memory_space<hbm>>
    tpu.enqueue_dma source(%dma_start3A_9 : memref<2000xi32, #tpu.memory_space<hbm>>) target(%arg9 : memref<2000xi32, #tpu.memory_space<vmem>>) target_semaphore(%arg14 : memref<!tpu.dma_semaphore, #tpu.memory_space<semaphore_mem>>)
    %scan3A = arith.constant 0 : i32
    %scan3A_10 = arith.constant 0 : i32
    %scan3A_11 = arith.constant 12 : i32
    %scan3A_12 = arith.addi %scan3A_10, %scan3A_11 : i32
    %scan3A_13 = arith.constant 1 : i32
    scf.for %scan3A_44 = %scan3A_10 to %scan3A_12 step %scan3A_13  : i32 {
      %mul3A_45 = arith.constant 2 : i32
      %mul3A_46 = arith.muli %mul3A_45, %scan3A_44 : i32
      %dma_wait3A_47 = arith.constant 0 : i32
      %dma_wait3A_48 = tpu.memref_slice %arg2[%dma_wait3A_47] : memref<1600000xi32, #tpu.memory_space<hbm>> -> memref<2000xi32, #tpu.memory_space<hbm>>
      %dma_wait3A_49 = arith.constant 0 : i32
      %dma_wait3A_50 = tpu.memref_slice %arg2[%dma_wait3A_49] : memref<1600000xi32, #tpu.memory_space<hbm>> -> memref<2000xi32, #tpu.memory_space<hbm>>
      tpu.wait_dma2 semaphore(%arg14 : memref<!tpu.dma_semaphore, #tpu.memory_space<semaphore_mem>>) src(%dma_wait3A_50 : memref<2000xi32, #tpu.memory_space<hbm>>) dst(%arg7 : memref<2000xi32, #tpu.memory_space<vmem>>)
      %dma_wait3A_51 = arith.constant 0 : i32
      %dma_wait3A_52 = tpu.memref_slice %arg3[%dma_wait3A_51] : memref<1600000xi32, #tpu.memory_space<hbm>> -> memref<2000xi32, #tpu.memory_space<hbm>>
      %dma_wait3A_53 = arith.constant 0 : i32
      %dma_wait3A_54 = tpu.memref_slice %arg3[%dma_wait3A_53] : memref<1600000xi32, #tpu.memory_space<hbm>> -> memref<2000xi32, #tpu.memory_space<hbm>>
      tpu.wait_dma2 semaphore(%arg14 : memref<!tpu.dma_semaphore, #tpu.memory_space<semaphore_mem>>) src(%dma_wait3A_54 : memref<2000xi32, #tpu.memory_space<hbm>>) dst(%arg9 : memref<2000xi32, #tpu.memory_space<vmem>>)
      %dma_start3A_55 = arith.constant 0 : i32
      %dma_start3A_56 = arith.constant 0 : i32
      %dma_start3A_57 = tpu.memref_slice %arg4[%dma_start3A_55, %dma_start3A_56] : memref<102400x8xf32, #tpu.memory_space<hbm>> -> memref<102400x8xf32, #tpu.memory_space<hbm>>
      tpu.enqueue_indirect_dma source(%dma_start3A_57 : memref<102400x8xf32, #tpu.memory_space<hbm>>) target(%arg11 : memref<2000x8xf32, #tpu.memory_space<vmem>>) offsets(%arg7 : memref<2000xi32, #tpu.memory_space<vmem>>) semaphore(%arg16 : memref<!tpu.dma_semaphore, #tpu.memory_space<semaphore_mem>>)
      %gt3A = arith.constant 0 : i32
      %gt3A_58 = arith.cmpi sgt, %mul3A_46, %gt3A : i32
      %convert_element_type3A = arith.extui %gt3A_58 : i1 to i32
      %cond3A = arith.constant 0 : i32
      %cond3A_59 = arith.cmpi ne, %convert_element_type3A, %cond3A : i32
      scf.if %cond3A_59 {
        %dma_wait3A_105 = arith.constant 0 : i32
        %dma_wait3A_106 = arith.constant 0 : i32
        %dma_wait3A_107 = tpu.memref_slice %arg13[%dma_wait3A_105, %dma_wait3A_106] : memref<102400x8xf32, #tpu.memory_space<vmem_shared>> -> memref<102400x8xf32, #tpu.memory_space<vmem_shared>>
        tpu.wait_indirect_dma semaphore(%arg19 : memref<!tpu.dma_semaphore, #tpu.memory_space<semaphore_mem>>) src(%arg12 : memref<2000x8xf32, #tpu.memory_space<vmem>>) dst(%dma_wait3A_107 : memref<102400x8xf32, #tpu.memory_space<vmem_shared>>)
      } else {
      }
      %add3A_60 = arith.constant 1 : i32
      %add3A_61 = arith.addi %mul3A_46, %add3A_60 : i32
      %lt3A = arith.constant 25 : i32
      %lt3A_62 = arith.cmpi slt, %add3A_61, %lt3A : i32
      %convert_element_type3A_63 = arith.extui %lt3A_62 : i1 to i32
      %cond3A_64 = arith.constant 0 : i32
      %cond3A_65 = arith.cmpi ne, %convert_element_type3A_63, %cond3A_64 : i32
      scf.if %cond3A_65 {
        %add3A_105 = arith.constant 1 : i32
        %add3A_106 = arith.addi %mul3A_46, %add3A_105 : i32
        %mul3A_107 = arith.constant 32 : i32
        %mul3A_108 = arith.muli %mul3A_107, %add3A_106 : i32
        %add3A_109 = arith.addi %add3A, %mul3A_108 : i32
        %mul3A_110 = arith.constant 2000 : i32
        %mul3A_111 = arith.muli %add3A_109, %mul3A_110 : i32
        %dma_start3A_112 = tpu.memref_slice %arg2[%mul3A_111] : memref<1600000xi32, #tpu.memory_space<hbm>> -> memref<2000xi32, #tpu.memory_space<hbm>>
        %dma_start3A_113 = tpu.memref_slice %arg2[%mul3A_111] : memref<1600000xi32, #tpu.memory_space<hbm>> -> memref<2000xi32, #tpu.memory_space<hbm>>
        tpu.enqueue_dma source(%dma_start3A_113 : memref<2000xi32, #tpu.memory_space<hbm>>) target(%arg8 : memref<2000xi32, #tpu.memory_space<vmem>>) target_semaphore(%arg15 : memref<!tpu.dma_semaphore, #tpu.memory_space<semaphore_mem>>)
        %dma_start3A_114 = tpu.memref_slice %arg3[%mul3A_111] : memref<1600000xi32, #tpu.memory_space<hbm>> -> memref<2000xi32, #tpu.memory_space<hbm>>
        %dma_start3A_115 = tpu.memref_slice %arg3[%mul3A_111] : memref<1600000xi32, #tpu.memory_space<hbm>> -> memref<2000xi32, #tpu.memory_space<hbm>>
        tpu.enqueue_dma source(%dma_start3A_115 : memref<2000xi32, #tpu.memory_space<hbm>>) target(%arg10 : memref<2000xi32, #tpu.memory_space<vmem>>) target_semaphore(%arg15 : memref<!tpu.dma_semaphore, #tpu.memory_space<semaphore_mem>>)
      } else {
      }
      %dma_wait3A_66 = arith.constant 0 : i32
      %dma_wait3A_67 = arith.constant 0 : i32
      %dma_wait3A_68 = tpu.memref_slice %arg4[%dma_wait3A_66, %dma_wait3A_67] : memref<102400x8xf32, #tpu.memory_space<hbm>> -> memref<102400x8xf32, #tpu.memory_space<hbm>>
      tpu.wait_indirect_dma semaphore(%arg16 : memref<!tpu.dma_semaphore, #tpu.memory_space<semaphore_mem>>) src(%dma_wait3A_68 : memref<102400x8xf32, #tpu.memory_space<hbm>>) dst(%arg11 : memref<2000x8xf32, #tpu.memory_space<vmem>>)
      %dma_start3A_69 = arith.constant 0 : i32
      %dma_start3A_70 = arith.constant 0 : i32
      %dma_start3A_71 = tpu.memref_slice %arg13[%dma_start3A_69, %dma_start3A_70] : memref<102400x8xf32, #tpu.memory_space<vmem_shared>> -> memref<102400x8xf32, #tpu.memory_space<vmem_shared>>
      tpu.enqueue_indirect_dma source(%arg11 : memref<2000x8xf32, #tpu.memory_space<vmem>>) target(%dma_start3A_71 : memref<102400x8xf32, #tpu.memory_space<vmem_shared>>) offsets(%arg9 : memref<2000xi32, #tpu.memory_space<vmem>>) semaphore(%arg18 : memref<!tpu.dma_semaphore, #tpu.memory_space<semaphore_mem>>) {add = true}
      %mul3A_72 = arith.constant 2 : i32
      %mul3A_73 = arith.muli %mul3A_72, %scan3A_44 : i32
      %add3A_74 = arith.constant 1 : i32
      %add3A_75 = arith.addi %mul3A_73, %add3A_74 : i32
      %dma_wait3A_76 = arith.constant 0 : i32
      %dma_wait3A_77 = tpu.memref_slice %arg2[%dma_wait3A_76] : memref<1600000xi32, #tpu.memory_space<hbm>> -> memref<2000xi32, #tpu.memory_space<hbm>>
      %dma_wait3A_78 = arith.constant 0 : i32
      %dma_wait3A_79 = tpu.memref_slice %arg2[%dma_wait3A_78] : memref<1600000xi32, #tpu.memory_space<hbm>> -> memref<2000xi32, #tpu.memory_space<hbm>>
      tpu.wait_dma2 semaphore(%arg15 : memref<!tpu.dma_semaphore, #tpu.memory_space<semaphore_mem>>) src(%dma_wait3A_79 : memref<2000xi32, #tpu.memory_space<hbm>>) dst(%arg8 : memref<2000xi32, #tpu.memory_space<vmem>>)
      %dma_wait3A_80 = arith.constant 0 : i32
      %dma_wait3A_81 = tpu.memref_slice %arg3[%dma_wait3A_80] : memref<1600000xi32, #tpu.memory_space<hbm>> -> memref<2000xi32, #tpu.memory_space<hbm>>
      %dma_wait3A_82 = arith.constant 0 : i32
      %dma_wait3A_83 = tpu.memref_slice %arg3[%dma_wait3A_82] : memref<1600000xi32, #tpu.memory_space<hbm>> -> memref<2000xi32, #tpu.memory_space<hbm>>
      tpu.wait_dma2 semaphore(%arg15 : memref<!tpu.dma_semaphore, #tpu.memory_space<semaphore_mem>>) src(%dma_wait3A_83 : memref<2000xi32, #tpu.memory_space<hbm>>) dst(%arg10 : memref<2000xi32, #tpu.memory_space<vmem>>)
      %dma_start3A_84 = arith.constant 0 : i32
      %dma_start3A_85 = arith.constant 0 : i32
      %dma_start3A_86 = tpu.memref_slice %arg4[%dma_start3A_84, %dma_start3A_85] : memref<102400x8xf32, #tpu.memory_space<hbm>> -> memref<102400x8xf32, #tpu.memory_space<hbm>>
      tpu.enqueue_indirect_dma source(%dma_start3A_86 : memref<102400x8xf32, #tpu.memory_space<hbm>>) target(%arg12 : memref<2000x8xf32, #tpu.memory_space<vmem>>) offsets(%arg8 : memref<2000xi32, #tpu.memory_space<vmem>>) semaphore(%arg17 : memref<!tpu.dma_semaphore, #tpu.memory_space<semaphore_mem>>)
      %gt3A_87 = arith.constant 0 : i32
      %gt3A_88 = arith.cmpi sgt, %add3A_75, %gt3A_87 : i32
      %convert_element_type3A_89 = arith.extui %gt3A_88 : i1 to i32
      %cond3A_90 = arith.constant 0 : i32
      %cond3A_91 = arith.cmpi ne, %convert_element_type3A_89, %cond3A_90 : i32
      scf.if %cond3A_91 {
        %dma_wait3A_105 = arith.constant 0 : i32
        %dma_wait3A_106 = arith.constant 0 : i32
        %dma_wait3A_107 = tpu.memref_slice %arg13[%dma_wait3A_105, %dma_wait3A_106] : memref<102400x8xf32, #tpu.memory_space<vmem_shared>> -> memref<102400x8xf32, #tpu.memory_space<vmem_shared>>
        tpu.wait_indirect_dma semaphore(%arg18 : memref<!tpu.dma_semaphore, #tpu.memory_space<semaphore_mem>>) src(%arg11 : memref<2000x8xf32, #tpu.memory_space<vmem>>) dst(%dma_wait3A_107 : memref<102400x8xf32, #tpu.memory_space<vmem_shared>>)
      } else {
      }
      %add3A_92 = arith.constant 1 : i32
      %add3A_93 = arith.addi %add3A_75, %add3A_92 : i32
      %lt3A_94 = arith.constant 25 : i32
      %lt3A_95 = arith.cmpi slt, %add3A_93, %lt3A_94 : i32
      %convert_element_type3A_96 = arith.extui %lt3A_95 : i1 to i32
      %cond3A_97 = arith.constant 0 : i32
      %cond3A_98 = arith.cmpi ne, %convert_element_type3A_96, %cond3A_97 : i32
      scf.if %cond3A_98 {
        %add3A_105 = arith.constant 1 : i32
        %add3A_106 = arith.addi %add3A_75, %add3A_105 : i32
        %mul3A_107 = arith.constant 32 : i32
        %mul3A_108 = arith.muli %mul3A_107, %add3A_106 : i32
        %add3A_109 = arith.addi %add3A, %mul3A_108 : i32
        %mul3A_110 = arith.constant 2000 : i32
        %mul3A_111 = arith.muli %add3A_109, %mul3A_110 : i32
        %dma_start3A_112 = tpu.memref_slice %arg2[%mul3A_111] : memref<1600000xi32, #tpu.memory_space<hbm>> -> memref<2000xi32, #tpu.memory_space<hbm>>
        %dma_start3A_113 = tpu.memref_slice %arg2[%mul3A_111] : memref<1600000xi32, #tpu.memory_space<hbm>> -> memref<2000xi32, #tpu.memory_space<hbm>>
        tpu.enqueue_dma source(%dma_start3A_113 : memref<2000xi32, #tpu.memory_space<hbm>>) target(%arg7 : memref<2000xi32, #tpu.memory_space<vmem>>) target_semaphore(%arg14 : memref<!tpu.dma_semaphore, #tpu.memory_space<semaphore_mem>>)
        %dma_start3A_114 = tpu.memref_slice %arg3[%mul3A_111] : memref<1600000xi32, #tpu.memory_space<hbm>> -> memref<2000xi32, #tpu.memory_space<hbm>>
        %dma_start3A_115 = tpu.memref_slice %arg3[%mul3A_111] : memref<1600000xi32, #tpu.memory_space<hbm>> -> memref<2000xi32, #tpu.memory_space<hbm>>
        tpu.enqueue_dma source(%dma_start3A_115 : memref<2000xi32, #tpu.memory_space<hbm>>) target(%arg9 : memref<2000xi32, #tpu.memory_space<vmem>>) target_semaphore(%arg14 : memref<!tpu.dma_semaphore, #tpu.memory_space<semaphore_mem>>)
      } else {
      }
      %dma_wait3A_99 = arith.constant 0 : i32
      %dma_wait3A_100 = arith.constant 0 : i32
      %dma_wait3A_101 = tpu.memref_slice %arg4[%dma_wait3A_99, %dma_wait3A_100] : memref<102400x8xf32, #tpu.memory_space<hbm>> -> memref<102400x8xf32, #tpu.memory_space<hbm>>
      tpu.wait_indirect_dma semaphore(%arg17 : memref<!tpu.dma_semaphore, #tpu.memory_space<semaphore_mem>>) src(%dma_wait3A_101 : memref<102400x8xf32, #tpu.memory_space<hbm>>) dst(%arg12 : memref<2000x8xf32, #tpu.memory_space<vmem>>)
      %dma_start3A_102 = arith.constant 0 : i32
      %dma_start3A_103 = arith.constant 0 : i32
      %dma_start3A_104 = tpu.memref_slice %arg13[%dma_start3A_102, %dma_start3A_103] : memref<102400x8xf32, #tpu.memory_space<vmem_shared>> -> memref<102400x8xf32, #tpu.memory_space<vmem_shared>>
      tpu.enqueue_indirect_dma source(%arg12 : memref<2000x8xf32, #tpu.memory_space<vmem>>) target(%dma_start3A_104 : memref<102400x8xf32, #tpu.memory_space<vmem_shared>>) offsets(%arg10 : memref<2000xi32, #tpu.memory_space<vmem>>) semaphore(%arg19 : memref<!tpu.dma_semaphore, #tpu.memory_space<semaphore_mem>>) {add = true}
    }
    %scan3A_14 = arith.constant 12 : i32
    %dma_wait3A = arith.constant 0 : i32
    %dma_wait3A_15 = tpu.memref_slice %arg2[%dma_wait3A] : memref<1600000xi32, #tpu.memory_space<hbm>> -> memref<2000xi32, #tpu.memory_space<hbm>>
    %dma_wait3A_16 = arith.constant 0 : i32
    %dma_wait3A_17 = tpu.memref_slice %arg2[%dma_wait3A_16] : memref<1600000xi32, #tpu.memory_space<hbm>> -> memref<2000xi32, #tpu.memory_space<hbm>>
    tpu.wait_dma2 semaphore(%arg14 : memref<!tpu.dma_semaphore, #tpu.memory_space<semaphore_mem>>) src(%dma_wait3A_17 : memref<2000xi32, #tpu.memory_space<hbm>>) dst(%arg7 : memref<2000xi32, #tpu.memory_space<vmem>>)
    %dma_wait3A_18 = arith.constant 0 : i32
    %dma_wait3A_19 = tpu.memref_slice %arg3[%dma_wait3A_18] : memref<1600000xi32, #tpu.memory_space<hbm>> -> memref<2000xi32, #tpu.memory_space<hbm>>
    %dma_wait3A_20 = arith.constant 0 : i32
    %dma_wait3A_21 = tpu.memref_slice %arg3[%dma_wait3A_20] : memref<1600000xi32, #tpu.memory_space<hbm>> -> memref<2000xi32, #tpu.memory_space<hbm>>
    tpu.wait_dma2 semaphore(%arg14 : memref<!tpu.dma_semaphore, #tpu.memory_space<semaphore_mem>>) src(%dma_wait3A_21 : memref<2000xi32, #tpu.memory_space<hbm>>) dst(%arg9 : memref<2000xi32, #tpu.memory_space<vmem>>)
    %dma_start3A_22 = arith.constant 0 : i32
    %dma_start3A_23 = arith.constant 0 : i32
    %dma_start3A_24 = tpu.memref_slice %arg4[%dma_start3A_22, %dma_start3A_23] : memref<102400x8xf32, #tpu.memory_space<hbm>> -> memref<102400x8xf32, #tpu.memory_space<hbm>>
    tpu.enqueue_indirect_dma source(%dma_start3A_24 : memref<102400x8xf32, #tpu.memory_space<hbm>>) target(%arg11 : memref<2000x8xf32, #tpu.memory_space<vmem>>) offsets(%arg7 : memref<2000xi32, #tpu.memory_space<vmem>>) semaphore(%arg16 : memref<!tpu.dma_semaphore, #tpu.memory_space<semaphore_mem>>)
    %dma_wait3A_25 = arith.constant 0 : i32
    %dma_wait3A_26 = arith.constant 0 : i32
    %dma_wait3A_27 = tpu.memref_slice %arg13[%dma_wait3A_25, %dma_wait3A_26] : memref<102400x8xf32, #tpu.memory_space<vmem_shared>> -> memref<102400x8xf32, #tpu.memory_space<vmem_shared>>
    tpu.wait_indirect_dma semaphore(%arg19 : memref<!tpu.dma_semaphore, #tpu.memory_space<semaphore_mem>>) src(%arg12 : memref<2000x8xf32, #tpu.memory_space<vmem>>) dst(%dma_wait3A_27 : memref<102400x8xf32, #tpu.memory_space<vmem_shared>>)
    %dma_wait3A_28 = arith.constant 0 : i32
    %dma_wait3A_29 = arith.constant 0 : i32
    %dma_wait3A_30 = tpu.memref_slice %arg4[%dma_wait3A_28, %dma_wait3A_29] : memref<102400x8xf32, #tpu.memory_space<hbm>> -> memref<102400x8xf32, #tpu.memory_space<hbm>>
    tpu.wait_indirect_dma semaphore(%arg16 : memref<!tpu.dma_semaphore, #tpu.memory_space<semaphore_mem>>) src(%dma_wait3A_30 : memref<102400x8xf32, #tpu.memory_space<hbm>>) dst(%arg11 : memref<2000x8xf32, #tpu.memory_space<vmem>>)
    %dma_start3A_31 = arith.constant 0 : i32
    %dma_start3A_32 = arith.constant 0 : i32
    %dma_start3A_33 = tpu.memref_slice %arg13[%dma_start3A_31, %dma_start3A_32] : memref<102400x8xf32, #tpu.memory_space<vmem_shared>> -> memref<102400x8xf32, #tpu.memory_space<vmem_shared>>
    tpu.enqueue_indirect_dma source(%arg11 : memref<2000x8xf32, #tpu.memory_space<vmem>>) target(%dma_start3A_33 : memref<102400x8xf32, #tpu.memory_space<vmem_shared>>) offsets(%arg9 : memref<2000xi32, #tpu.memory_space<vmem>>) semaphore(%arg18 : memref<!tpu.dma_semaphore, #tpu.memory_space<semaphore_mem>>) {add = true}
    %dma_wait3A_34 = arith.constant 0 : i32
    %dma_wait3A_35 = arith.constant 0 : i32
    %dma_wait3A_36 = tpu.memref_slice %arg13[%dma_wait3A_34, %dma_wait3A_35] : memref<102400x8xf32, #tpu.memory_space<vmem_shared>> -> memref<102400x8xf32, #tpu.memory_space<vmem_shared>>
    tpu.wait_indirect_dma semaphore(%arg18 : memref<!tpu.dma_semaphore, #tpu.memory_space<semaphore_mem>>) src(%arg11 : memref<2000x8xf32, #tpu.memory_space<vmem>>) dst(%dma_wait3A_36 : memref<102400x8xf32, #tpu.memory_space<vmem_shared>>)
    %barrier3A_37 = arith.constant 0 : index
    tpu.barrier barrier_id(%barrier3A_37)
    %mul3A_38 = arith.constant 6400 : i32
    %mul3A_39 = arith.muli %arg1, %mul3A_38 : i32
    %mul3A_40 = arith.constant 6400 : i32
    %mul3A_41 = arith.muli %arg1, %mul3A_40 : i32
    %mul3A_42 = arith.constant 8 : i32
    %mul3A_43 = arith.muli %mul3A_42, %arg0 : i32
    "tpu.region"() ({
      %run_scoped3A = tpu.sem_alloc : memref<!tpu.dma_semaphore, #tpu.memory_space<semaphore_mem>>
      %dma_start3A_44 = tpu.memref_slice %arg6[%mul3A_41, %mul3A_43] : memref<102400x16xf32, #tpu.memory_space<hbm>> -> memref<6400x8xf32, #tpu.memory_space<hbm>>
      %dma_start3A_45 = arith.constant 0 : i32
      %dma_start3A_46 = tpu.memref_slice %arg13[%mul3A_39, %dma_start3A_45] : memref<102400x8xf32, #tpu.memory_space<vmem_shared>> -> memref<6400x8xf32, #tpu.memory_space<vmem_shared>>
      tpu.enqueue_dma source(%dma_start3A_46 : memref<6400x8xf32, #tpu.memory_space<vmem_shared>>) target(%dma_start3A_44 : memref<6400x8xf32, #tpu.memory_space<hbm>>) target_semaphore(%run_scoped3A : memref<!tpu.dma_semaphore, #tpu.memory_space<semaphore_mem>>)
      %dma_wait3A_47 = tpu.memref_slice %arg6[%mul3A_41, %mul3A_43] : memref<102400x16xf32, #tpu.memory_space<hbm>> -> memref<6400x8xf32, #tpu.memory_space<hbm>>
      %dma_wait3A_48 = arith.constant 0 : i32
      %dma_wait3A_49 = tpu.memref_slice %arg13[%mul3A_39, %dma_wait3A_48] : memref<102400x8xf32, #tpu.memory_space<vmem_shared>> -> memref<6400x8xf32, #tpu.memory_space<vmem_shared>>
      tpu.wait_dma2 semaphore(%run_scoped3A : memref<!tpu.dma_semaphore, #tpu.memory_space<semaphore_mem>>) src(%dma_wait3A_49 : memref<6400x8xf32, #tpu.memory_space<vmem_shared>>) dst(%dma_wait3A_47 : memref<6400x8xf32, #tpu.memory_space<hbm>>)
      tpu.yield
    }) : () -> ()
    return
  }
}

module attributes {stable_mosaic.version = 14 : i64} {
  func.func @_tc_prep_body(%arg0: i32, %arg1: memref<2x1024x1xf32, #tpu.memory_space<vmem>>, %arg2: memref<1024x4xf32, #tpu.memory_space<vmem>>, %arg3: memref<1024x1xf32, #tpu.memory_space<vmem>>, %arg4: memref<1024x8xf32, #tpu.memory_space<vmem>>) attributes {dimension_semantics = [#tpu.dimension_semantics<arbitrary>], iteration_bounds = array<i64: 100>, scalar_prefetch = 0 : i64, scratch_operands = 0 : i64, tpu.core_type = #tpu.core_type<tc>, window_params = [{transform_indices = @transform_0, window_bounds = array<i64: 2, 1024, 1>}, {transform_indices = @transform_1, window_bounds = array<i64: 1024, 4>}, {transform_indices = @transform_2, window_bounds = array<i64: 1024, 1>}, {transform_indices = @transform_3, window_bounds = array<i64: 1024, 8>}]} {
    %get3A = arith.constant 0 : index
    %get3A_0 = arith.constant 0 : index
    %get3A_1 = arith.constant 0 : index
    %get3A_2 = vector.load %arg1[%get3A, %get3A_0, %get3A_1] : memref<2x1024x1xf32, #tpu.memory_space<vmem>>, vector<1x1024x1xf32>
    %get3A_3 = vector.shape_cast %get3A_2 : vector<1x1024x1xf32> to vector<1024x1xf32>
    %get3A_4 = arith.constant 1 : index
    %get3A_5 = arith.constant 0 : index
    %get3A_6 = arith.constant 0 : index
    %get3A_7 = vector.load %arg1[%get3A_4, %get3A_5, %get3A_6] : memref<2x1024x1xf32, #tpu.memory_space<vmem>>, vector<1x1024x1xf32>
    %get3A_8 = vector.shape_cast %get3A_7 : vector<1x1024x1xf32> to vector<1024x1xf32>
    %add3A = arith.addf %get3A_3, %get3A_8 : vector<1024x1xf32>
    %add3A_9 = arith.constant 1.000000e+00 : f32
    %add3A_10 = vector.broadcast %add3A_9 : f32 to vector<1024x1xf32>
    %add3A_11 = arith.addf %add3A, %add3A_10 : vector<1024x1xf32>
    %max3A = arith.constant 1.000000e+00 : f32
    %max3A_12 = vector.broadcast %max3A : f32 to vector<1024x1xf32>
    %max3A_13 = arith.maximumf %add3A_11, %max3A_12 : vector<1024x1xf32>
    %rsqrt3A = math.rsqrt %max3A_13 : vector<1024x1xf32>
    %swap3A = arith.constant 0 : index
    %swap3A_14 = arith.constant 0 : index
    %swap3A_15 = vector.load %arg3[%swap3A, %swap3A_14] : memref<1024x1xf32, #tpu.memory_space<vmem>>, vector<1024x1xf32>
    tpu.vector_store %arg3[%swap3A, %swap3A_14], %rsqrt3A {strides = array<i32>} : memref<1024x1xf32, #tpu.memory_space<vmem>>, vector<1024x1xf32>,
    %get3A_16 = arith.constant 0 : index
    %get3A_17 = arith.constant 0 : index
    %get3A_18 = vector.load %arg2[%get3A_16, %get3A_17] : memref<1024x4xf32, #tpu.memory_space<vmem>>, vector<1024x4xf32>
    %mul3A = vector.broadcast %rsqrt3A : vector<1024x1xf32> to vector<1024x4xf32>
    %mul3A_19 = arith.mulf %mul3A, %get3A_18 : vector<1024x4xf32>
    %broadcast_in_dim3A = arith.constant 0.000000e+00 : f32
    %broadcast_in_dim3A_20 = vector.broadcast %broadcast_in_dim3A : f32 to vector<1024x4xf32>
    %concatenate3A = tpu.concatenate %mul3A_19, %broadcast_in_dim3A_20 in 1 : vector<1024x4xf32>, vector<1024x4xf32> -> vector<1024x8xf32>
    %swap3A_21 = arith.constant 0 : index
    %swap3A_22 = arith.constant 0 : index
    %swap3A_23 = vector.load %arg4[%swap3A_21, %swap3A_22] : memref<1024x8xf32, #tpu.memory_space<vmem>>, vector<1024x8xf32>
    tpu.vector_store %arg4[%swap3A_21, %swap3A_22], %concatenate3A {strides = array<i32>} : memref<1024x8xf32, #tpu.memory_space<vmem>>, vector<1024x8xf32>,
    return
  }
  func.func @transform_0(%arg0: i32) -> (i32, i32, i32) {
    %c0_i32 = arith.constant 0 : i32
    %c0_i32_0 = arith.constant 0 : i32
    %c0_i32_1 = arith.constant 0 : i32
    return %c0_i32, %arg0, %c0_i32_0 : i32, i32, i32
  }
  func.func @transform_1(%arg0: i32) -> (i32, i32) {
    %c0_i32 = arith.constant 0 : i32
    %c0_i32_0 = arith.constant 0 : i32
    return %arg0, %c0_i32 : i32, i32
  }
  func.func @transform_2(%arg0: i32) -> (i32, i32) {
    %c0_i32 = arith.constant 0 : i32
    %c0_i32_0 = arith.constant 0 : i32
    return %arg0, %c0_i32 : i32, i32
  }
  func.func @transform_3(%arg0: i32) -> (i32, i32) {
    %c0_i32 = arith.constant 0 : i32
    %c0_i32_0 = arith.constant 0 : i32
    return %arg0, %c0_i32 : i32, i32
  }
}

module attributes {stable_mosaic.version = 14 : i64} {
  func.func @_tc_l1_body(%arg0: i32, %arg1: memref<1024x16xf32, #tpu.memory_space<vmem>>, %arg2: memref<1024x8xf32, #tpu.memory_space<vmem>>, %arg3: memref<1024x1xf32, #tpu.memory_space<vmem>>, %arg4: memref<4x64xf32, #tpu.memory_space<vmem>>, %arg5: memref<1x64xf32, #tpu.memory_space<vmem>>, %arg6: memref<1024x16xf32, #tpu.memory_space<vmem>>, %arg7: memref<1024x16xf32, #tpu.memory_space<vmem>>, %arg8: memref<1024x16xf32, #tpu.memory_space<vmem>>, %arg9: memref<1024x16xf32, #tpu.memory_space<vmem>>, %arg10: memref<1024x64xf32, #tpu.memory_space<vmem>>) attributes {dimension_semantics = [#tpu.dimension_semantics<arbitrary>], iteration_bounds = array<i64: 100>, scalar_prefetch = 0 : i64, scratch_operands = 0 : i64, tpu.core_type = #tpu.core_type<tc>, window_params = [{transform_indices = @transform_0, window_bounds = array<i64: 1024, 16>}, {transform_indices = @transform_1, window_bounds = array<i64: 1024, 8>}, {transform_indices = @transform_2, window_bounds = array<i64: 1024, 1>}, {pipeline_mode = #tpu.pipeline_mode<synchronous>, transform_indices = @transform_3, window_bounds = array<i64: 4, 64>}, {pipeline_mode = #tpu.pipeline_mode<synchronous>, transform_indices = @transform_4, window_bounds = array<i64: 1, 64>}, {transform_indices = @transform_5, window_bounds = array<i64: 1024, 16>}, {transform_indices = @transform_6, window_bounds = array<i64: 1024, 16>}, {transform_indices = @transform_7, window_bounds = array<i64: 1024, 16>}, {transform_indices = @transform_8, window_bounds = array<i64: 1024, 16>}, {transform_indices = @transform_9, window_bounds = array<i64: 1024, 64>}]} {
    %get3A = arith.constant 0 : index
    %get3A_0 = arith.constant 0 : index
    %get3A_1 = vector.load %arg3[%get3A, %get3A_0] : memref<1024x1xf32, #tpu.memory_space<vmem>>, vector<1024x1xf32>
    %get3A_2 = arith.constant 0 : index
    %get3A_3 = arith.constant 0 : index
    %get3A_4 = vector.load %arg1[%get3A_2, %get3A_3] : memref<1024x16xf32, #tpu.memory_space<vmem>>, vector<1024x4xf32>
    %get3A_5 = arith.constant 0 : index
    %get3A_6 = arith.constant 8 : index
    %get3A_7 = vector.load %arg1[%get3A_5, %get3A_6] : memref<1024x16xf32, #tpu.memory_space<vmem>>, vector<1024x4xf32>
    %add3A = arith.addf %get3A_4, %get3A_7 : vector<1024x4xf32>
    %get3A_8 = arith.constant 0 : index
    %get3A_9 = arith.constant 0 : index
    %get3A_10 = vector.load %arg2[%get3A_8, %get3A_9] : memref<1024x8xf32, #tpu.memory_space<vmem>>, vector<1024x4xf32>
    %add3A_11 = arith.addf %add3A, %get3A_10 : vector<1024x4xf32>
    %mul3A = vector.broadcast %get3A_1 : vector<1024x1xf32> to vector<1024x4xf32>
    %mul3A_12 = arith.mulf %mul3A, %add3A_11 : vector<1024x4xf32>
    %get3A_13 = arith.constant 0 : index
    %get3A_14 = arith.constant 0 : index
    %get3A_15 = vector.load %arg4[%get3A_13, %get3A_14] : memref<4x64xf32, #tpu.memory_space<vmem>>, vector<4x64xf32>
    %dot_general3A = arith.constant dense<0.000000e+00> : vector<1024x64xf32>
    %dot_general3A_16 = tpu.matmul %mul3A_12, %get3A_15, %dot_general3A {dimension_numbers = #tpu.dot_dimension_numbers<[1], [0], [0], [1], [0, 0, 1, 1], [], []>, precision = #tpu.contract_precision<fp32>, transpose_lhs_hint = false} : vector<1024x4xf32>, vector<4x64xf32>, vector<1024x64xf32> -> vector<1024x64xf32>
    %get3A_17 = arith.constant 0 : index
    %get3A_18 = arith.constant 0 : index
    %get3A_19 = vector.load %arg5[%get3A_17, %get3A_18] : memref<1x64xf32, #tpu.memory_space<vmem>>, vector<1x64xf32>
    %add3A_20 = vector.broadcast %get3A_19 : vector<1x64xf32> to vector<1024x64xf32>
    %add3A_21 = arith.addf %dot_general3A_16, %add3A_20 : vector<1024x64xf32>
    %max3A = arith.constant 0.000000e+00 : f32
    %max3A_22 = vector.broadcast %max3A : f32 to vector<1024x64xf32>
    %max3A_23 = arith.maximumf %add3A_21, %max3A_22 : vector<1024x64xf32>
    %mul3A_24 = vector.broadcast %get3A_1 : vector<1024x1xf32> to vector<1024x64xf32>
    %mul3A_25 = arith.mulf %mul3A_24, %max3A_23 : vector<1024x64xf32>
    %slice3A = vector.extract_strided_slice %mul3A_25 {offsets = [0, 0], sizes = [1024, 16], strides = [1, 1]} : vector<1024x64xf32> to vector<1024x16xf32>
    %swap3A = arith.constant 0 : index
    %swap3A_26 = arith.constant 0 : index
    %swap3A_27 = vector.load %arg6[%swap3A, %swap3A_26] : memref<1024x16xf32, #tpu.memory_space<vmem>>, vector<1024x16xf32>
    tpu.vector_store %arg6[%swap3A, %swap3A_26], %slice3A {strides = array<i32>} : memref<1024x16xf32, #tpu.memory_space<vmem>>, vector<1024x16xf32>,
    %slice3A_28 = vector.extract_strided_slice %mul3A_25 {offsets = [0, 16], sizes = [1024, 16], strides = [1, 1]} : vector<1024x64xf32> to vector<1024x16xf32>
    %swap3A_29 = arith.constant 0 : index
    %swap3A_30 = arith.constant 0 : index
    %swap3A_31 = vector.load %arg7[%swap3A_29, %swap3A_30] : memref<1024x16xf32, #tpu.memory_space<vmem>>, vector<1024x16xf32>
    tpu.vector_store %arg7[%swap3A_29, %swap3A_30], %slice3A_28 {strides = array<i32>} : memref<1024x16xf32, #tpu.memory_space<vmem>>, vector<1024x16xf32>,
    %slice3A_32 = vector.extract_strided_slice %mul3A_25 {offsets = [0, 32], sizes = [1024, 16], strides = [1, 1]} : vector<1024x64xf32> to vector<1024x16xf32>
    %swap3A_33 = arith.constant 0 : index
    %swap3A_34 = arith.constant 0 : index
    %swap3A_35 = vector.load %arg8[%swap3A_33, %swap3A_34] : memref<1024x16xf32, #tpu.memory_space<vmem>>, vector<1024x16xf32>
    tpu.vector_store %arg8[%swap3A_33, %swap3A_34], %slice3A_32 {strides = array<i32>} : memref<1024x16xf32, #tpu.memory_space<vmem>>, vector<1024x16xf32>,
    %slice3A_36 = vector.extract_strided_slice %mul3A_25 {offsets = [0, 48], sizes = [1024, 16], strides = [1, 1]} : vector<1024x64xf32> to vector<1024x16xf32>
    %swap3A_37 = arith.constant 0 : index
    %swap3A_38 = arith.constant 0 : index
    %swap3A_39 = vector.load %arg9[%swap3A_37, %swap3A_38] : memref<1024x16xf32, #tpu.memory_space<vmem>>, vector<1024x16xf32>
    tpu.vector_store %arg9[%swap3A_37, %swap3A_38], %slice3A_36 {strides = array<i32>} : memref<1024x16xf32, #tpu.memory_space<vmem>>, vector<1024x16xf32>,
    %mul3A_40 = vector.broadcast %get3A_1 : vector<1024x1xf32> to vector<1024x64xf32>
    %mul3A_41 = arith.mulf %mul3A_40, %mul3A_25 : vector<1024x64xf32>
    %swap3A_42 = arith.constant 0 : index
    %swap3A_43 = arith.constant 0 : index
    %swap3A_44 = vector.load %arg10[%swap3A_42, %swap3A_43] : memref<1024x64xf32, #tpu.memory_space<vmem>>, vector<1024x64xf32>
    tpu.vector_store %arg10[%swap3A_42, %swap3A_43], %mul3A_41 {strides = array<i32>} : memref<1024x64xf32, #tpu.memory_space<vmem>>, vector<1024x64xf32>,
    return
  }
  func.func @transform_0(%arg0: i32) -> (i32, i32) {
    %c0_i32 = arith.constant 0 : i32
    %c0_i32_0 = arith.constant 0 : i32
    return %arg0, %c0_i32 : i32, i32
  }
  func.func @transform_1(%arg0: i32) -> (i32, i32) {
    %c0_i32 = arith.constant 0 : i32
    %c0_i32_0 = arith.constant 0 : i32
    return %arg0, %c0_i32 : i32, i32
  }
  func.func @transform_2(%arg0: i32) -> (i32, i32) {
    %c0_i32 = arith.constant 0 : i32
    %c0_i32_0 = arith.constant 0 : i32
    return %arg0, %c0_i32 : i32, i32
  }
  func.func @transform_3(%arg0: i32) -> (i32, i32) {
    %c0_i32 = arith.constant 0 : i32
    %c0_i32_0 = arith.constant 0 : i32
    %c0_i32_1 = arith.constant 0 : i32
    return %c0_i32, %c0_i32_0 : i32, i32
  }
  func.func @transform_4(%arg0: i32) -> (i32, i32) {
    %c0_i32 = arith.constant 0 : i32
    %c0_i32_0 = arith.constant 0 : i32
    %c0_i32_1 = arith.constant 0 : i32
    return %c0_i32, %c0_i32_0 : i32, i32
  }
  func.func @transform_5(%arg0: i32) -> (i32, i32) {
    %c0_i32 = arith.constant 0 : i32
    %c0_i32_0 = arith.constant 0 : i32
    return %arg0, %c0_i32 : i32, i32
  }
  func.func @transform_6(%arg0: i32) -> (i32, i32) {
    %c0_i32 = arith.constant 0 : i32
    %c0_i32_0 = arith.constant 0 : i32
    return %arg0, %c0_i32 : i32, i32
  }
  func.func @transform_7(%arg0: i32) -> (i32, i32) {
    %c0_i32 = arith.constant 0 : i32
    %c0_i32_0 = arith.constant 0 : i32
    return %arg0, %c0_i32 : i32, i32
  }
  func.func @transform_8(%arg0: i32) -> (i32, i32) {
    %c0_i32 = arith.constant 0 : i32
    %c0_i32_0 = arith.constant 0 : i32
    return %arg0, %c0_i32 : i32, i32
  }
  func.func @transform_9(%arg0: i32) -> (i32, i32) {
    %c0_i32 = arith.constant 0 : i32
    %c0_i32_0 = arith.constant 0 : i32
    return %arg0, %c0_i32 : i32, i32
  }
}

module attributes {stable_mosaic.version = 14 : i64} {
  func.func @_tc_l2_body(%arg0: i32, %arg1: memref<2x1024x64xf32, #tpu.memory_space<vmem>>, %arg2: memref<1024x64xf32, #tpu.memory_space<vmem>>, %arg3: memref<1024x1xf32, #tpu.memory_space<vmem>>, %arg4: memref<64x64xf32, #tpu.memory_space<vmem>>, %arg5: memref<1x64xf32, #tpu.memory_space<vmem>>, %arg6: memref<64x2xf32, #tpu.memory_space<vmem>>, %arg7: memref<1x2xf32, #tpu.memory_space<vmem>>, %arg8: memref<1024x2xf32, #tpu.memory_space<vmem>>) attributes {dimension_semantics = [#tpu.dimension_semantics<arbitrary>], iteration_bounds = array<i64: 100>, scalar_prefetch = 0 : i64, scratch_operands = 0 : i64, tpu.core_type = #tpu.core_type<tc>, window_params = [{transform_indices = @transform_0, window_bounds = array<i64: 2, 1024, 64>}, {transform_indices = @transform_1, window_bounds = array<i64: 1024, 64>}, {transform_indices = @transform_2, window_bounds = array<i64: 1024, 1>}, {pipeline_mode = #tpu.pipeline_mode<synchronous>, transform_indices = @transform_3, window_bounds = array<i64: 64, 64>}, {pipeline_mode = #tpu.pipeline_mode<synchronous>, transform_indices = @transform_4, window_bounds = array<i64: 1, 64>}, {pipeline_mode = #tpu.pipeline_mode<synchronous>, transform_indices = @transform_5, window_bounds = array<i64: 64, 2>}, {pipeline_mode = #tpu.pipeline_mode<synchronous>, transform_indices = @transform_6, window_bounds = array<i64: 1, 2>}, {transform_indices = @transform_7, window_bounds = array<i64: 1024, 2>}]} {
    %get3A = arith.constant 0 : index
    %get3A_0 = arith.constant 0 : index
    %get3A_1 = vector.load %arg3[%get3A, %get3A_0] : memref<1024x1xf32, #tpu.memory_space<vmem>>, vector<1024x1xf32>
    %get3A_2 = arith.constant 0 : index
    %get3A_3 = arith.constant 0 : index
    %get3A_4 = arith.constant 0 : index
    %get3A_5 = vector.load %arg1[%get3A_2, %get3A_3, %get3A_4] : memref<2x1024x64xf32, #tpu.memory_space<vmem>>, vector<1x1024x64xf32>
    %get3A_6 = vector.shape_cast %get3A_5 : vector<1x1024x64xf32> to vector<1024x64xf32>
    %get3A_7 = arith.constant 1 : index
    %get3A_8 = arith.constant 0 : index
    %get3A_9 = arith.constant 0 : index
    %get3A_10 = vector.load %arg1[%get3A_7, %get3A_8, %get3A_9] : memref<2x1024x64xf32, #tpu.memory_space<vmem>>, vector<1x1024x64xf32>
    %get3A_11 = vector.shape_cast %get3A_10 : vector<1x1024x64xf32> to vector<1024x64xf32>
    %add3A = arith.addf %get3A_6, %get3A_11 : vector<1024x64xf32>
    %mul3A = vector.broadcast %get3A_1 : vector<1024x1xf32> to vector<1024x64xf32>
    %mul3A_12 = arith.mulf %mul3A, %add3A : vector<1024x64xf32>
    %get3A_13 = arith.constant 0 : index
    %get3A_14 = arith.constant 0 : index
    %get3A_15 = vector.load %arg2[%get3A_13, %get3A_14] : memref<1024x64xf32, #tpu.memory_space<vmem>>, vector<1024x64xf32>
    %add3A_16 = arith.addf %mul3A_12, %get3A_15 : vector<1024x64xf32>
    %get3A_17 = arith.constant 0 : index
    %get3A_18 = arith.constant 0 : index
    %get3A_19 = vector.load %arg4[%get3A_17, %get3A_18] : memref<64x64xf32, #tpu.memory_space<vmem>>, vector<64x64xf32>
    %dot_general3A = arith.constant dense<0.000000e+00> : vector<1024x64xf32>
    %dot_general3A_20 = tpu.matmul %add3A_16, %get3A_19, %dot_general3A {dimension_numbers = #tpu.dot_dimension_numbers<[1], [0], [0], [1], [0, 0, 1, 1], [], []>, precision = #tpu.contract_precision<fp32>, transpose_lhs_hint = false} : vector<1024x64xf32>, vector<64x64xf32>, vector<1024x64xf32> -> vector<1024x64xf32>
    %get3A_21 = arith.constant 0 : index
    %get3A_22 = arith.constant 0 : index
    %get3A_23 = vector.load %arg5[%get3A_21, %get3A_22] : memref<1x64xf32, #tpu.memory_space<vmem>>, vector<1x64xf32>
    %add3A_24 = vector.broadcast %get3A_23 : vector<1x64xf32> to vector<1024x64xf32>
    %add3A_25 = arith.addf %dot_general3A_20, %add3A_24 : vector<1024x64xf32>
    %max3A = arith.constant 0.000000e+00 : f32
    %max3A_26 = vector.broadcast %max3A : f32 to vector<1024x64xf32>
    %max3A_27 = arith.maximumf %add3A_25, %max3A_26 : vector<1024x64xf32>
    %get3A_28 = arith.constant 0 : index
    %get3A_29 = arith.constant 0 : index
    %get3A_30 = vector.load %arg6[%get3A_28, %get3A_29] : memref<64x2xf32, #tpu.memory_space<vmem>>, vector<64x2xf32>
    %dot_general3A_31 = arith.constant dense<0.000000e+00> : vector<1024x2xf32>
    %dot_general3A_32 = tpu.matmul %max3A_27, %get3A_30, %dot_general3A_31 {dimension_numbers = #tpu.dot_dimension_numbers<[1], [0], [0], [1], [0, 0, 1, 1], [], []>, precision = #tpu.contract_precision<fp32>, transpose_lhs_hint = false} : vector<1024x64xf32>, vector<64x2xf32>, vector<1024x2xf32> -> vector<1024x2xf32>
    %get3A_33 = arith.constant 0 : index
    %get3A_34 = arith.constant 0 : index
    %get3A_35 = vector.load %arg7[%get3A_33, %get3A_34] : memref<1x2xf32, #tpu.memory_space<vmem>>, vector<1x2xf32>
    %add3A_36 = vector.broadcast %get3A_35 : vector<1x2xf32> to vector<1024x2xf32>
    %add3A_37 = arith.addf %dot_general3A_32, %add3A_36 : vector<1024x2xf32>
    %swap3A = arith.constant 0 : index
    %swap3A_38 = arith.constant 0 : index
    %swap3A_39 = vector.load %arg8[%swap3A, %swap3A_38] : memref<1024x2xf32, #tpu.memory_space<vmem>>, vector<1024x2xf32>
    tpu.vector_store %arg8[%swap3A, %swap3A_38], %add3A_37 {strides = array<i32>} : memref<1024x2xf32, #tpu.memory_space<vmem>>, vector<1024x2xf32>,
    return
  }
  func.func @transform_0(%arg0: i32) -> (i32, i32, i32) {
    %c0_i32 = arith.constant 0 : i32
    %c0_i32_0 = arith.constant 0 : i32
    %c0_i32_1 = arith.constant 0 : i32
    return %c0_i32, %arg0, %c0_i32_0 : i32, i32, i32
  }
  func.func @transform_1(%arg0: i32) -> (i32, i32) {
    %c0_i32 = arith.constant 0 : i32
    %c0_i32_0 = arith.constant 0 : i32
    return %arg0, %c0_i32 : i32, i32
  }
  func.func @transform_2(%arg0: i32) -> (i32, i32) {
    %c0_i32 = arith.constant 0 : i32
    %c0_i32_0 = arith.constant 0 : i32
    return %arg0, %c0_i32 : i32, i32
  }
  func.func @transform_3(%arg0: i32) -> (i32, i32) {
    %c0_i32 = arith.constant 0 : i32
    %c0_i32_0 = arith.constant 0 : i32
    %c0_i32_1 = arith.constant 0 : i32
    return %c0_i32, %c0_i32_0 : i32, i32
  }
  func.func @transform_4(%arg0: i32) -> (i32, i32) {
    %c0_i32 = arith.constant 0 : i32
    %c0_i32_0 = arith.constant 0 : i32
    %c0_i32_1 = arith.constant 0 : i32
    return %c0_i32, %c0_i32_0 : i32, i32
  }
  func.func @transform_5(%arg0: i32) -> (i32, i32) {
    %c0_i32 = arith.constant 0 : i32
    %c0_i32_0 = arith.constant 0 : i32
    %c0_i32_1 = arith.constant 0 : i32
    return %c0_i32, %c0_i32_0 : i32, i32
  }
  func.func @transform_6(%arg0: i32) -> (i32, i32) {
    %c0_i32 = arith.constant 0 : i32
    %c0_i32_0 = arith.constant 0 : i32
    %c0_i32_1 = arith.constant 0 : i32
    return %c0_i32, %c0_i32_0 : i32, i32
  }
  func.func @transform_7(%arg0: i32) -> (i32, i32) {
    %c0_i32 = arith.constant 0 : i32
    %c0_i32_0 = arith.constant 0 : i32
    return %arg0, %c0_i32 : i32, i32
  }
}

</mosaic_0001>

<sc_bundles>
// kernel: kernel.11.cloned.1.call-start
scs
__scs_entry_jumppad:
0x0: {  	(pc) =	sbr.rel $0x88, $3  }
0x1: {  	(tag) =	ssettag $0x0;
	lr =	simm.s32 $0x1  }
0x2: {  	[smem:$0x3F99] =	sst lr;
	_ =	strace $0xD0000000  }
0x3: {  	_ = 	snop  }
0x4: {  	_ = 	snop  }
0x5: {  	_ = 	snop  }
0x6: {  	_ = 	snop  }
0x7: {  	_ = 	snop  }
__scs_overlays_trampoline_lowered:
0x8: {  	[smem:$0x3FA8] =	sst s0  }
0x9: {  	[smem:$0x3FA9] =	sst s1  }
0xa: {  	[smem:$0x3FAA] =	sst s2  }
0xb: {  	[smem:$0x3FAB] =	sst s3  }
0xc: {  	[smem:$0x3FAC] =	sst s4  }
0xd: {  	[smem:$0x3FAD] =	sst s5  }
0xe: {  	[smem:$0x3FAE] =	sst s6  }
0xf: {  	[smem:$0x3FAF] =	sst s7  }
0x10: {  	[smem:$0x3FB0] =	sst s8  }
0x11: {  	[smem:$0x3FB1] =	sst s9;
	s0 =	simm.s32 @!p0 $0x0  }
0x12: {  	s1 =	sld [smem:$0x3F97];
	s0 =	simm.s32 @p0 $0x1  }
0x13: {  	[smem:$0x3FB2] =	sst s0;
	s0 =	simm.s32 @!p1 $0x0  }
0x14: {  	s2 =	sld [smem:$0x3F96];
	s0 =	simm.s32 @p1 $0x1  }
0x15: {  	[smem:$0x3FB3] =	sst s0;
	s0 =	simm.s32 @!p2 $0x0  }
0x16: {  	s3 =	sld [smem:$0x3FDB];
	s0 =	simm.s32 @p2 $0x1  }
0x17: {  	s4 =	simm.s32 $0x1BF5;
	[smem:$0x3FB5] =	sst s0  }
0x18: {  	s0 =	sld [smem:$0x3F98];
	_ =	swait.ge [sflag:s4], $0x0  }
0x19: {  	s7 =	sld [smem:$0x3F99]  }
0x1a: {  	s8 =	sadd.s32 $0xFFFFE003, lr  }
0x1b: {  	s9 =	sadd.s32 $0xFFFFFEF7, lr;
	s5 =	simm.s32 $0xFFFFFFFF;
	p2 =	slt.u32 s8, $0xFFFFF086  }
0x1c: {  	p1 =	slt.u32 s9, $0xF7A;
	s5 =	simm.s32 @!p2 $0x0  }
0x1d: {  	s5 =	simm.s32 @p1 $0x1;
	p0 =	seq.s32 s7, s2  }
0x1e: {  	s7 =	smul.u32 @!p0 $0xF7A, s2;
	p2 =	seq.s32 @!p0 s5, $0x0  }
0x1f: {  	s9 =	smul.u32 $0xF7A, s1;
	s8 =	simm.s32 @!p0 $0x1BF5;
	p2 =	por !p2, p0  }
0x20: {  	[sflag:s8] =	ssyncset.s32 @!p0 $0xFFFFF086;
	s6 =	sadd.s32 @!p0 s3, s7;
	s7 =	simm.s32 @!p0 $0x108  }
0x21: {  	s3 =	sadd.s32 s3, s9;
	s6 =	sadd.s32 @!p0 $0x88, s6;
	s7 =	simm.s32 @p2 $0x1082  }
0x22: {  	[simem:s7], [sflag:s8] =	dma.local @!p0 [hbm:s6], $0xF7A  }
0x23: {  	s9 =	sor.u32 $0xD0000000, s2;
	s6 =	simm.s32 $0x108;
	_ =	swait.ge @!p0 [sflag:s8], $0x0  }
0x24: {  	s3 =	sadd.s32 $0x88, s3;
	s6 =	simm.s32 @!p1 $0x1082;
	[sflag:s4] =	ssyncset.s32 $0xFFFFF086  }
0x25: {  	[simem:s6], [sflag:s4] =	dma.local [hbm:s3], $0xF7A  }
0x26: {  	[smem:$0x3F99] =	sst s1;
	(tag) =	ssettag s2;
	_ =	strace s9  }
0x27: {  	s1 =	sld [smem:$0x3FA9]  }
0x28: {  	s2 =	sld [smem:$0x3FAA]  }
0x29: {  	s4 =	sld [smem:$0x3FAC]  }
0x2a: {  	p0 =	seq.s32 s5, $0x0;
	s5 =	sld [smem:$0x3FAD]  }
0x2b: {  	s6 =	sld [smem:$0x3FAE]  }
0x2c: {  	s7 =	sld [smem:$0x3FAF]  }
0x2d: {  	s3 =	simm.s32 $0x108;
	s8 =	sld [smem:$0x3FB0]  }
0x2e: {  	s3 =	simm.s32 @!p0 $0x1082;
	s9 =	sld [smem:$0x3FB1]  }
0x2f: {  	lr =	sadd.s32 s0, s3;
	s0 =	sld [smem:$0x3FA8]  }
0x30: {  	s3 =	sld [smem:$0x3FAB]  }
0x31: {  	[smem:$0x3FB4] =	sst s10  }
0x32: {  	s10 =	sld [smem:$0x3FB2];
	_ =	sdelay $0x3  }
0x33: {  	p0 =	seq.s32 s10, $0x1;
	s10 =	sld [smem:$0x3FB4];
	_ =	sdelay $0x3  }
0x34: {  	[smem:$0x3FB4] =	sst s10  }
0x35: {  	s10 =	sld [smem:$0x3FB3];
	_ =	sdelay $0x3  }
0x36: {  	p1 =	seq.s32 s10, $0x1;
	s10 =	sld [smem:$0x3FB4];
	_ =	sdelay $0x3  }
0x37: {  	[smem:$0x3FB4] =	sst s10  }
0x38: {  	s10 =	sld [smem:$0x3FB5]  }
0x39: {  	_ = 	snop;
	(pc) =	sbr.ind lr, $3  }
0x3a: {  	_ = 	snop  }
0x3b: {  	_ = 	snop  }
0x3c: {  	p2 =	seq.s32 s10, $0x1;
	s10 =	sld [smem:$0x3FB4]  }
0x3d: {  	_ =	shalt  }
0x3e: {  	_ =	shalt  }
0x3f: {  	_ =	shalt  }
0x40: {  	_ =	shalt  }
0x41: {  	_ =	shalt  }
0x42: {  	_ =	shalt  }
0x43: {  	_ =	shalt  }
0x44: {  	_ =	shalt  }
0x45: {  	_ =	shalt  }
0x46: {  	_ =	shalt  }
0x47: {  	_ =	shalt  }
0x48: {  	_ =	shalt  }
0x49: {  	_ =	shalt  }
0x4a: {  	_ =	shalt  }
0x4b: {  	_ =	shalt  }
0x4c: {  	_ =	shalt  }
0x4d: {  	_ =	shalt  }
0x4e: {  	_ =	shalt  }
0x4f: {  	_ =	shalt  }
0x50: {  	_ =	shalt  }
0x51: {  	_ =	shalt  }
0x52: {  	_ =	shalt  }
0x53: {  	_ =	shalt  }
0x54: {  	_ =	shalt  }
0x55: {  	_ =	shalt  }
0x56: {  	_ =	shalt  }
0x57: {  	_ =	shalt  }
0x58: {  	_ =	shalt  }
0x59: {  	_ =	shalt  }
0x5a: {  	_ =	shalt  }
0x5b: {  	_ =	shalt  }
0x5c: {  	_ =	shalt  }
0x5d: {  	_ =	shalt  }
0x5e: {  	_ =	shalt  }
0x5f: {  	_ =	shalt  }
0x60: {  	_ =	shalt  }
0x61: {  	_ =	shalt  }
0x62: {  	_ =	shalt  }
0x63: {  	_ =	shalt  }
0x64: {  	_ =	shalt  }
0x65: {  	_ =	shalt  }
0x66: {  	_ =	shalt  }
0x67: {  	_ =	shalt  }
0x68: {  	_ =	shalt  }
0x69: {  	_ =	shalt  }
0x6a: {  	_ =	shalt  }
0x6b: {  	_ =	shalt  }
0x6c: {  	_ =	shalt  }
0x6d: {  	_ =	shalt  }
0x6e: {  	_ =	shalt  }
0x6f: {  	_ =	shalt  }
0x70: {  	_ =	shalt  }
0x71: {  	_ =	shalt  }
0x72: {  	_ =	shalt  }
0x73: {  	_ =	shalt  }
0x74: {  	_ =	shalt  }
0x75: {  	_ =	shalt  }
0x76: {  	_ =	shalt  }
0x77: {  	_ =	shalt  }
0x78: {  	_ =	shalt  }
0x79: {  	_ =	shalt  }
0x7a: {  	_ =	shalt  }
0x7b: {  	_ =	shalt  }
0x7c: {  	_ =	shalt  }
0x7d: {  	_ =	shalt  }
0x7e: {  	_ =	shalt  }
0x7f: {  	_ =	shalt  }
0x80: {  	_ =	shalt  }
0x81: {  	_ =	shalt  }
0x82: {  	_ =	shalt  }
0x83: {  	_ =	shalt  }
0x84: {  	_ =	shalt  }
0x85: {  	_ =	shalt  }
0x86: {  	_ =	shalt  }
0x87: {  	_ =	shalt  }
.Lfunc_end0:
.L_simem_size_0:
called_computation.1_lowered:
.L_overlay_start_0:
0x88: {  	s2 =	sld [smem:$0x3FD9]  }
0x89: {  	s3 =	sld [smem:$0x3FFE];
	_ =	sdelay $0x1  }
0x8a: {  	s1 =	srdreg.scid  }
0x8b: {  	s0 =	sand.u32 $0x1, s1  }
0x8c: {  	s17 =	sshll.u32 s0, $0xA;
	s2 =	sadd.s32 s3, s2  }
0x8d: {  	s2 =	sadd.s32 s2, s17  }
0x8e: {  	[smem:$0x3FC0] =	sst s2  }
0x8f: {  	_ = 	snop  }
0x90: {  	s2 =	sld [smem:$0x3FD0];
	(tm) =	ssettm $0x1  }
0x91: {  	s18 =	sld [smem:$0x3FFB];
	_ =	sdelay $0x3  }
0x92: {  	_ =	strace s18  }
0x93: {  	s3 =	sld [smem:$0x3FFC];
	_ =	sdelay $0x3  }
0x94: {  	_ =	strace s3  }
0x95: {  	s3 =	sld [smem:$0x3FFD];
	_ =	sdelay $0x3  }
0x96: {  	_ =	strace s3  }
0x97: {  	_ =	strace $0x8FFFFFFF  }
0x98: {  	s19 =	sld [smem:$0x3FDB];
	_ =	sdelay $0x1  }
0x99: {  	s4 =	simm.s32 $_scs_section_size  }
0x9a: {  	s5 =	simm.s32 $_size__tile_overlayer_lowered;
	s6 =	simm.s32 $_tile_overlayer_lowered  }
0x9b: {  	s22 =	simm.s32 $0x1BFF;
	s21 =	sshll.u32 s6, $0x1;
	s3 =	sadd.s32 s4, s19  }
0x9c: {  	s7 =	simm.s32 $0x0;
	s20 =	sshll.u32 s5, $0x1;
	s5 =	sadd.s32 s21, s3  }
0x9d: {  	[timem:s7], [sflag:s22] =	dma.local [hbm:s5], s20  }
0x9e: {  	_ =	swait.ge [sflag:s22], s20  }
0x9f: {  	s4 =	ssub.s32 $0x0, s20;
	[sflag:s22] =	ssyncset.done $0x0  }
0xa0: {  	[sflag:s22] =	ssyncadd.s32 s4;
	_ =	sdelay $0x1  }
0xa1: {  	s23 =	simm.s32 $0x1B8B  }
0xa2: {  	_ =	swait.ge [sflag:s23], $0x1  }
0xa3: {  	[sflag:s23] =	ssyncset.done $0x0  }
0xa4: {  	s25 =	simm.s32 $0x1B8E;
	s24 =	sld [smem:$0x3FFE];
	[sflag:s23] =	ssyncadd.s32 $0xFFFFFFFF  }
0xa5: {  	s26 =	simm.s32 $execute0_lowered;
	[smem:$0x3FD2] =	sst s25  }
0xa6: {  	s5 =	sshll.u32 s26, $0x1;
	_ =	strace $0x80000049;
	[dreg:$0x1] =	wrdreg $0xFFFFFFFF  }
0xa7: {  	s28 =	simm.s32 $_size_execute0_lowered;
	s3 =	sadd.s32 s3, s5;
	[dreg:$0x0] =	wrdreg $0x0  }
0xa8: {  	s5 =	sshll.u32 s28, $0x1;
	[dreg:$0x2] =	wrdreg s3  }
0xa9: {  	[dreg:$0x3] =	wrdreg s5  }
0xaa: {  	[dreg:$0x4] =	wrdreg $0xC0  }
0xab: {  	_ =	task [dreg:s7], $0x5FFFF  }
0xac: {  	[dreg:$0x1] =	wrdreg $0xFFFFFFFF  }
0xad: {  	[dreg:$0x0] =	wrdreg $0x60  }
0xae: {  	[dreg:$0x2] =	wrdreg s24  }
0xaf: {  	[dreg:$0x3] =	wrdreg s2  }
0xb0: {  	[dreg:$0x4] =	wrdreg $0x9C400  }
0xb1: {  	[dreg:$0x5] =	wrdreg $0x9  }
0xb2: {  	_ =	task.clear_ibuf [dreg:s7], $0x6FFFF;
	_ =	strace $0x90000049  }
0xb3: {  	s29 =	simm.s32 $0x9;
	_ =	strace $0x8000004B  }
0xb4: {  	_ =	swait.ge [sflag:s29], $0x1  }
0xb5: {  	[sflag:s29] =	ssyncadd.s32 $0xFFFFFFFF  }
0xb6: {  	_ =	strace $0x9000004B  }
0xb7: {  	_ =	sfence  }
0xb8: {  	s30 =	sld [smem:$0x0];
	_ =	sdelay $0x2  }
0xb9: {  	s31 =	sshll.u32 s1, $0xD;
	s1 =	sshrl.u32 s1, $0x2  }
0xba: {  	s3 =	sand.u32 $0x4000, s31;
	s1 =	sadd.s32 s1, s30  }
0xbb: {  	s0 =	sor.u32 s3, s0;
	s1 =	sshll.u32 s1, $0x11  }
0xbc: {  	s0 =	sor.u32 s1, s0  }
0xbd: {  	s0 =	sadd.s32 $0x8F2B, s0  }
0xbe: {  	[sflag:s0] =	ssyncadd.remote.s32 $0x1  }
0xbf: {  	_ =	sfence.sel $0xFFFF  }
0xc0: {  	[dreg:$0x0] =	wrdreg $0xFFFFFFFF;
	(pc) =	sbr.abs _section_cstart, $3  }
0xc1: {  	[dreg:$0x1] =	wrdreg $0xFFFFFFFF  }
0xc2: {  	_ =	task.clear_ibuf [dreg:s7], $0x2FFFF;
	_ =	strace $0x9FFFFFFF  }
0xc3: {  	(tm) =	ssettm $0x7FFFFFFF  }
tec
execute0_lowered:
.L_overlay_start_1:
0x0: {  	(tag) =	ssettag $0x1  }
0x1: {  	s0 =	rddreg [dreg:$0x0]  }
0x2: {  	s2 =	rddreg [dreg:$0x2];
	s3 =	simm.s32 $0x0  }
0x3: {  	s4 =	srdreg.scid;
	s1 =	stileid.u32;
	s28 =	simm.s32 $0x5  }
0x4: {  	s29 =	simm.s32 $0x4;
	s30 =	simm.s32 $0x6;
	s31 =	simm.s32 $0x0  }
0x5: {  	[smem:$0x7FF] =	sst s3;
	s16 =	sadd.s32 $0x32200, s0;
	s14 =	sadd.s32 $0x1400, s0  }
0x6: {  	s5 =	sadd.s32 $0x63000, s0;
	s12 =	sand.u32 $0x1, s4;
	s8 =	smul.u32 $0x32000, s1  }
0x7: {  	s7 =	sshll.u32 s1, $0x1;
	s21 =	sshll.u32 s1, $0x6;
	s22 =	smul.u32 $0x3200, s1  }
0x8: {  	s18 =	smul.u32 $0x1F4, s1;
	_ =	strace $0x8000004A;
	s6 =	ssub.s32 $0x2, s12  }
0x9: {  	s0 =	sadd.s32 s12, s0;
	s10 =	sor.u32 s12, s7;
	s19 =	smul.u32 $0xFA, s12  }
0xa: {  	s9 =	sshrl.u32 s6, $0x1;
	s20 =	sshrl.u32 s8, $0x2;
	s13 =	smul.u32 $0xFA, s10  }
0xb: {  	s10 =	sor.u32 $0x40, s10;
	s0 =	sadd.s32 s22, s0;
	s25 =	sadd.s32 s18, s14  }
0xc: {  	s26 =	sadd.s32 s18, s16;
	s18 =	simm.s32 $0x7;
	s22 =	simm.s32 $0x1F40  }
0xd: {  	s11 =	ssub.s32 s6, s9;
	s17 =	sadd.s32 s20, s2;
	s6 =	sor.u32 $0x1C07, s21  }
0xe: {  	s15 =	smul.u32 $0xFA, s10;
	s9 =	sadd.s32 $0x7C000, s0;
	s20 =	simm.s32 $0x1  }
0xf: {  	s21 =	simm.s32 $0x7D0;
	s23 =	sadd.s32 s16, s13;
	s8 =	sadd.s32 s14, s13  }
0x10: {  	s24 =	sadd.s32 $0x1F40, s13;
	s10 =	smax.u32 s11, $0x1;
	s17 =	sshrl.u32 s17, $0x3  }
0x11: {  	[dreg:$0x4] =	wrdreg s23;
	s11 =	sadd.s32 s16, s24;
	s12 =	sadd.s32 s14, s24  }
0x12: {  	s13 =	sadd.s32 s16, s15;
	s14 =	sadd.s32 s14, s15;
	s15 =	sadd.s32 s19, s25  }
0x13: {  	s16 =	sadd.s32 s19, s26;
	s19 =	simm.s32 $0xFA0;
	s23 =	simm.s32 $0x1770  }
0x14: {  	s24 =	simm.s32 $0x3;
	s25 =	simm.s32 $0x2;
	s26 =	simm.s32 $0x5DC0  }
.LBB2_1:
0x15: {  	s0 =	rddreg [dreg:$0x1]  }
0x16: {  	[spmem:s17], [sflag:s6] =	dma.local [hbm:s0], $0x1900  }
0x17: {  	_ =	swait.ge [sflag:s18], $0x1900  }
0x18: {  	[sflag:s18] =	ssyncset.done $0x0  }
0x19: {  	[sflag:s18] =	ssyncadd.s32 $0xFFFFE700  }
0x1a: {  	[bflag:$0x0] =	sbarrier.arrive $0xFFFF  }
0x1b: {  	s4 =	rddreg [dreg:$0x4]  }
0x1c: {  	[tilespmem:s3], [sflag:$0x1] =	stream.linear.gather [hbm4b:s4+s3], $0x7D0, $0x38;
	[tilespmem:$0x16440] =	vst v63  }
0x1d: {  	_ = 	snop  }
0x1e: {  	[tilespmem:s19], [sflag:$0x1] =	stream.linear.gather [hbm4b:s8+s3], $0x7D0, $0x38;
	[tilespmem:$0x16440] =	vst v63  }
0x1f: {  	_ =	swait.ge [sflag:s20], $0x7D0  }
0x20: {  	[sflag:s20] =	ssyncset.done $0x0  }
0x21: {  	[sflag:s20] =	ssyncadd.s32 $0xFFFFF830  }
0x22: {  	_ =	swait.ge [sflag:s20], $0x7D0  }
0x23: {  	[sflag:s20] =	ssyncset.done $0x0  }
0x24: {  	[sflag:s20] =	ssyncadd.s32 $0xFFFFF830  }
0x25: {  	[tilespmem:s22], [sflag:$0x3] =	stream.indirect.gather [hbm4b:s5+s21], $0x8, s3, s21, $0xb8;
	[tilespmem:$0x16440] =	vst v63  }
0x26: {  	_ = 	snop  }
0x27: {  	[tilespmem:s21], [sflag:$0x2] =	stream.linear.gather [hbm4b:s11+s3], $0x7D0, $0x38;
	[tilespmem:$0x16440] =	vst v63  }
0x28: {  	_ = 	snop  }
0x29: {  	[tilespmem:s23], [sflag:$0x2] =	stream.linear.gather [hbm4b:s12+s3], $0x7D0, $0x38;
	[tilespmem:$0x16440] =	vst v63  }
0x2a: {  	_ =	swait.ge [sflag:s24], $0x3E80  }
0x2b: {  	[sflag:s24] =	ssyncset.done $0x0  }
0x2c: {  	[sflag:s24] =	ssyncadd.s32 $0xFFFFC180  }
0x2d: {  	[spmem:s2] =	stream.indirect.scatter.add.f32 [tilespmem:s22], [sflag:$0x5], $0x8, s19, s21, $0xb8;
	[tilespmem:$0x16440] =	vst v63  }
0x2e: {  	_ =	swait.ge [sflag:s25], $0x7D0  }
0x2f: {  	[sflag:s25] =	ssyncset.done $0x0  }
0x30: {  	[sflag:s25] =	ssyncadd.s32 $0xFFFFF830  }
0x31: {  	_ =	swait.ge [sflag:s25], $0x7D0  }
0x32: {  	[sflag:s25] =	ssyncset.done $0x0  }
0x33: {  	[sflag:s25] =	ssyncadd.s32 $0xFFFFF830  }
0x34: {  	[tilespmem:s26], [sflag:$0x4] =	stream.indirect.gather [hbm4b:s5+s21], $0x8, s21, s21, $0xb8;
	[tilespmem:$0x16440] =	vst v63  }
0x35: {  	_ =	swait.ge [sflag:s28], $0x3E80  }
0x36: {  	[sflag:s28] =	ssyncset.done $0x0  }
0x37: {  	[sflag:s28] =	ssyncadd.s32 $0xFFFFC180  }
0x38: {  	[tilespmem:s3], [sflag:$0x1] =	stream.linear.gather [hbm4b:s13+s3], $0x7D0, $0x38;
	[tilespmem:$0x16440] =	vst v63  }
0x39: {  	_ = 	snop  }
0x3a: {  	[tilespmem:s19], [sflag:$0x1] =	stream.linear.gather [hbm4b:s14+s3], $0x7D0, $0x38;
	[tilespmem:$0x16440] =	vst v63  }
0x3b: {  	_ =	swait.ge [sflag:s29], $0x3E80  }
0x3c: {  	[sflag:s29] =	ssyncset.done $0x0  }
0x3d: {  	[sflag:s29] =	ssyncadd.s32 $0xFFFFC180  }
0x3e: {  	[spmem:s2] =	stream.indirect.scatter.add.f32 [tilespmem:s26], [sflag:$0x6], $0x8, s23, s21, $0xb8;
	[tilespmem:$0x16440] =	vst v63  }
0x3f: {  	_ =	swait.ge [sflag:s20], $0x7D0  }
0x40: {  	[sflag:s20] =	ssyncset.done $0x0  }
0x41: {  	[sflag:s20] =	ssyncadd.s32 $0xFFFFF830  }
0x42: {  	_ =	swait.ge [sflag:s20], $0x7D0  }
0x43: {  	[sflag:s20] =	ssyncset.done $0x0  }
0x44: {  	[sflag:s20] =	ssyncadd.s32 $0xFFFFF830  }
0x45: {  	[tilespmem:s22], [sflag:$0x3] =	stream.indirect.gather [hbm4b:s5+s21], $0x8, s3, s21, $0xb8;
	[tilespmem:$0x16440] =	vst v63  }
0x46: {  	_ =	swait.ge [sflag:s30], $0x3E80  }
0x47: {  	s0 =	sadd.s32 $0x0, s16;
	[sflag:s30] =	ssyncset.done $0x0  }
0x48: {  	s1 =	sadd.s32 $0x0, s15;
	s4 =	sadd.s32 $0x5DC0, s0;
	[sflag:s30] =	ssyncadd.s32 $0xFFFFC180  }
0x49: {  	[tilespmem:s21], [sflag:$0x2] =	stream.linear.gather [hbm4b:s4+s3], $0x7D0, $0x38;
	[tilespmem:$0x16440] =	vst v63  }
0x4a: {  	s7 =	sadd.s32 $0x5DC0, s1  }
0x4b: {  	[tilespmem:s23], [sflag:$0x2] =	stream.linear.gather [hbm4b:s7+s3], $0x7D0, $0x38;
	[tilespmem:$0x16440] =	vst v63  }
0x4c: {  	_ =	swait.ge [sflag:s24], $0x3E80  }
0x4d: {  	[sflag:s24] =	ssyncset.done $0x0  }
0x4e: {  	[sflag:s24] =	ssyncadd.s32 $0xFFFFC180  }
0x4f: {  	[spmem:s2] =	stream.indirect.scatter.add.f32 [tilespmem:s22], [sflag:$0x5], $0x8, s19, s21, $0xb8;
	[tilespmem:$0x16440] =	vst v63  }
0x50: {  	_ =	swait.ge [sflag:s25], $0x7D0  }
0x51: {  	[sflag:s25] =	ssyncset.done $0x0  }
0x52: {  	[sflag:s25] =	ssyncadd.s32 $0xFFFFF830  }
0x53: {  	_ =	swait.ge [sflag:s25], $0x7D0  }
0x54: {  	[sflag:s25] =	ssyncset.done $0x0  }
0x55: {  	[sflag:s25] =	ssyncadd.s32 $0xFFFFF830  }
0x56: {  	[tilespmem:s26], [sflag:$0x4] =	stream.indirect.gather [hbm4b:s5+s21], $0x8, s21, s21, $0xb8;
	[tilespmem:$0x16440] =	vst v63  }
0x57: {  	_ =	swait.ge [sflag:s28], $0x3E80  }
0x58: {  	[sflag:s28] =	ssyncset.done $0x0  }
0x59: {  	s0 =	sadd.s32 $0x7D00, s0;
	[sflag:s28] =	ssyncadd.s32 $0xFFFFC180  }
0x5a: {  	[tilespmem:s3], [sflag:$0x1] =	stream.linear.gather [hbm4b:s0+s3], $0x7D0, $0x38;
	[tilespmem:$0x16440] =	vst v63  }
0x5b: {  	s7 =	sadd.s32 $0x7D00, s1  }
0x5c: {  	[tilespmem:s19], [sflag:$0x1] =	stream.linear.gather [hbm4b:s7+s3], $0x7D0, $0x38;
	[tilespmem:$0x16440] =	vst v63  }
0x5d: {  	_ =	swait.ge [sflag:s29], $0x3E80  }
0x5e: {  	[sflag:s29] =	ssyncset.done $0x0  }
0x5f: {  	s0 =	simm.s32 $0x3E80;
	[sflag:s29] =	ssyncadd.s32 $0xFFFFC180  }
.LBB2_2:
0x60: {  	[spmem:s2] =	stream.indirect.scatter.add.f32 [tilespmem:s26], [sflag:$0x6], $0x8, s23, s21, $0xb8;
	[tilespmem:$0x16440] =	vst v63  }
0x61: {  	s1 =	smov.u32 s0  }
0x62: {  	p0 =	sne.s32 s0, $0x27100;
	s0 =	sadd.s32 $0x3E80, s0;
	_ =	swait.ge [sflag:s20], $0x7D0  }
0x63: {  	[sflag:s20] =	ssyncset.done $0x0  }
0x64: {  	[sflag:s20] =	ssyncadd.s32 $0xFFFFF830  }
0x65: {  	_ =	swait.ge [sflag:s20], $0x7D0  }
0x66: {  	[sflag:s20] =	ssyncset.done $0x0  }
0x67: {  	[sflag:s20] =	ssyncadd.s32 $0xFFFFF830  }
0x68: {  	[tilespmem:s22], [sflag:$0x3] =	stream.indirect.gather [hbm4b:s5+s21], $0x8, s3, s21, $0xb8;
	[tilespmem:$0x16440] =	vst v63  }
0x69: {  	_ =	swait.ge [sflag:s30], $0x3E80  }
0x6a: {  	s4 =	sadd.s32 s1, s16;
	[sflag:s30] =	ssyncset.done $0x0  }
0x6b: {  	s1 =	sadd.s32 s1, s15;
	s7 =	sadd.s32 $0x5DC0, s4;
	[sflag:s30] =	ssyncadd.s32 $0xFFFFC180  }
0x6c: {  	[tilespmem:s21], [sflag:$0x2] =	stream.linear.gather [hbm4b:s7+s3], $0x7D0, $0x38;
	[tilespmem:$0x16440] =	vst v63  }
0x6d: {  	s7 =	sadd.s32 $0x5DC0, s1  }
0x6e: {  	[tilespmem:s23], [sflag:$0x2] =	stream.linear.gather [hbm4b:s7+s3], $0x7D0, $0x38;
	[tilespmem:$0x16440] =	vst v63  }
0x6f: {  	_ =	swait.ge [sflag:s24], $0x3E80  }
0x70: {  	[sflag:s24] =	ssyncset.done $0x0  }
0x71: {  	[sflag:s24] =	ssyncadd.s32 $0xFFFFC180  }
0x72: {  	[spmem:s2] =	stream.indirect.scatter.add.f32 [tilespmem:s22], [sflag:$0x5], $0x8, s19, s21, $0xb8;
	[tilespmem:$0x16440] =	vst v63  }
0x73: {  	_ =	swait.ge [sflag:s25], $0x7D0  }
0x74: {  	[sflag:s25] =	ssyncset.done $0x0  }
0x75: {  	[sflag:s25] =	ssyncadd.s32 $0xFFFFF830  }
0x76: {  	_ =	swait.ge [sflag:s25], $0x7D0  }
0x77: {  	[sflag:s25] =	ssyncset.done $0x0  }
0x78: {  	[sflag:s25] =	ssyncadd.s32 $0xFFFFF830  }
0x79: {  	[tilespmem:s26], [sflag:$0x4] =	stream.indirect.gather [hbm4b:s5+s21], $0x8, s21, s21, $0xb8;
	[tilespmem:$0x16440] =	vst v63  }
0x7a: {  	_ =	swait.ge [sflag:s28], $0x3E80  }
0x7b: {  	[sflag:s28] =	ssyncset.done $0x0  }
0x7c: {  	s4 =	sadd.s32 $0x7D00, s4;
	[sflag:s28] =	ssyncadd.s32 $0xFFFFC180  }
0x7d: {  	[tilespmem:s3], [sflag:$0x1] =	stream.linear.gather [hbm4b:s4+s3], $0x7D0, $0x38;
	[tilespmem:$0x16440] =	vst v63  }
.Ltmp0:
0x7e: {  	s1 =	sadd.s32 $0x7D00, s1;
	(pc) =	sbr.rel @p0 .LBB2_2-.Ltmp0, $4  }
0x7f: {  	[tilespmem:s19], [sflag:$0x1] =	stream.linear.gather [hbm4b:s1+s3], $0x7D0, $0x38;
	[tilespmem:$0x16440] =	vst v63  }
0x80: {  	_ =	swait.ge [sflag:s29], $0x3E80  }
0x81: {  	[sflag:s29] =	ssyncset.done $0x0  }
0x82: {  	[sflag:s29] =	ssyncadd.s32 $0xFFFFC180  }
0x83: {  	[spmem:s2] =	stream.indirect.scatter.add.f32 [tilespmem:s26], [sflag:$0x6], $0x8, s23, s21, $0xb8;
	[tilespmem:$0x16440] =	vst v63  }
0x84: {  	_ =	swait.ge [sflag:s20], $0x7D0  }
0x85: {  	[sflag:s20] =	ssyncset.done $0x0  }
0x86: {  	[sflag:s20] =	ssyncadd.s32 $0xFFFFF830  }
0x87: {  	_ =	swait.ge [sflag:s20], $0x7D0  }
0x88: {  	[sflag:s20] =	ssyncset.done $0x0  }
0x89: {  	[sflag:s20] =	ssyncadd.s32 $0xFFFFF830  }
0x8a: {  	[tilespmem:s22], [sflag:$0x3] =	stream.indirect.gather [hbm4b:s5+s21], $0x8, s3, s21, $0xb8;
	[tilespmem:$0x16440] =	vst v63  }
0x8b: {  	_ =	swait.ge [sflag:s30], $0x3E80  }
0x8c: {  	[sflag:s30] =	ssyncset.done $0x0  }
0x8d: {  	[sflag:s30] =	ssyncadd.s32 $0xFFFFC180  }
0x8e: {  	_ =	swait.ge [sflag:s24], $0x3E80  }
0x8f: {  	[sflag:s24] =	ssyncset.done $0x0  }
0x90: {  	[sflag:s24] =	ssyncadd.s32 $0xFFFFC180  }
0x91: {  	[spmem:s2] =	stream.indirect.scatter.add.f32 [tilespmem:s22], [sflag:$0x5], $0x8, s19, s21, $0xb8;
	[tilespmem:$0x16440] =	vst v63  }
0x92: {  	_ =	swait.ge [sflag:s28], $0x3E80  }
0x93: {  	s31 =	sadd.s32 $0x1, s31;
	[sflag:s28] =	ssyncset.done $0x0  }
0x94: {  	p0 =	sne.s32 s31, s10;
	[sflag:s28] =	ssyncadd.s32 $0xFFFFC180  }
.Ltmp1:
0x95: {  	[bflag:$0x0] =	sbarrier.arrive $0xFFFF;
	(pc) =	sbr.rel @p0 .LBB2_1-.Ltmp1, $4  }
0x96: {  	[hbm:s9@s25], [sflag:s6] =	dma.strided [spmem:s17@s20], $0x1900, s20, $0x1   }
0x97: {  	_ =	swait.ge [sflag:s18], $0x1900  }
0x98: {  	[sflag:s18] =	ssyncset.done $0x0  }
0x99: {  	[sflag:s18] =	ssyncadd.s32 $0xFFFFE700  }
0x9a: {  	_ =	sfence.sel $0x180000  }
0x9b: {  	[bflag:$0x0] =	sbarrier.arrive $0xFFFF  }
0x9c: {  	_ =	strace $0x9000004A  }
0x9d: {  	s0 =	stileid.u32;
	[bflag:$0x2] =	sbarrier.arrive $0xFFFF  }
0x9e: {  	p0 =	sne.s32 s0, $0x0;
	s0 =	rddreg [dreg:$0x3]  }
0x9f: {  	s0 =	sadd.s32 @!p0 $0x100000, s0  }
0xa0: {  	[sflag:s0] =	ssyncadd.tile.s32 @!p0 $0x1;
	_ =	shalt  }
.Lfunc_end2:
_tile_overlayer_lowered:
.L_overlay_start_2:
0xa1: {  	(tag) =	ssettag $0x2  }
0xa2: {  	s0 =	rddreg [dreg:$0x0];
	s2 =	stileid.u32  }
0xa3: {  	s1 =	rddreg [dreg:$0x1];
	p0 =	sne.s32 s2, $0x0  }
0xa4: {  	s3 =	rddreg [dreg:$0x2];
	[bflag:$0x3] =	sbarrier.arrive $0xFFFF;
	s2 =	simm.s32 @!p0 $0x1C07  }
0xa5: {  	[timem:s3], [sflag:s2] =	dma.local @!p0 [hbm:s0], s1  }
0xa6: {  	s0 =	simm.s32 @!p0 $0x7  }
0xa7: {  	_ =	swait.ge @!p0 [sflag:s0], s1  }
0xa8: {  	s1 =	ssub.s32 @!p0 $0x0, s1;
	[sflag:s0] =	ssyncset.done @!p0 $0x0  }
0xa9: {  	[sflag:s0] =	ssyncadd.s32 @!p0 s1  }
0xaa: {  	[bflag:$0x3] =	sbarrier.arrive $0xFFFF  }
0xab: {  	_ =	shalt  }

// kernel: kernel.14.cloned.1.call-start
scs
__scs_entry_jumppad:
0x0: {  	(pc) =	sbr.rel $0x88, $3  }
0x1: {  	(tag) =	ssettag $0x0;
	lr =	simm.s32 $0x1  }
0x2: {  	[smem:$0x3F99] =	sst lr;
	_ =	strace $0xD0000000  }
0x3: {  	_ = 	snop  }
0x4: {  	_ = 	snop  }
0x5: {  	_ = 	snop  }
0x6: {  	_ = 	snop  }
0x7: {  	_ = 	snop  }
__scs_overlays_trampoline_lowered:
0x8: {  	[smem:$0x3FA8] =	sst s0  }
0x9: {  	[smem:$0x3FA9] =	sst s1  }
0xa: {  	[smem:$0x3FAA] =	sst s2  }
0xb: {  	[smem:$0x3FAB] =	sst s3  }
0xc: {  	[smem:$0x3FAC] =	sst s4  }
0xd: {  	[smem:$0x3FAD] =	sst s5  }
0xe: {  	[smem:$0x3FAE] =	sst s6  }
0xf: {  	[smem:$0x3FAF] =	sst s7  }
0x10: {  	[smem:$0x3FB0] =	sst s8  }
0x11: {  	[smem:$0x3FB1] =	sst s9;
	s0 =	simm.s32 @!p0 $0x0  }
0x12: {  	s1 =	sld [smem:$0x3F97];
	s0 =	simm.s32 @p0 $0x1  }
0x13: {  	[smem:$0x3FB2] =	sst s0;
	s0 =	simm.s32 @!p1 $0x0  }
0x14: {  	s2 =	sld [smem:$0x3F96];
	s0 =	simm.s32 @p1 $0x1  }
0x15: {  	[smem:$0x3FB3] =	sst s0;
	s0 =	simm.s32 @!p2 $0x0  }
0x16: {  	s3 =	sld [smem:$0x3FDB];
	s0 =	simm.s32 @p2 $0x1  }
0x17: {  	s4 =	simm.s32 $0x1BF5;
	[smem:$0x3FB5] =	sst s0  }
0x18: {  	s0 =	sld [smem:$0x3F98];
	_ =	swait.ge [sflag:s4], $0x0  }
0x19: {  	s7 =	sld [smem:$0x3F99]  }
0x1a: {  	s8 =	sadd.s32 $0xFFFFE003, lr  }
0x1b: {  	s9 =	sadd.s32 $0xFFFFFEF7, lr;
	s5 =	simm.s32 $0xFFFFFFFF;
	p2 =	slt.u32 s8, $0xFFFFF086  }
0x1c: {  	p1 =	slt.u32 s9, $0xF7A;
	s5 =	simm.s32 @!p2 $0x0  }
0x1d: {  	s5 =	simm.s32 @p1 $0x1;
	p0 =	seq.s32 s7, s2  }
0x1e: {  	s7 =	smul.u32 @!p0 $0xF7A, s2;
	p2 =	seq.s32 @!p0 s5, $0x0  }
0x1f: {  	s9 =	smul.u32 $0xF7A, s1;
	s8 =	simm.s32 @!p0 $0x1BF5;
	p2 =	por !p2, p0  }
0x20: {  	[sflag:s8] =	ssyncset.s32 @!p0 $0xFFFFF086;
	s6 =	sadd.s32 @!p0 s3, s7;
	s7 =	simm.s32 @!p0 $0x108  }
0x21: {  	s3 =	sadd.s32 s3, s9;
	s6 =	sadd.s32 @!p0 $0x88, s6;
	s7 =	simm.s32 @p2 $0x1082  }
0x22: {  	[simem:s7], [sflag:s8] =	dma.local @!p0 [hbm:s6], $0xF7A  }
0x23: {  	s9 =	sor.u32 $0xD0000000, s2;
	s6 =	simm.s32 $0x108;
	_ =	swait.ge @!p0 [sflag:s8], $0x0  }
0x24: {  	s3 =	sadd.s32 $0x88, s3;
	s6 =	simm.s32 @!p1 $0x1082;
	[sflag:s4] =	ssyncset.s32 $0xFFFFF086  }
0x25: {  	[simem:s6], [sflag:s4] =	dma.local [hbm:s3], $0xF7A  }
0x26: {  	[smem:$0x3F99] =	sst s1;
	(tag) =	ssettag s2;
	_ =	strace s9  }
0x27: {  	s1 =	sld [smem:$0x3FA9]  }
0x28: {  	s2 =	sld [smem:$0x3FAA]  }
0x29: {  	s4 =	sld [smem:$0x3FAC]  }
0x2a: {  	p0 =	seq.s32 s5, $0x0;
	s5 =	sld [smem:$0x3FAD]  }
0x2b: {  	s6 =	sld [smem:$0x3FAE]  }
0x2c: {  	s7 =	sld [smem:$0x3FAF]  }
0x2d: {  	s3 =	simm.s32 $0x108;
	s8 =	sld [smem:$0x3FB0]  }
0x2e: {  	s3 =	simm.s32 @!p0 $0x1082;
	s9 =	sld [smem:$0x3FB1]  }
0x2f: {  	lr =	sadd.s32 s0, s3;
	s0 =	sld [smem:$0x3FA8]  }
0x30: {  	s3 =	sld [smem:$0x3FAB]  }
0x31: {  	[smem:$0x3FB4] =	sst s10  }
0x32: {  	s10 =	sld [smem:$0x3FB2];
	_ =	sdelay $0x3  }
0x33: {  	p0 =	seq.s32 s10, $0x1;
	s10 =	sld [smem:$0x3FB4];
	_ =	sdelay $0x3  }
0x34: {  	[smem:$0x3FB4] =	sst s10  }
0x35: {  	s10 =	sld [smem:$0x3FB3];
	_ =	sdelay $0x3  }
0x36: {  	p1 =	seq.s32 s10, $0x1;
	s10 =	sld [smem:$0x3FB4];
	_ =	sdelay $0x3  }
0x37: {  	[smem:$0x3FB4] =	sst s10  }
0x38: {  	s10 =	sld [smem:$0x3FB5]  }
0x39: {  	_ = 	snop;
	(pc) =	sbr.ind lr, $3  }
0x3a: {  	_ = 	snop  }
0x3b: {  	_ = 	snop  }
0x3c: {  	p2 =	seq.s32 s10, $0x1;
	s10 =	sld [smem:$0x3FB4]  }
0x3d: {  	_ =	shalt  }
0x3e: {  	_ =	shalt  }
0x3f: {  	_ =	shalt  }
0x40: {  	_ =	shalt  }
0x41: {  	_ =	shalt  }
0x42: {  	_ =	shalt  }
0x43: {  	_ =	shalt  }
0x44: {  	_ =	shalt  }
0x45: {  	_ =	shalt  }
0x46: {  	_ =	shalt  }
0x47: {  	_ =	shalt  }
0x48: {  	_ =	shalt  }
0x49: {  	_ =	shalt  }
0x4a: {  	_ =	shalt  }
0x4b: {  	_ =	shalt  }
0x4c: {  	_ =	shalt  }
0x4d: {  	_ =	shalt  }
0x4e: {  	_ =	shalt  }
0x4f: {  	_ =	shalt  }
0x50: {  	_ =	shalt  }
0x51: {  	_ =	shalt  }
0x52: {  	_ =	shalt  }
0x53: {  	_ =	shalt  }
0x54: {  	_ =	shalt  }
0x55: {  	_ =	shalt  }
0x56: {  	_ =	shalt  }
0x57: {  	_ =	shalt  }
0x58: {  	_ =	shalt  }
0x59: {  	_ =	shalt  }
0x5a: {  	_ =	shalt  }
0x5b: {  	_ =	shalt  }
0x5c: {  	_ =	shalt  }
0x5d: {  	_ =	shalt  }
0x5e: {  	_ =	shalt  }
0x5f: {  	_ =	shalt  }
0x60: {  	_ =	shalt  }
0x61: {  	_ =	shalt  }
0x62: {  	_ =	shalt  }
0x63: {  	_ =	shalt  }
0x64: {  	_ =	shalt  }
0x65: {  	_ =	shalt  }
0x66: {  	_ =	shalt  }
0x67: {  	_ =	shalt  }
0x68: {  	_ =	shalt  }
0x69: {  	_ =	shalt  }
0x6a: {  	_ =	shalt  }
0x6b: {  	_ =	shalt  }
0x6c: {  	_ =	shalt  }
0x6d: {  	_ =	shalt  }
0x6e: {  	_ =	shalt  }
0x6f: {  	_ =	shalt  }
0x70: {  	_ =	shalt  }
0x71: {  	_ =	shalt  }
0x72: {  	_ =	shalt  }
0x73: {  	_ =	shalt  }
0x74: {  	_ =	shalt  }
0x75: {  	_ =	shalt  }
0x76: {  	_ =	shalt  }
0x77: {  	_ =	shalt  }
0x78: {  	_ =	shalt  }
0x79: {  	_ =	shalt  }
0x7a: {  	_ =	shalt  }
0x7b: {  	_ =	shalt  }
0x7c: {  	_ =	shalt  }
0x7d: {  	_ =	shalt  }
0x7e: {  	_ =	shalt  }
0x7f: {  	_ =	shalt  }
0x80: {  	_ =	shalt  }
0x81: {  	_ =	shalt  }
0x82: {  	_ =	shalt  }
0x83: {  	_ =	shalt  }
0x84: {  	_ =	shalt  }
0x85: {  	_ =	shalt  }
0x86: {  	_ =	shalt  }
0x87: {  	_ =	shalt  }
.Lfunc_end0:
.L_simem_size_0:
called_computation.2_lowered:
.L_overlay_start_0:
0x88: {  	s2 =	sld [smem:$0x3FD9]  }
0x89: {  	s3 =	sld [smem:$0x3FFE];
	_ =	sdelay $0x1  }
0x8a: {  	s1 =	srdreg.scid  }
0x8b: {  	s0 =	sand.u32 $0x1, s1  }
0x8c: {  	s17 =	sshll.u32 s0, $0xA;
	s2 =	sadd.s32 s3, s2  }
0x8d: {  	s2 =	sadd.s32 s2, s17  }
0x8e: {  	[smem:$0x3FC0] =	sst s2  }
0x8f: {  	_ = 	snop  }
0x90: {  	s2 =	sld [smem:$0x3FD0];
	(tm) =	ssettm $0x1  }
0x91: {  	s18 =	sld [smem:$0x3FFB];
	_ =	sdelay $0x3  }
0x92: {  	_ =	strace s18  }
0x93: {  	s3 =	sld [smem:$0x3FFC];
	_ =	sdelay $0x3  }
0x94: {  	_ =	strace s3  }
0x95: {  	s3 =	sld [smem:$0x3FFD];
	_ =	sdelay $0x3  }
0x96: {  	_ =	strace s3  }
0x97: {  	_ =	strace $0x8FFFFFFF  }
0x98: {  	s19 =	sld [smem:$0x3FDB];
	_ =	sdelay $0x1  }
0x99: {  	s4 =	simm.s32 $_scs_section_size  }
0x9a: {  	s5 =	simm.s32 $_size__tile_overlayer_lowered;
	s6 =	simm.s32 $_tile_overlayer_lowered  }
0x9b: {  	s22 =	simm.s32 $0x1BFF;
	s21 =	sshll.u32 s6, $0x1;
	s3 =	sadd.s32 s4, s19  }
0x9c: {  	s7 =	simm.s32 $0x0;
	s20 =	sshll.u32 s5, $0x1;
	s5 =	sadd.s32 s21, s3  }
0x9d: {  	[timem:s7], [sflag:s22] =	dma.local [hbm:s5], s20  }
0x9e: {  	_ =	swait.ge [sflag:s22], s20  }
0x9f: {  	s4 =	ssub.s32 $0x0, s20;
	[sflag:s22] =	ssyncset.done $0x0  }
0xa0: {  	[sflag:s22] =	ssyncadd.s32 s4;
	_ =	sdelay $0x1  }
0xa1: {  	s23 =	simm.s32 $0x1B8B  }
0xa2: {  	_ =	swait.ge [sflag:s23], $0x1  }
0xa3: {  	[sflag:s23] =	ssyncset.done $0x0  }
0xa4: {  	s25 =	simm.s32 $0x1B8E;
	s24 =	sld [smem:$0x3FFE];
	[sflag:s23] =	ssyncadd.s32 $0xFFFFFFFF  }
0xa5: {  	s26 =	simm.s32 $execute0_lowered;
	[smem:$0x3FD2] =	sst s25  }
0xa6: {  	s5 =	sshll.u32 s26, $0x1;
	_ =	strace $0x8000004C;
	[dreg:$0x1] =	wrdreg $0xFFFFFFFF  }
0xa7: {  	s28 =	simm.s32 $_size_execute0_lowered;
	s3 =	sadd.s32 s3, s5;
	[dreg:$0x0] =	wrdreg $0x0  }
0xa8: {  	s5 =	sshll.u32 s28, $0x1;
	[dreg:$0x2] =	wrdreg s3  }
0xa9: {  	[dreg:$0x3] =	wrdreg s5  }
0xaa: {  	[dreg:$0x4] =	wrdreg $0xC0  }
0xab: {  	_ =	task [dreg:s7], $0x5FFFF  }
0xac: {  	[dreg:$0x1] =	wrdreg $0xFFFFFFFF  }
0xad: {  	[dreg:$0x0] =	wrdreg $0x60  }
0xae: {  	[dreg:$0x2] =	wrdreg s24  }
0xaf: {  	[dreg:$0x3] =	wrdreg s2  }
0xb0: {  	[dreg:$0x4] =	wrdreg $0x38400  }
0xb1: {  	[dreg:$0x5] =	wrdreg $0x9  }
0xb2: {  	_ =	task.clear_ibuf [dreg:s7], $0x6FFFF;
	_ =	strace $0x9000004C  }
0xb3: {  	s29 =	simm.s32 $0x9;
	_ =	strace $0x8000004E  }
0xb4: {  	_ =	swait.ge [sflag:s29], $0x1  }
0xb5: {  	[sflag:s29] =	ssyncadd.s32 $0xFFFFFFFF  }
0xb6: {  	_ =	strace $0x9000004E  }
0xb7: {  	_ =	sfence  }
0xb8: {  	s30 =	sld [smem:$0x0];
	_ =	sdelay $0x2  }
0xb9: {  	s31 =	sshll.u32 s1, $0xD;
	s1 =	sshrl.u32 s1, $0x2  }
0xba: {  	s3 =	sand.u32 $0x4000, s31;
	s1 =	sadd.s32 s1, s30  }
0xbb: {  	s0 =	sor.u32 s3, s0;
	s1 =	sshll.u32 s1, $0x11  }
0xbc: {  	s0 =	sor.u32 s1, s0  }
0xbd: {  	s0 =	sadd.s32 $0x8F2B, s0  }
0xbe: {  	[sflag:s0] =	ssyncadd.remote.s32 $0x1  }
0xbf: {  	_ =	sfence.sel $0xFFFF  }
0xc0: {  	[dreg:$0x0] =	wrdreg $0xFFFFFFFF;
	(pc) =	sbr.abs _section_cstart, $3  }
0xc1: {  	[dreg:$0x1] =	wrdreg $0xFFFFFFFF  }
0xc2: {  	_ =	task.clear_ibuf [dreg:s7], $0x2FFFF;
	_ =	strace $0x9FFFFFFF  }
0xc3: {  	(tm) =	ssettm $0x7FFFFFFF  }
tec
execute0_lowered:
.L_overlay_start_1:
0x0: {  	(tag) =	ssettag $0x1  }
0x1: {  	s0 =	rddreg [dreg:$0x0]  }
0x2: {  	s3 =	rddreg [dreg:$0x2]  }
0x3: {  	s4 =	simm.s32 $0x0;
	s1 =	srdreg.scid;
	s12 =	stileid.u32  }
0x4: {  	s28 =	simm.s32 $0x190;
	s29 =	simm.s32 $0x640;
	s30 =	simm.s32 $0x4B0  }
0x5: {  	s31 =	simm.s32 $0x3;
	[smem:$0x7FF] =	sst s4;
	s1 =	sand.u32 $0x1, s1  }
0x6: {  	s2 =	smul.u32 $0x1900, s12;
	s9 =	sadd.s32 $0x32200, s0;
	s13 =	sadd.s32 $0x1400, s0  }
0x7: {  	s5 =	sadd.s32 $0x9C0200, s0;
	s6 =	sadd.s32 $0x590000, s0;
	s26 =	smul.u32 $0x64000, s12  }
0x8: {  	s7 =	sadd.s32 $0x55E000, s0;
	s10 =	sshll.u32 s12, $0x1;
	s24 =	smul.u32 $0x64, s12  }
0x9: {  	s17 =	sshll.u32 s12, $0x6;
	_ =	strace $0x8000004D;
	s8 =	smul.u32 $0x19000, s1  }
0xa: {  	s11 =	ssub.s32 $0x2, s1;
	s14 =	sor.u32 s1, s10;
	s1 =	smul.u32 $0x32, s1  }
0xb: {  	s16 =	sshrl.u32 s11, $0x1;
	s15 =	smul.u32 $0x32, s14;
	s10 =	sshrl.u32 s26, $0x2  }
0xc: {  	s14 =	sor.u32 $0x40, s14;
	s25 =	sadd.s32 s24, s13;
	s26 =	sadd.s32 s24, s9  }
0xd: {  	s24 =	simm.s32 $0x7;
	s2 =	sadd.s32 s2, s8;
	s8 =	sadd.s32 $0x63000, s0  }
0xe: {  	s10 =	sadd.s32 s10, s3;
	s14 =	smul.u32 $0x32, s14;
	s2 =	sshll.u32 s2, $0x3  }
0xf: {  	[dreg:$0x4] =	wrdreg s10;
	s10 =	sor.u32 $0x1C07, s17;
	s18 =	sadd.s32 s9, s15  }
0x10: {  	s19 =	sadd.s32 s13, s15;
	s0 =	sadd.s32 s2, s0;
	[dreg:$0x5] =	wrdreg s18  }
0x11: {  	s23 =	sadd.s32 $0x640, s15;
	[dreg:$0x6] =	wrdreg s19;
	s20 =	sadd.s32 $0x5C2002, s0  }
0x12: {  	s2 =	ssub.s32 s11, s16;
	s21 =	sadd.s32 $0x5C2000, s0;
	[dreg:$0x7] =	wrdreg s20  }
0x13: {  	s18 =	sadd.s32 s9, s23;
	s22 =	sadd.s32 $0x5C2004, s0;
	[dreg:$0x8] =	wrdreg s21  }
0x14: {  	s19 =	sadd.s32 s13, s23;
	s0 =	sadd.s32 $0x5C2006, s0;
	[dreg:$0x9] =	wrdreg s22  }
0x15: {  	s23 =	sadd.s32 s1, s26;
	s2 =	smax.u32 s2, $0x1;
	[dreg:$0xa] =	wrdreg s0  }
0x16: {  	s26 =	simm.s32 $0x1;
	s16 =	simm.s32 $0x0;
	[dreg:$0xb] =	wrdreg s2  }
0x17: {  	s20 =	sadd.s32 s13, s14;
	s21 =	sadd.s32 s9, s14;
	s22 =	sadd.s32 s1, s25  }
0x18: {  	s25 =	simm.s32 $0x320;
	s0 =	simm.s32 $0x2;
	s2 =	simm.s32 $0x1F40  }
0x19: {  	s9 =	simm.s32 $0x5;
	s13 =	simm.s32 $0x4;
	s14 =	simm.s32 $0x6  }
.LBB2_1:
0x1a: {  	s1 =	rddreg [dreg:$0x4]  }
0x1b: {  	s12 =	rddreg [dreg:$0x1];
	s17 =	sshrl.u32 s1, $0x3  }
0x1c: {  	[spmem:s17], [sflag:s10] =	dma.local [hbm:s12], $0x3200  }
0x1d: {  	_ =	swait.ge [sflag:s24], $0x3200  }
0x1e: {  	[sflag:s24] =	ssyncset.done $0x0  }
0x1f: {  	[sflag:s24] =	ssyncadd.s32 $0xFFFFCE00  }
0x20: {  	[bflag:$0x0] =	sbarrier.arrive $0xFFFF  }
0x21: {  	s15 =	rddreg [dreg:$0x5]  }
0x22: {  	[tilespmem:s4], [sflag:$0x1] =	stream.linear.gather [hbm4b:s15+s4], $0x190, $0x38;
	[tilespmem:$0x1C840] =	vst v63  }
0x23: {  	s11 =	rddreg [dreg:$0x6]  }
0x24: {  	[tilespmem:s25], [sflag:$0x1] =	stream.linear.gather [hbm4b:s11+s4], $0x190, $0x38;
	[tilespmem:$0x1C840] =	vst v63  }
0x25: {  	_ =	swait.ge [sflag:s26], $0x190  }
0x26: {  	[sflag:s26] =	ssyncset.done $0x0  }
0x27: {  	[sflag:s26] =	ssyncadd.s32 $0xFFFFFE70  }
0x28: {  	_ =	swait.ge [sflag:s26], $0x190  }
0x29: {  	[sflag:s26] =	ssyncset.done $0x0  }
0x2a: {  	[sflag:s26] =	ssyncadd.s32 $0xFFFFFE70  }
0x2b: {  	[tilespmem:s29], [sflag:$0x3] =	stream.indirect.gather [hbm4b:s5+s28], $0x10, s4, s28, $0xb8;
	[tilespmem:$0x1C840] =	vst v63  }
0x2c: {  	_ = 	snop  }
0x2d: {  	[tilespmem:s28], [sflag:$0x2] =	stream.linear.gather [hbm4b:s18+s4], $0x190, $0x38;
	[tilespmem:$0x1C840] =	vst v63  }
0x2e: {  	_ = 	snop  }
0x2f: {  	[tilespmem:s30], [sflag:$0x2] =	stream.linear.gather [hbm4b:s19+s4], $0x190, $0x38;
	[tilespmem:$0x1C840] =	vst v63  }
0x30: {  	_ =	swait.ge [sflag:s31], $0x1900  }
0x31: {  	[sflag:s31] =	ssyncset.done $0x0  }
0x32: {  	[sflag:s31] =	ssyncadd.s32 $0xFFFFE700  }
0x33: {  	[spmem:s3] =	stream.indirect.scatter.add.f32 [tilespmem:s29], [sflag:$0x5], $0x10, s25, s28, $0xb8;
	[tilespmem:$0x1C840] =	vst v63  }
0x34: {  	_ =	swait.ge [sflag:s0], $0x190  }
0x35: {  	[sflag:s0] =	ssyncset.done $0x0  }
0x36: {  	[sflag:s0] =	ssyncadd.s32 $0xFFFFFE70  }
0x37: {  	_ =	swait.ge [sflag:s0], $0x190  }
0x38: {  	[sflag:s0] =	ssyncset.done $0x0  }
0x39: {  	[sflag:s0] =	ssyncadd.s32 $0xFFFFFE70  }
0x3a: {  	[tilespmem:s2], [sflag:$0x4] =	stream.indirect.gather [hbm4b:s5+s28], $0x10, s28, s28, $0xb8;
	[tilespmem:$0x1C840] =	vst v63  }
0x3b: {  	_ =	swait.ge [sflag:s9], $0x1900  }
0x3c: {  	[sflag:s9] =	ssyncset.done $0x0  }
0x3d: {  	[sflag:s9] =	ssyncadd.s32 $0xFFFFE700  }
0x3e: {  	[tilespmem:s4], [sflag:$0x1] =	stream.linear.gather [hbm4b:s21+s4], $0x190, $0x38;
	[tilespmem:$0x1C840] =	vst v63  }
0x3f: {  	_ = 	snop  }
0x40: {  	[tilespmem:s25], [sflag:$0x1] =	stream.linear.gather [hbm4b:s20+s4], $0x190, $0x38;
	[tilespmem:$0x1C840] =	vst v63  }
0x41: {  	_ =	swait.ge [sflag:s13], $0x1900  }
0x42: {  	[sflag:s13] =	ssyncset.done $0x0  }
0x43: {  	[sflag:s13] =	ssyncadd.s32 $0xFFFFE700  }
0x44: {  	[spmem:s3] =	stream.indirect.scatter.add.f32 [tilespmem:s2], [sflag:$0x6], $0x10, s30, s28, $0xb8;
	[tilespmem:$0x1C840] =	vst v63  }
0x45: {  	_ =	swait.ge [sflag:s26], $0x190  }
0x46: {  	[sflag:s26] =	ssyncset.done $0x0  }
0x47: {  	[sflag:s26] =	ssyncadd.s32 $0xFFFFFE70  }
0x48: {  	_ =	swait.ge [sflag:s26], $0x190  }
0x49: {  	[sflag:s26] =	ssyncset.done $0x0  }
0x4a: {  	[sflag:s26] =	ssyncadd.s32 $0xFFFFFE70  }
0x4b: {  	[tilespmem:s29], [sflag:$0x3] =	stream.indirect.gather [hbm4b:s5+s28], $0x10, s4, s28, $0xb8;
	[tilespmem:$0x1C840] =	vst v63  }
0x4c: {  	_ =	swait.ge [sflag:s14], $0x1900  }
0x4d: {  	s1 =	sadd.s32 $0x0, s23;
	[sflag:s14] =	ssyncset.done $0x0  }
0x4e: {  	s15 =	sadd.s32 $0x12C0, s1;
	s11 =	sadd.s32 $0x0, s22;
	[sflag:s14] =	ssyncadd.s32 $0xFFFFE700  }
0x4f: {  	[tilespmem:s28], [sflag:$0x2] =	stream.linear.gather [hbm4b:s15+s4], $0x190, $0x38;
	[tilespmem:$0x1C840] =	vst v63  }
0x50: {  	s12 =	sadd.s32 $0x12C0, s11  }
0x51: {  	[tilespmem:s30], [sflag:$0x2] =	stream.linear.gather [hbm4b:s12+s4], $0x190, $0x38;
	[tilespmem:$0x1C840] =	vst v63  }
0x52: {  	_ =	swait.ge [sflag:s31], $0x1900  }
0x53: {  	[sflag:s31] =	ssyncset.done $0x0  }
0x54: {  	[sflag:s31] =	ssyncadd.s32 $0xFFFFE700  }
0x55: {  	[spmem:s3] =	stream.indirect.scatter.add.f32 [tilespmem:s29], [sflag:$0x5], $0x10, s25, s28, $0xb8;
	[tilespmem:$0x1C840] =	vst v63  }
0x56: {  	_ =	swait.ge [sflag:s0], $0x190  }
0x57: {  	[sflag:s0] =	ssyncset.done $0x0  }
0x58: {  	[sflag:s0] =	ssyncadd.s32 $0xFFFFFE70  }
0x59: {  	_ =	swait.ge [sflag:s0], $0x190  }
0x5a: {  	[sflag:s0] =	ssyncset.done $0x0  }
0x5b: {  	[sflag:s0] =	ssyncadd.s32 $0xFFFFFE70  }
0x5c: {  	[tilespmem:s2], [sflag:$0x4] =	stream.indirect.gather [hbm4b:s5+s28], $0x10, s28, s28, $0xb8;
	[tilespmem:$0x1C840] =	vst v63  }
0x5d: {  	_ =	swait.ge [sflag:s9], $0x1900  }
0x5e: {  	[sflag:s9] =	ssyncset.done $0x0  }
0x5f: {  	s1 =	sadd.s32 $0x1900, s1;
	[sflag:s9] =	ssyncadd.s32 $0xFFFFE700  }
0x60: {  	[tilespmem:s4], [sflag:$0x1] =	stream.linear.gather [hbm4b:s1+s4], $0x190, $0x38;
	[tilespmem:$0x1C840] =	vst v63  }
0x61: {  	s15 =	sadd.s32 $0x1900, s11  }
0x62: {  	[tilespmem:s25], [sflag:$0x1] =	stream.linear.gather [hbm4b:s15+s4], $0x190, $0x38;
	[tilespmem:$0x1C840] =	vst v63  }
0x63: {  	_ =	swait.ge [sflag:s13], $0x1900  }
0x64: {  	[sflag:s13] =	ssyncset.done $0x0  }
0x65: {  	s1 =	simm.s32 $0xC80;
	[sflag:s13] =	ssyncadd.s32 $0xFFFFE700  }
.LBB2_2:
0x66: {  	[spmem:s3] =	stream.indirect.scatter.add.f32 [tilespmem:s2], [sflag:$0x6], $0x10, s30, s28, $0xb8;
	[tilespmem:$0x1C840] =	vst v63  }
0x67: {  	s11 =	smov.u32 s1  }
0x68: {  	p0 =	sne.s32 s1, $0x2EE00;
	s1 =	sadd.s32 $0xC80, s1;
	_ =	swait.ge [sflag:s26], $0x190  }
0x69: {  	[sflag:s26] =	ssyncset.done $0x0  }
0x6a: {  	[sflag:s26] =	ssyncadd.s32 $0xFFFFFE70  }
0x6b: {  	_ =	swait.ge [sflag:s26], $0x190  }
0x6c: {  	[sflag:s26] =	ssyncset.done $0x0  }
0x6d: {  	[sflag:s26] =	ssyncadd.s32 $0xFFFFFE70  }
0x6e: {  	[tilespmem:s29], [sflag:$0x3] =	stream.indirect.gather [hbm4b:s5+s28], $0x10, s4, s28, $0xb8;
	[tilespmem:$0x1C840] =	vst v63  }
0x6f: {  	_ =	swait.ge [sflag:s14], $0x1900  }
0x70: {  	s15 =	sadd.s32 s11, s23;
	[sflag:s14] =	ssyncset.done $0x0  }
0x71: {  	s11 =	sadd.s32 s11, s22;
	s12 =	sadd.s32 $0x12C0, s15;
	[sflag:s14] =	ssyncadd.s32 $0xFFFFE700  }
0x72: {  	[tilespmem:s28], [sflag:$0x2] =	stream.linear.gather [hbm4b:s12+s4], $0x190, $0x38;
	[tilespmem:$0x1C840] =	vst v63  }
0x73: {  	s12 =	sadd.s32 $0x12C0, s11  }
0x74: {  	[tilespmem:s30], [sflag:$0x2] =	stream.linear.gather [hbm4b:s12+s4], $0x190, $0x38;
	[tilespmem:$0x1C840] =	vst v63  }
0x75: {  	_ =	swait.ge [sflag:s31], $0x1900  }
0x76: {  	[sflag:s31] =	ssyncset.done $0x0  }
0x77: {  	[sflag:s31] =	ssyncadd.s32 $0xFFFFE700  }
0x78: {  	[spmem:s3] =	stream.indirect.scatter.add.f32 [tilespmem:s29], [sflag:$0x5], $0x10, s25, s28, $0xb8;
	[tilespmem:$0x1C840] =	vst v63  }
0x79: {  	_ =	swait.ge [sflag:s0], $0x190  }
0x7a: {  	[sflag:s0] =	ssyncset.done $0x0  }
0x7b: {  	[sflag:s0] =	ssyncadd.s32 $0xFFFFFE70  }
0x7c: {  	_ =	swait.ge [sflag:s0], $0x190  }
0x7d: {  	[sflag:s0] =	ssyncset.done $0x0  }
0x7e: {  	[sflag:s0] =	ssyncadd.s32 $0xFFFFFE70  }
0x7f: {  	[tilespmem:s2], [sflag:$0x4] =	stream.indirect.gather [hbm4b:s5+s28], $0x10, s28, s28, $0xb8;
	[tilespmem:$0x1C840] =	vst v63  }
0x80: {  	_ =	swait.ge [sflag:s9], $0x1900  }
0x81: {  	[sflag:s9] =	ssyncset.done $0x0  }
0x82: {  	s12 =	sadd.s32 $0x1900, s15;
	[sflag:s9] =	ssyncadd.s32 $0xFFFFE700  }
0x83: {  	[tilespmem:s4], [sflag:$0x1] =	stream.linear.gather [hbm4b:s12+s4], $0x190, $0x38;
	[tilespmem:$0x1C840] =	vst v63  }
.Ltmp0:
0x84: {  	s11 =	sadd.s32 $0x1900, s11;
	(pc) =	sbr.rel @p0 .LBB2_2-.Ltmp0, $4  }
0x85: {  	[tilespmem:s25], [sflag:$0x1] =	stream.linear.gather [hbm4b:s11+s4], $0x190, $0x38;
	[tilespmem:$0x1C840] =	vst v63  }
0x86: {  	_ =	swait.ge [sflag:s13], $0x1900  }
0x87: {  	[sflag:s13] =	ssyncset.done $0x0  }
0x88: {  	[sflag:s13] =	ssyncadd.s32 $0xFFFFE700  }
0x89: {  	[spmem:s3] =	stream.indirect.scatter.add.f32 [tilespmem:s2], [sflag:$0x6], $0x10, s30, s28, $0xb8;
	[tilespmem:$0x1C840] =	vst v63  }
0x8a: {  	_ =	swait.ge [sflag:s26], $0x190  }
0x8b: {  	[sflag:s26] =	ssyncset.done $0x0  }
0x8c: {  	[sflag:s26] =	ssyncadd.s32 $0xFFFFFE70  }
0x8d: {  	_ =	swait.ge [sflag:s26], $0x190  }
0x8e: {  	[sflag:s26] =	ssyncset.done $0x0  }
0x8f: {  	s1 =	simm.s32 $0x0;
	[sflag:s26] =	ssyncadd.s32 $0xFFFFFE70  }
0x90: {  	[tilespmem:s29], [sflag:$0x3] =	stream.indirect.gather [hbm4b:s5+s28], $0x10, s1, s28, $0xb8;
	[tilespmem:$0x1C840] =	vst v63  }
0x91: {  	_ =	swait.ge [sflag:s14], $0x1900  }
0x92: {  	[sflag:s14] =	ssyncset.done $0x0  }
0x93: {  	[sflag:s14] =	ssyncadd.s32 $0xFFFFE700  }
0x94: {  	_ =	swait.ge [sflag:s31], $0x1900  }
0x95: {  	[sflag:s31] =	ssyncset.done $0x0  }
0x96: {  	[sflag:s31] =	ssyncadd.s32 $0xFFFFE700  }
0x97: {  	[spmem:s3] =	stream.indirect.scatter.add.f32 [tilespmem:s29], [sflag:$0x5], $0x10, s25, s28, $0xb8;
	[tilespmem:$0x1C840] =	vst v63  }
0x98: {  	_ =	swait.ge [sflag:s9], $0x1900  }
0x99: {  	[sflag:s9] =	ssyncset.done $0x0  }
0x9a: {  	[sflag:s9] =	ssyncadd.s32 $0xFFFFE700  }
0x9b: {  	[bflag:$0x0] =	sbarrier.arrive $0xFFFF  }
0x9c: {  	s12 =	simm.s32 $0x8;
	s11 =	rddreg [dreg:$0x8]  }
0x9d: {  	[hbm:s11@s12], [sflag:s10] =	dma.strided [spmem:s17@s0], $0x3200, s26, $0x2   }
0x9e: {  	_ =	swait.ge [sflag:s24], $0x3200  }
0x9f: {  	[sflag:s24] =	ssyncset.done $0x0  }
0xa0: {  	[sflag:s24] =	ssyncadd.s32 $0xFFFFCE00  }
0xa1: {  	[bflag:$0x0] =	sbarrier.arrive $0xFFFF  }
0xa2: {  	s12 =	rddreg [dreg:$0x1]  }
0xa3: {  	[spmem:s17], [sflag:s10] =	dma.local [hbm:s12], $0x3200  }
0xa4: {  	_ =	swait.ge [sflag:s24], $0x3200  }
0xa5: {  	[sflag:s24] =	ssyncset.done $0x0  }
0xa6: {  	[sflag:s24] =	ssyncadd.s32 $0xFFFFCE00  }
0xa7: {  	[bflag:$0x0] =	sbarrier.arrive $0xFFFF  }
0xa8: {  	s15 =	rddreg [dreg:$0x5]  }
0xa9: {  	[tilespmem:s1], [sflag:$0x1] =	stream.linear.gather [hbm4b:s15+s1], $0x190, $0x38;
	[tilespmem:$0x1C840] =	vst v63  }
0xaa: {  	s12 =	rddreg [dreg:$0x6]  }
0xab: {  	[tilespmem:s25], [sflag:$0x1] =	stream.linear.gather [hbm4b:s12+s1], $0x190, $0x38;
	[tilespmem:$0x1C840] =	vst v63  }
0xac: {  	_ =	swait.ge [sflag:s26], $0x190  }
0xad: {  	[sflag:s26] =	ssyncset.done $0x0  }
0xae: {  	[sflag:s26] =	ssyncadd.s32 $0xFFFFFE70  }
0xaf: {  	_ =	swait.ge [sflag:s26], $0x190  }
0xb0: {  	[sflag:s26] =	ssyncset.done $0x0  }
0xb1: {  	[sflag:s26] =	ssyncadd.s32 $0xFFFFFE70  }
0xb2: {  	[tilespmem:s29], [sflag:$0x3] =	stream.indirect.gather [hbm4b:s6+s28], $0x10, s1, s28, $0xb8;
	[tilespmem:$0x1C840] =	vst v63  }
0xb3: {  	_ = 	snop  }
0xb4: {  	[tilespmem:s28], [sflag:$0x2] =	stream.linear.gather [hbm4b:s18+s1], $0x190, $0x38;
	[tilespmem:$0x1C840] =	vst v63  }
0xb5: {  	_ = 	snop  }
0xb6: {  	[tilespmem:s30], [sflag:$0x2] =	stream.linear.gather [hbm4b:s19+s1], $0x190, $0x38;
	[tilespmem:$0x1C840] =	vst v63  }
0xb7: {  	_ =	swait.ge [sflag:s31], $0x1900  }
0xb8: {  	[sflag:s31] =	ssyncset.done $0x0  }
0xb9: {  	[sflag:s31] =	ssyncadd.s32 $0xFFFFE700  }
0xba: {  	[spmem:s3] =	stream.indirect.scatter.add.f32 [tilespmem:s29], [sflag:$0x5], $0x10, s25, s28, $0xb8;
	[tilespmem:$0x1C840] =	vst v63  }
0xbb: {  	_ =	swait.ge [sflag:s0], $0x190  }
0xbc: {  	[sflag:s0] =	ssyncset.done $0x0  }
0xbd: {  	[sflag:s0] =	ssyncadd.s32 $0xFFFFFE70  }
0xbe: {  	_ =	swait.ge [sflag:s0], $0x190  }
0xbf: {  	[sflag:s0] =	ssyncset.done $0x0  }
0xc0: {  	[sflag:s0] =	ssyncadd.s32 $0xFFFFFE70  }
0xc1: {  	[tilespmem:s2], [sflag:$0x4] =	stream.indirect.gather [hbm4b:s6+s28], $0x10, s28, s28, $0xb8;
	[tilespmem:$0x1C840] =	vst v63  }
0xc2: {  	_ =	swait.ge [sflag:s9], $0x1900  }
0xc3: {  	[sflag:s9] =	ssyncset.done $0x0  }
0xc4: {  	[sflag:s9] =	ssyncadd.s32 $0xFFFFE700  }
0xc5: {  	[tilespmem:s1], [sflag:$0x1] =	stream.linear.gather [hbm4b:s21+s1], $0x190, $0x38;
	[tilespmem:$0x1C840] =	vst v63  }
0xc6: {  	_ = 	snop  }
0xc7: {  	[tilespmem:s25], [sflag:$0x1] =	stream.linear.gather [hbm4b:s20+s1], $0x190, $0x38;
	[tilespmem:$0x1C840] =	vst v63  }
0xc8: {  	_ =	swait.ge [sflag:s13], $0x1900  }
0xc9: {  	[sflag:s13] =	ssyncset.done $0x0  }
0xca: {  	[sflag:s13] =	ssyncadd.s32 $0xFFFFE700  }
0xcb: {  	[spmem:s3] =	stream.indirect.scatter.add.f32 [tilespmem:s2], [sflag:$0x6], $0x10, s30, s28, $0xb8;
	[tilespmem:$0x1C840] =	vst v63  }
0xcc: {  	_ =	swait.ge [sflag:s26], $0x190  }
0xcd: {  	[sflag:s26] =	ssyncset.done $0x0  }
0xce: {  	[sflag:s26] =	ssyncadd.s32 $0xFFFFFE70  }
0xcf: {  	_ =	swait.ge [sflag:s26], $0x190  }
0xd0: {  	[sflag:s26] =	ssyncset.done $0x0  }
0xd1: {  	[sflag:s26] =	ssyncadd.s32 $0xFFFFFE70  }
0xd2: {  	[tilespmem:s29], [sflag:$0x3] =	stream.indirect.gather [hbm4b:s6+s28], $0x10, s4, s28, $0xb8;
	[tilespmem:$0x1C840] =	vst v63  }
0xd3: {  	_ =	swait.ge [sflag:s14], $0x1900  }
0xd4: {  	s1 =	sadd.s32 $0x0, s23;
	[sflag:s14] =	ssyncset.done $0x0  }
0xd5: {  	s12 =	sadd.s32 $0x0, s22;
	s15 =	sadd.s32 $0x12C0, s1;
	[sflag:s14] =	ssyncadd.s32 $0xFFFFE700  }
0xd6: {  	[tilespmem:s28], [sflag:$0x2] =	stream.linear.gather [hbm4b:s15+s4], $0x190, $0x38;
	[tilespmem:$0x1C840] =	vst v63  }
0xd7: {  	s15 =	sadd.s32 $0x12C0, s12  }
0xd8: {  	[tilespmem:s30], [sflag:$0x2] =	stream.linear.gather [hbm4b:s15+s4], $0x190, $0x38;
	[tilespmem:$0x1C840] =	vst v63  }
0xd9: {  	_ =	swait.ge [sflag:s31], $0x1900  }
0xda: {  	[sflag:s31] =	ssyncset.done $0x0  }
0xdb: {  	[sflag:s31] =	ssyncadd.s32 $0xFFFFE700  }
0xdc: {  	[spmem:s3] =	stream.indirect.scatter.add.f32 [tilespmem:s29], [sflag:$0x5], $0x10, s25, s28, $0xb8;
	[tilespmem:$0x1C840] =	vst v63  }
0xdd: {  	_ =	swait.ge [sflag:s0], $0x190  }
0xde: {  	[sflag:s0] =	ssyncset.done $0x0  }
0xdf: {  	[sflag:s0] =	ssyncadd.s32 $0xFFFFFE70  }
0xe0: {  	_ =	swait.ge [sflag:s0], $0x190  }
0xe1: {  	[sflag:s0] =	ssyncset.done $0x0  }
0xe2: {  	[sflag:s0] =	ssyncadd.s32 $0xFFFFFE70  }
0xe3: {  	[tilespmem:s2], [sflag:$0x4] =	stream.indirect.gather [hbm4b:s6+s28], $0x10, s28, s28, $0xb8;
	[tilespmem:$0x1C840] =	vst v63  }
0xe4: {  	_ =	swait.ge [sflag:s9], $0x1900  }
0xe5: {  	[sflag:s9] =	ssyncset.done $0x0  }
0xe6: {  	s1 =	sadd.s32 $0x1900, s1;
	[sflag:s9] =	ssyncadd.s32 $0xFFFFE700  }
0xe7: {  	[tilespmem:s4], [sflag:$0x1] =	stream.linear.gather [hbm4b:s1+s4], $0x190, $0x38;
	[tilespmem:$0x1C840] =	vst v63  }
0xe8: {  	s15 =	sadd.s32 $0x1900, s12  }
0xe9: {  	[tilespmem:s25], [sflag:$0x1] =	stream.linear.gather [hbm4b:s15+s4], $0x190, $0x38;
	[tilespmem:$0x1C840] =	vst v63  }
0xea: {  	_ =	swait.ge [sflag:s13], $0x1900  }
0xeb: {  	[sflag:s13] =	ssyncset.done $0x0  }
0xec: {  	s1 =	simm.s32 $0xC80;
	[sflag:s13] =	ssyncadd.s32 $0xFFFFE700  }
.LBB2_4:
0xed: {  	[spmem:s3] =	stream.indirect.scatter.add.f32 [tilespmem:s2], [sflag:$0x6], $0x10, s30, s28, $0xb8;
	[tilespmem:$0x1C840] =	vst v63  }
0xee: {  	s11 =	smov.u32 s1  }
0xef: {  	p0 =	sne.s32 s1, $0x2EE00;
	s1 =	sadd.s32 $0xC80, s1;
	_ =	swait.ge [sflag:s26], $0x190  }
0xf0: {  	[sflag:s26] =	ssyncset.done $0x0  }
0xf1: {  	[sflag:s26] =	ssyncadd.s32 $0xFFFFFE70  }
0xf2: {  	_ =	swait.ge [sflag:s26], $0x190  }
0xf3: {  	[sflag:s26] =	ssyncset.done $0x0  }
0xf4: {  	[sflag:s26] =	ssyncadd.s32 $0xFFFFFE70  }
0xf5: {  	[tilespmem:s29], [sflag:$0x3] =	stream.indirect.gather [hbm4b:s6+s28], $0x10, s4, s28, $0xb8;
	[tilespmem:$0x1C840] =	vst v63  }
0xf6: {  	_ =	swait.ge [sflag:s14], $0x1900  }
0xf7: {  	s12 =	sadd.s32 s11, s23;
	[sflag:s14] =	ssyncset.done $0x0  }
0xf8: {  	s11 =	sadd.s32 s11, s22;
	s15 =	sadd.s32 $0x12C0, s12;
	[sflag:s14] =	ssyncadd.s32 $0xFFFFE700  }
0xf9: {  	[tilespmem:s28], [sflag:$0x2] =	stream.linear.gather [hbm4b:s15+s4], $0x190, $0x38;
	[tilespmem:$0x1C840] =	vst v63  }
0xfa: {  	s15 =	sadd.s32 $0x12C0, s11  }
0xfb: {  	[tilespmem:s30], [sflag:$0x2] =	stream.linear.gather [hbm4b:s15+s4], $0x190, $0x38;
	[tilespmem:$0x1C840] =	vst v63  }
0xfc: {  	_ =	swait.ge [sflag:s31], $0x1900  }
0xfd: {  	[sflag:s31] =	ssyncset.done $0x0  }
0xfe: {  	[sflag:s31] =	ssyncadd.s32 $0xFFFFE700  }
0xff: {  	[spmem:s3] =	stream.indirect.scatter.add.f32 [tilespmem:s29], [sflag:$0x5], $0x10, s25, s28, $0xb8;
	[tilespmem:$0x1C840] =	vst v63  }
0x100: {  	_ =	swait.ge [sflag:s0], $0x190  }
0x101: {  	[sflag:s0] =	ssyncset.done $0x0  }
0x102: {  	[sflag:s0] =	ssyncadd.s32 $0xFFFFFE70  }
0x103: {  	_ =	swait.ge [sflag:s0], $0x190  }
0x104: {  	[sflag:s0] =	ssyncset.done $0x0  }
0x105: {  	[sflag:s0] =	ssyncadd.s32 $0xFFFFFE70  }
0x106: {  	[tilespmem:s2], [sflag:$0x4] =	stream.indirect.gather [hbm4b:s6+s28], $0x10, s28, s28, $0xb8;
	[tilespmem:$0x1C840] =	vst v63  }
0x107: {  	_ =	swait.ge [sflag:s9], $0x1900  }
0x108: {  	[sflag:s9] =	ssyncset.done $0x0  }
0x109: {  	s12 =	sadd.s32 $0x1900, s12;
	[sflag:s9] =	ssyncadd.s32 $0xFFFFE700  }
0x10a: {  	[tilespmem:s4], [sflag:$0x1] =	stream.linear.gather [hbm4b:s12+s4], $0x190, $0x38;
	[tilespmem:$0x1C840] =	vst v63  }
.Ltmp1:
0x10b: {  	s11 =	sadd.s32 $0x1900, s11;
	(pc) =	sbr.rel @p0 .LBB2_4-.Ltmp1, $4  }
0x10c: {  	[tilespmem:s25], [sflag:$0x1] =	stream.linear.gather [hbm4b:s11+s4], $0x190, $0x38;
	[tilespmem:$0x1C840] =	vst v63  }
0x10d: {  	_ =	swait.ge [sflag:s13], $0x1900  }
0x10e: {  	[sflag:s13] =	ssyncset.done $0x0  }
0x10f: {  	[sflag:s13] =	ssyncadd.s32 $0xFFFFE700  }
0x110: {  	[spmem:s3] =	stream.indirect.scatter.add.f32 [tilespmem:s2], [sflag:$0x6], $0x10, s30, s28, $0xb8;
	[tilespmem:$0x1C840] =	vst v63  }
0x111: {  	_ =	swait.ge [sflag:s26], $0x190  }
0x112: {  	[sflag:s26] =	ssyncset.done $0x0  }
0x113: {  	[sflag:s26] =	ssyncadd.s32 $0xFFFFFE70  }
0x114: {  	_ =	swait.ge [sflag:s26], $0x190  }
0x115: {  	[sflag:s26] =	ssyncset.done $0x0  }
0x116: {  	s1 =	simm.s32 $0x0;
	[sflag:s26] =	ssyncadd.s32 $0xFFFFFE70  }
0x117: {  	[tilespmem:s29], [sflag:$0x3] =	stream.indirect.gather [hbm4b:s6+s28], $0x10, s1, s28, $0xb8;
	[tilespmem:$0x1C840] =	vst v63  }
0x118: {  	_ =	swait.ge [sflag:s14], $0x1900  }
0x119: {  	[sflag:s14] =	ssyncset.done $0x0  }
0x11a: {  	[sflag:s14] =	ssyncadd.s32 $0xFFFFE700  }
0x11b: {  	_ =	swait.ge [sflag:s31], $0x1900  }
0x11c: {  	[sflag:s31] =	ssyncset.done $0x0  }
0x11d: {  	[sflag:s31] =	ssyncadd.s32 $0xFFFFE700  }
0x11e: {  	[spmem:s3] =	stream.indirect.scatter.add.f32 [tilespmem:s29], [sflag:$0x5], $0x10, s25, s28, $0xb8;
	[tilespmem:$0x1C840] =	vst v63  }
0x11f: {  	_ =	swait.ge [sflag:s9], $0x1900  }
0x120: {  	[sflag:s9] =	ssyncset.done $0x0  }
0x121: {  	[sflag:s9] =	ssyncadd.s32 $0xFFFFE700  }
0x122: {  	[bflag:$0x0] =	sbarrier.arrive $0xFFFF  }
0x123: {  	s12 =	simm.s32 $0x8;
	s11 =	rddreg [dreg:$0x7]  }
0x124: {  	[hbm:s11@s12], [sflag:s10] =	dma.strided [spmem:s17@s0], $0x3200, s26, $0x2   }
0x125: {  	_ =	swait.ge [sflag:s24], $0x3200  }
0x126: {  	[sflag:s24] =	ssyncset.done $0x0  }
0x127: {  	[sflag:s24] =	ssyncadd.s32 $0xFFFFCE00  }
0x128: {  	[bflag:$0x0] =	sbarrier.arrive $0xFFFF  }
0x129: {  	s12 =	rddreg [dreg:$0x1]  }
0x12a: {  	[spmem:s17], [sflag:s10] =	dma.local [hbm:s12], $0x3200  }
0x12b: {  	_ =	swait.ge [sflag:s24], $0x3200  }
0x12c: {  	[sflag:s24] =	ssyncset.done $0x0  }
0x12d: {  	[sflag:s24] =	ssyncadd.s32 $0xFFFFCE00  }
0x12e: {  	[bflag:$0x0] =	sbarrier.arrive $0xFFFF  }
0x12f: {  	s15 =	rddreg [dreg:$0x5]  }
0x130: {  	[tilespmem:s1], [sflag:$0x1] =	stream.linear.gather [hbm4b:s15+s1], $0x190, $0x38;
	[tilespmem:$0x1C840] =	vst v63  }
0x131: {  	s12 =	rddreg [dreg:$0x6]  }
0x132: {  	[tilespmem:s25], [sflag:$0x1] =	stream.linear.gather [hbm4b:s12+s1], $0x190, $0x38;
	[tilespmem:$0x1C840] =	vst v63  }
0x133: {  	_ =	swait.ge [sflag:s26], $0x190  }
0x134: {  	[sflag:s26] =	ssyncset.done $0x0  }
0x135: {  	[sflag:s26] =	ssyncadd.s32 $0xFFFFFE70  }
0x136: {  	_ =	swait.ge [sflag:s26], $0x190  }
0x137: {  	[sflag:s26] =	ssyncset.done $0x0  }
0x138: {  	[sflag:s26] =	ssyncadd.s32 $0xFFFFFE70  }
0x139: {  	[tilespmem:s29], [sflag:$0x3] =	stream.indirect.gather [hbm4b:s7+s28], $0x10, s1, s28, $0xb8;
	[tilespmem:$0x1C840] =	vst v63  }
0x13a: {  	_ = 	snop  }
0x13b: {  	[tilespmem:s28], [sflag:$0x2] =	stream.linear.gather [hbm4b:s18+s1], $0x190, $0x38;
	[tilespmem:$0x1C840] =	vst v63  }
0x13c: {  	_ = 	snop  }
0x13d: {  	[tilespmem:s30], [sflag:$0x2] =	stream.linear.gather [hbm4b:s19+s1], $0x190, $0x38;
	[tilespmem:$0x1C840] =	vst v63  }
0x13e: {  	_ =	swait.ge [sflag:s31], $0x1900  }
0x13f: {  	[sflag:s31] =	ssyncset.done $0x0  }
0x140: {  	[sflag:s31] =	ssyncadd.s32 $0xFFFFE700  }
0x141: {  	[spmem:s3] =	stream.indirect.scatter.add.f32 [tilespmem:s29], [sflag:$0x5], $0x10, s25, s28, $0xb8;
	[tilespmem:$0x1C840] =	vst v63  }
0x142: {  	_ =	swait.ge [sflag:s0], $0x190  }
0x143: {  	[sflag:s0] =	ssyncset.done $0x0  }
0x144: {  	[sflag:s0] =	ssyncadd.s32 $0xFFFFFE70  }
0x145: {  	_ =	swait.ge [sflag:s0], $0x190  }
0x146: {  	[sflag:s0] =	ssyncset.done $0x0  }
0x147: {  	[sflag:s0] =	ssyncadd.s32 $0xFFFFFE70  }
0x148: {  	[tilespmem:s2], [sflag:$0x4] =	stream.indirect.gather [hbm4b:s7+s28], $0x10, s28, s28, $0xb8;
	[tilespmem:$0x1C840] =	vst v63  }
0x149: {  	_ =	swait.ge [sflag:s9], $0x1900  }
0x14a: {  	[sflag:s9] =	ssyncset.done $0x0  }
0x14b: {  	[sflag:s9] =	ssyncadd.s32 $0xFFFFE700  }
0x14c: {  	[tilespmem:s1], [sflag:$0x1] =	stream.linear.gather [hbm4b:s21+s1], $0x190, $0x38;
	[tilespmem:$0x1C840] =	vst v63  }
0x14d: {  	_ = 	snop  }
0x14e: {  	[tilespmem:s25], [sflag:$0x1] =	stream.linear.gather [hbm4b:s20+s1], $0x190, $0x38;
	[tilespmem:$0x1C840] =	vst v63  }
0x14f: {  	_ =	swait.ge [sflag:s13], $0x1900  }
0x150: {  	[sflag:s13] =	ssyncset.done $0x0  }
0x151: {  	[sflag:s13] =	ssyncadd.s32 $0xFFFFE700  }
0x152: {  	[spmem:s3] =	stream.indirect.scatter.add.f32 [tilespmem:s2], [sflag:$0x6], $0x10, s30, s28, $0xb8;
	[tilespmem:$0x1C840] =	vst v63  }
0x153: {  	_ =	swait.ge [sflag:s26], $0x190  }
0x154: {  	[sflag:s26] =	ssyncset.done $0x0  }
0x155: {  	[sflag:s26] =	ssyncadd.s32 $0xFFFFFE70  }
0x156: {  	_ =	swait.ge [sflag:s26], $0x190  }
0x157: {  	[sflag:s26] =	ssyncset.done $0x0  }
0x158: {  	[sflag:s26] =	ssyncadd.s32 $0xFFFFFE70  }
0x159: {  	[tilespmem:s29], [sflag:$0x3] =	stream.indirect.gather [hbm4b:s7+s28], $0x10, s4, s28, $0xb8;
	[tilespmem:$0x1C840] =	vst v63  }
0x15a: {  	_ =	swait.ge [sflag:s14], $0x1900  }
0x15b: {  	s1 =	sadd.s32 $0x0, s23;
	[sflag:s14] =	ssyncset.done $0x0  }
0x15c: {  	s12 =	sadd.s32 $0x0, s22;
	s15 =	sadd.s32 $0x12C0, s1;
	[sflag:s14] =	ssyncadd.s32 $0xFFFFE700  }
0x15d: {  	[tilespmem:s28], [sflag:$0x2] =	stream.linear.gather [hbm4b:s15+s4], $0x190, $0x38;
	[tilespmem:$0x1C840] =	vst v63  }
0x15e: {  	s15 =	sadd.s32 $0x12C0, s12  }
0x15f: {  	[tilespmem:s30], [sflag:$0x2] =	stream.linear.gather [hbm4b:s15+s4], $0x190, $0x38;
	[tilespmem:$0x1C840] =	vst v63  }
0x160: {  	_ =	swait.ge [sflag:s31], $0x1900  }
0x161: {  	[sflag:s31] =	ssyncset.done $0x0  }
0x162: {  	[sflag:s31] =	ssyncadd.s32 $0xFFFFE700  }
0x163: {  	[spmem:s3] =	stream.indirect.scatter.add.f32 [tilespmem:s29], [sflag:$0x5], $0x10, s25, s28, $0xb8;
	[tilespmem:$0x1C840] =	vst v63  }
0x164: {  	_ =	swait.ge [sflag:s0], $0x190  }
0x165: {  	[sflag:s0] =	ssyncset.done $0x0  }
0x166: {  	[sflag:s0] =	ssyncadd.s32 $0xFFFFFE70  }
0x167: {  	_ =	swait.ge [sflag:s0], $0x190  }
0x168: {  	[sflag:s0] =	ssyncset.done $0x0  }
0x169: {  	[sflag:s0] =	ssyncadd.s32 $0xFFFFFE70  }
0x16a: {  	[tilespmem:s2], [sflag:$0x4] =	stream.indirect.gather [hbm4b:s7+s28], $0x10, s28, s28, $0xb8;
	[tilespmem:$0x1C840] =	vst v63  }
0x16b: {  	_ =	swait.ge [sflag:s9], $0x1900  }
0x16c: {  	[sflag:s9] =	ssyncset.done $0x0  }
0x16d: {  	s1 =	sadd.s32 $0x1900, s1;
	[sflag:s9] =	ssyncadd.s32 $0xFFFFE700  }
0x16e: {  	[tilespmem:s4], [sflag:$0x1] =	stream.linear.gather [hbm4b:s1+s4], $0x190, $0x38;
	[tilespmem:$0x1C840] =	vst v63  }
0x16f: {  	s15 =	sadd.s32 $0x1900, s12  }
0x170: {  	[tilespmem:s25], [sflag:$0x1] =	stream.linear.gather [hbm4b:s15+s4], $0x190, $0x38;
	[tilespmem:$0x1C840] =	vst v63  }
0x171: {  	_ =	swait.ge [sflag:s13], $0x1900  }
0x172: {  	[sflag:s13] =	ssyncset.done $0x0  }
0x173: {  	s1 =	simm.s32 $0xC80;
	[sflag:s13] =	ssyncadd.s32 $0xFFFFE700  }
.LBB2_6:
0x174: {  	[spmem:s3] =	stream.indirect.scatter.add.f32 [tilespmem:s2], [sflag:$0x6], $0x10, s30, s28, $0xb8;
	[tilespmem:$0x1C840] =	vst v63  }
0x175: {  	s11 =	smov.u32 s1  }
0x176: {  	p0 =	sne.s32 s1, $0x2EE00;
	s1 =	sadd.s32 $0xC80, s1;
	_ =	swait.ge [sflag:s26], $0x190  }
0x177: {  	[sflag:s26] =	ssyncset.done $0x0  }
0x178: {  	[sflag:s26] =	ssyncadd.s32 $0xFFFFFE70  }
0x179: {  	_ =	swait.ge [sflag:s26], $0x190  }
0x17a: {  	[sflag:s26] =	ssyncset.done $0x0  }
0x17b: {  	[sflag:s26] =	ssyncadd.s32 $0xFFFFFE70  }
0x17c: {  	[tilespmem:s29], [sflag:$0x3] =	stream.indirect.gather [hbm4b:s7+s28], $0x10, s4, s28, $0xb8;
	[tilespmem:$0x1C840] =	vst v63  }
0x17d: {  	_ =	swait.ge [sflag:s14], $0x1900  }
0x17e: {  	s12 =	sadd.s32 s11, s23;
	[sflag:s14] =	ssyncset.done $0x0  }
0x17f: {  	s11 =	sadd.s32 s11, s22;
	s15 =	sadd.s32 $0x12C0, s12;
	[sflag:s14] =	ssyncadd.s32 $0xFFFFE700  }
0x180: {  	[tilespmem:s28], [sflag:$0x2] =	stream.linear.gather [hbm4b:s15+s4], $0x190, $0x38;
	[tilespmem:$0x1C840] =	vst v63  }
0x181: {  	s15 =	sadd.s32 $0x12C0, s11  }
0x182: {  	[tilespmem:s30], [sflag:$0x2] =	stream.linear.gather [hbm4b:s15+s4], $0x190, $0x38;
	[tilespmem:$0x1C840] =	vst v63  }
0x183: {  	_ =	swait.ge [sflag:s31], $0x1900  }
0x184: {  	[sflag:s31] =	ssyncset.done $0x0  }
0x185: {  	[sflag:s31] =	ssyncadd.s32 $0xFFFFE700  }
0x186: {  	[spmem:s3] =	stream.indirect.scatter.add.f32 [tilespmem:s29], [sflag:$0x5], $0x10, s25, s28, $0xb8;
	[tilespmem:$0x1C840] =	vst v63  }
0x187: {  	_ =	swait.ge [sflag:s0], $0x190  }
0x188: {  	[sflag:s0] =	ssyncset.done $0x0  }
0x189: {  	[sflag:s0] =	ssyncadd.s32 $0xFFFFFE70  }
0x18a: {  	_ =	swait.ge [sflag:s0], $0x190  }
0x18b: {  	[sflag:s0] =	ssyncset.done $0x0  }
0x18c: {  	[sflag:s0] =	ssyncadd.s32 $0xFFFFFE70  }
0x18d: {  	[tilespmem:s2], [sflag:$0x4] =	stream.indirect.gather [hbm4b:s7+s28], $0x10, s28, s28, $0xb8;
	[tilespmem:$0x1C840] =	vst v63  }
0x18e: {  	_ =	swait.ge [sflag:s9], $0x1900  }
0x18f: {  	[sflag:s9] =	ssyncset.done $0x0  }
0x190: {  	s12 =	sadd.s32 $0x1900, s12;
	[sflag:s9] =	ssyncadd.s32 $0xFFFFE700  }
0x191: {  	[tilespmem:s4], [sflag:$0x1] =	stream.linear.gather [hbm4b:s12+s4], $0x190, $0x38;
	[tilespmem:$0x1C840] =	vst v63  }
.Ltmp2:
0x192: {  	s11 =	sadd.s32 $0x1900, s11;
	(pc) =	sbr.rel @p0 .LBB2_6-.Ltmp2, $4  }
0x193: {  	[tilespmem:s25], [sflag:$0x1] =	stream.linear.gather [hbm4b:s11+s4], $0x190, $0x38;
	[tilespmem:$0x1C840] =	vst v63  }
0x194: {  	_ =	swait.ge [sflag:s13], $0x1900  }
0x195: {  	[sflag:s13] =	ssyncset.done $0x0  }
0x196: {  	[sflag:s13] =	ssyncadd.s32 $0xFFFFE700  }
0x197: {  	[spmem:s3] =	stream.indirect.scatter.add.f32 [tilespmem:s2], [sflag:$0x6], $0x10, s30, s28, $0xb8;
	[tilespmem:$0x1C840] =	vst v63  }
0x198: {  	_ =	swait.ge [sflag:s26], $0x190  }
0x199: {  	[sflag:s26] =	ssyncset.done $0x0  }
0x19a: {  	[sflag:s26] =	ssyncadd.s32 $0xFFFFFE70  }
0x19b: {  	_ =	swait.ge [sflag:s26], $0x190  }
0x19c: {  	[sflag:s26] =	ssyncset.done $0x0  }
0x19d: {  	s1 =	simm.s32 $0x0;
	[sflag:s26] =	ssyncadd.s32 $0xFFFFFE70  }
0x19e: {  	[tilespmem:s29], [sflag:$0x3] =	stream.indirect.gather [hbm4b:s7+s28], $0x10, s1, s28, $0xb8;
	[tilespmem:$0x1C840] =	vst v63  }
0x19f: {  	_ =	swait.ge [sflag:s14], $0x1900  }
0x1a0: {  	[sflag:s14] =	ssyncset.done $0x0  }
0x1a1: {  	[sflag:s14] =	ssyncadd.s32 $0xFFFFE700  }
0x1a2: {  	_ =	swait.ge [sflag:s31], $0x1900  }
0x1a3: {  	[sflag:s31] =	ssyncset.done $0x0  }
0x1a4: {  	[sflag:s31] =	ssyncadd.s32 $0xFFFFE700  }
0x1a5: {  	[spmem:s3] =	stream.indirect.scatter.add.f32 [tilespmem:s29], [sflag:$0x5], $0x10, s25, s28, $0xb8;
	[tilespmem:$0x1C840] =	vst v63  }
0x1a6: {  	_ =	swait.ge [sflag:s9], $0x1900  }
0x1a7: {  	[sflag:s9] =	ssyncset.done $0x0  }
0x1a8: {  	[sflag:s9] =	ssyncadd.s32 $0xFFFFE700  }
0x1a9: {  	[bflag:$0x0] =	sbarrier.arrive $0xFFFF  }
0x1aa: {  	s12 =	simm.s32 $0x8;
	s11 =	rddreg [dreg:$0x9]  }
0x1ab: {  	[hbm:s11@s12], [sflag:s10] =	dma.strided [spmem:s17@s0], $0x3200, s26, $0x2   }
0x1ac: {  	_ =	swait.ge [sflag:s24], $0x3200  }
0x1ad: {  	[sflag:s24] =	ssyncset.done $0x0  }
0x1ae: {  	[sflag:s24] =	ssyncadd.s32 $0xFFFFCE00  }
0x1af: {  	[bflag:$0x0] =	sbarrier.arrive $0xFFFF  }
0x1b0: {  	s12 =	rddreg [dreg:$0x1]  }
0x1b1: {  	[spmem:s17], [sflag:s10] =	dma.local [hbm:s12], $0x3200  }
0x1b2: {  	_ =	swait.ge [sflag:s24], $0x3200  }
0x1b3: {  	[sflag:s24] =	ssyncset.done $0x0  }
0x1b4: {  	[sflag:s24] =	ssyncadd.s32 $0xFFFFCE00  }
0x1b5: {  	[bflag:$0x0] =	sbarrier.arrive $0xFFFF  }
0x1b6: {  	s15 =	rddreg [dreg:$0x5]  }
0x1b7: {  	[tilespmem:s1], [sflag:$0x1] =	stream.linear.gather [hbm4b:s15+s1], $0x190, $0x38;
	[tilespmem:$0x1C840] =	vst v63  }
0x1b8: {  	s12 =	rddreg [dreg:$0x6]  }
0x1b9: {  	[tilespmem:s25], [sflag:$0x1] =	stream.linear.gather [hbm4b:s12+s1], $0x190, $0x38;
	[tilespmem:$0x1C840] =	vst v63  }
0x1ba: {  	_ =	swait.ge [sflag:s26], $0x190  }
0x1bb: {  	[sflag:s26] =	ssyncset.done $0x0  }
0x1bc: {  	[sflag:s26] =	ssyncadd.s32 $0xFFFFFE70  }
0x1bd: {  	_ =	swait.ge [sflag:s26], $0x190  }
0x1be: {  	[sflag:s26] =	ssyncset.done $0x0  }
0x1bf: {  	[sflag:s26] =	ssyncadd.s32 $0xFFFFFE70  }
0x1c0: {  	[tilespmem:s29], [sflag:$0x3] =	stream.indirect.gather [hbm4b:s8+s28], $0x10, s1, s28, $0xb8;
	[tilespmem:$0x1C840] =	vst v63  }
0x1c1: {  	_ = 	snop  }
0x1c2: {  	[tilespmem:s28], [sflag:$0x2] =	stream.linear.gather [hbm4b:s18+s1], $0x190, $0x38;
	[tilespmem:$0x1C840] =	vst v63  }
0x1c3: {  	_ = 	snop  }
0x1c4: {  	[tilespmem:s30], [sflag:$0x2] =	stream.linear.gather [hbm4b:s19+s1], $0x190, $0x38;
	[tilespmem:$0x1C840] =	vst v63  }
0x1c5: {  	_ =	swait.ge [sflag:s31], $0x1900  }
0x1c6: {  	[sflag:s31] =	ssyncset.done $0x0  }
0x1c7: {  	[sflag:s31] =	ssyncadd.s32 $0xFFFFE700  }
0x1c8: {  	[spmem:s3] =	stream.indirect.scatter.add.f32 [tilespmem:s29], [sflag:$0x5], $0x10, s25, s28, $0xb8;
	[tilespmem:$0x1C840] =	vst v63  }
0x1c9: {  	_ =	swait.ge [sflag:s0], $0x190  }
0x1ca: {  	[sflag:s0] =	ssyncset.done $0x0  }
0x1cb: {  	[sflag:s0] =	ssyncadd.s32 $0xFFFFFE70  }
0x1cc: {  	_ =	swait.ge [sflag:s0], $0x190  }
0x1cd: {  	[sflag:s0] =	ssyncset.done $0x0  }
0x1ce: {  	[sflag:s0] =	ssyncadd.s32 $0xFFFFFE70  }
0x1cf: {  	[tilespmem:s2], [sflag:$0x4] =	stream.indirect.gather [hbm4b:s8+s28], $0x10, s28, s28, $0xb8;
	[tilespmem:$0x1C840] =	vst v63  }
0x1d0: {  	_ =	swait.ge [sflag:s9], $0x1900  }
0x1d1: {  	[sflag:s9] =	ssyncset.done $0x0  }
0x1d2: {  	[sflag:s9] =	ssyncadd.s32 $0xFFFFE700  }
0x1d3: {  	[tilespmem:s1], [sflag:$0x1] =	stream.linear.gather [hbm4b:s21+s1], $0x190, $0x38;
	[tilespmem:$0x1C840] =	vst v63  }
0x1d4: {  	_ = 	snop  }
0x1d5: {  	[tilespmem:s25], [sflag:$0x1] =	stream.linear.gather [hbm4b:s20+s1], $0x190, $0x38;
	[tilespmem:$0x1C840] =	vst v63  }
0x1d6: {  	_ =	swait.ge [sflag:s13], $0x1900  }
0x1d7: {  	[sflag:s13] =	ssyncset.done $0x0  }
0x1d8: {  	[sflag:s13] =	ssyncadd.s32 $0xFFFFE700  }
0x1d9: {  	[spmem:s3] =	stream.indirect.scatter.add.f32 [tilespmem:s2], [sflag:$0x6], $0x10, s30, s28, $0xb8;
	[tilespmem:$0x1C840] =	vst v63  }
0x1da: {  	_ =	swait.ge [sflag:s26], $0x190  }
0x1db: {  	[sflag:s26] =	ssyncset.done $0x0  }
0x1dc: {  	[sflag:s26] =	ssyncadd.s32 $0xFFFFFE70  }
0x1dd: {  	_ =	swait.ge [sflag:s26], $0x190  }
0x1de: {  	[sflag:s26] =	ssyncset.done $0x0  }
0x1df: {  	[sflag:s26] =	ssyncadd.s32 $0xFFFFFE70  }
0x1e0: {  	[tilespmem:s29], [sflag:$0x3] =	stream.indirect.gather [hbm4b:s8+s28], $0x10, s4, s28, $0xb8;
	[tilespmem:$0x1C840] =	vst v63  }
0x1e1: {  	_ =	swait.ge [sflag:s14], $0x1900  }
0x1e2: {  	s1 =	sadd.s32 $0x0, s23;
	[sflag:s14] =	ssyncset.done $0x0  }
0x1e3: {  	s12 =	sadd.s32 $0x0, s22;
	s15 =	sadd.s32 $0x12C0, s1;
	[sflag:s14] =	ssyncadd.s32 $0xFFFFE700  }
0x1e4: {  	[tilespmem:s28], [sflag:$0x2] =	stream.linear.gather [hbm4b:s15+s4], $0x190, $0x38;
	[tilespmem:$0x1C840] =	vst v63  }
0x1e5: {  	s15 =	sadd.s32 $0x12C0, s12  }
0x1e6: {  	[tilespmem:s30], [sflag:$0x2] =	stream.linear.gather [hbm4b:s15+s4], $0x190, $0x38;
	[tilespmem:$0x1C840] =	vst v63  }
0x1e7: {  	_ =	swait.ge [sflag:s31], $0x1900  }
0x1e8: {  	[sflag:s31] =	ssyncset.done $0x0  }
0x1e9: {  	[sflag:s31] =	ssyncadd.s32 $0xFFFFE700  }
0x1ea: {  	[spmem:s3] =	stream.indirect.scatter.add.f32 [tilespmem:s29], [sflag:$0x5], $0x10, s25, s28, $0xb8;
	[tilespmem:$0x1C840] =	vst v63  }
0x1eb: {  	_ =	swait.ge [sflag:s0], $0x190  }
0x1ec: {  	[sflag:s0] =	ssyncset.done $0x0  }
0x1ed: {  	[sflag:s0] =	ssyncadd.s32 $0xFFFFFE70  }
0x1ee: {  	_ =	swait.ge [sflag:s0], $0x190  }
0x1ef: {  	[sflag:s0] =	ssyncset.done $0x0  }
0x1f0: {  	[sflag:s0] =	ssyncadd.s32 $0xFFFFFE70  }
0x1f1: {  	[tilespmem:s2], [sflag:$0x4] =	stream.indirect.gather [hbm4b:s8+s28], $0x10, s28, s28, $0xb8;
	[tilespmem:$0x1C840] =	vst v63  }
0x1f2: {  	_ =	swait.ge [sflag:s9], $0x1900  }
0x1f3: {  	[sflag:s9] =	ssyncset.done $0x0  }
0x1f4: {  	s1 =	sadd.s32 $0x1900, s1;
	[sflag:s9] =	ssyncadd.s32 $0xFFFFE700  }
0x1f5: {  	[tilespmem:s4], [sflag:$0x1] =	stream.linear.gather [hbm4b:s1+s4], $0x190, $0x38;
	[tilespmem:$0x1C840] =	vst v63  }
0x1f6: {  	s15 =	sadd.s32 $0x1900, s12  }
0x1f7: {  	[tilespmem:s25], [sflag:$0x1] =	stream.linear.gather [hbm4b:s15+s4], $0x190, $0x38;
	[tilespmem:$0x1C840] =	vst v63  }
0x1f8: {  	_ =	swait.ge [sflag:s13], $0x1900  }
0x1f9: {  	[sflag:s13] =	ssyncset.done $0x0  }
0x1fa: {  	s1 =	simm.s32 $0xC80;
	[sflag:s13] =	ssyncadd.s32 $0xFFFFE700  }
.LBB2_8:
0x1fb: {  	[spmem:s3] =	stream.indirect.scatter.add.f32 [tilespmem:s2], [sflag:$0x6], $0x10, s30, s28, $0xb8;
	[tilespmem:$0x1C840] =	vst v63  }
0x1fc: {  	s11 =	smov.u32 s1  }
0x1fd: {  	p0 =	sne.s32 s1, $0x2EE00;
	s1 =	sadd.s32 $0xC80, s1;
	_ =	swait.ge [sflag:s26], $0x190  }
0x1fe: {  	[sflag:s26] =	ssyncset.done $0x0  }
0x1ff: {  	[sflag:s26] =	ssyncadd.s32 $0xFFFFFE70  }
0x200: {  	_ =	swait.ge [sflag:s26], $0x190  }
0x201: {  	[sflag:s26] =	ssyncset.done $0x0  }
0x202: {  	[sflag:s26] =	ssyncadd.s32 $0xFFFFFE70  }
0x203: {  	[tilespmem:s29], [sflag:$0x3] =	stream.indirect.gather [hbm4b:s8+s28], $0x10, s4, s28, $0xb8;
	[tilespmem:$0x1C840] =	vst v63  }
0x204: {  	_ =	swait.ge [sflag:s14], $0x1900  }
0x205: {  	s12 =	sadd.s32 s11, s23;
	[sflag:s14] =	ssyncset.done $0x0  }
0x206: {  	s11 =	sadd.s32 s11, s22;
	s15 =	sadd.s32 $0x12C0, s12;
	[sflag:s14] =	ssyncadd.s32 $0xFFFFE700  }
0x207: {  	[tilespmem:s28], [sflag:$0x2] =	stream.linear.gather [hbm4b:s15+s4], $0x190, $0x38;
	[tilespmem:$0x1C840] =	vst v63  }
0x208: {  	s15 =	sadd.s32 $0x12C0, s11  }
0x209: {  	[tilespmem:s30], [sflag:$0x2] =	stream.linear.gather [hbm4b:s15+s4], $0x190, $0x38;
	[tilespmem:$0x1C840] =	vst v63  }
0x20a: {  	_ =	swait.ge [sflag:s31], $0x1900  }
0x20b: {  	[sflag:s31] =	ssyncset.done $0x0  }
0x20c: {  	[sflag:s31] =	ssyncadd.s32 $0xFFFFE700  }
0x20d: {  	[spmem:s3] =	stream.indirect.scatter.add.f32 [tilespmem:s29], [sflag:$0x5], $0x10, s25, s28, $0xb8;
	[tilespmem:$0x1C840] =	vst v63  }
0x20e: {  	_ =	swait.ge [sflag:s0], $0x190  }
0x20f: {  	[sflag:s0] =	ssyncset.done $0x0  }
0x210: {  	[sflag:s0] =	ssyncadd.s32 $0xFFFFFE70  }
0x211: {  	_ =	swait.ge [sflag:s0], $0x190  }
0x212: {  	[sflag:s0] =	ssyncset.done $0x0  }
0x213: {  	[sflag:s0] =	ssyncadd.s32 $0xFFFFFE70  }
0x214: {  	[tilespmem:s2], [sflag:$0x4] =	stream.indirect.gather [hbm4b:s8+s28], $0x10, s28, s28, $0xb8;
	[tilespmem:$0x1C840] =	vst v63  }
0x215: {  	_ =	swait.ge [sflag:s9], $0x1900  }
0x216: {  	[sflag:s9] =	ssyncset.done $0x0  }
0x217: {  	s12 =	sadd.s32 $0x1900, s12;
	[sflag:s9] =	ssyncadd.s32 $0xFFFFE700  }
0x218: {  	[tilespmem:s4], [sflag:$0x1] =	stream.linear.gather [hbm4b:s12+s4], $0x190, $0x38;
	[tilespmem:$0x1C840] =	vst v63  }
.Ltmp3:
0x219: {  	s11 =	sadd.s32 $0x1900, s11;
	(pc) =	sbr.rel @p0 .LBB2_8-.Ltmp3, $4  }
0x21a: {  	[tilespmem:s25], [sflag:$0x1] =	stream.linear.gather [hbm4b:s11+s4], $0x190, $0x38;
	[tilespmem:$0x1C840] =	vst v63  }
0x21b: {  	_ =	swait.ge [sflag:s13], $0x1900  }
0x21c: {  	[sflag:s13] =	ssyncset.done $0x0  }
0x21d: {  	[sflag:s13] =	ssyncadd.s32 $0xFFFFE700  }
0x21e: {  	[spmem:s3] =	stream.indirect.scatter.add.f32 [tilespmem:s2], [sflag:$0x6], $0x10, s30, s28, $0xb8;
	[tilespmem:$0x1C840] =	vst v63  }
0x21f: {  	_ =	swait.ge [sflag:s26], $0x190  }
0x220: {  	[sflag:s26] =	ssyncset.done $0x0  }
0x221: {  	[sflag:s26] =	ssyncadd.s32 $0xFFFFFE70  }
0x222: {  	_ =	swait.ge [sflag:s26], $0x190  }
0x223: {  	[sflag:s26] =	ssyncset.done $0x0  }
0x224: {  	[sflag:s26] =	ssyncadd.s32 $0xFFFFFE70  }
0x225: {  	[tilespmem:s29], [sflag:$0x3] =	stream.indirect.gather [hbm4b:s8+s28], $0x10, s4, s28, $0xb8;
	[tilespmem:$0x1C840] =	vst v63  }
0x226: {  	_ =	swait.ge [sflag:s14], $0x1900  }
0x227: {  	[sflag:s14] =	ssyncset.done $0x0  }
0x228: {  	[sflag:s14] =	ssyncadd.s32 $0xFFFFE700  }
0x229: {  	_ =	swait.ge [sflag:s31], $0x1900  }
0x22a: {  	[sflag:s31] =	ssyncset.done $0x0  }
0x22b: {  	[sflag:s31] =	ssyncadd.s32 $0xFFFFE700  }
0x22c: {  	[spmem:s3] =	stream.indirect.scatter.add.f32 [tilespmem:s29], [sflag:$0x5], $0x10, s25, s28, $0xb8;
	[tilespmem:$0x1C840] =	vst v63  }
0x22d: {  	_ =	swait.ge [sflag:s9], $0x1900  }
0x22e: {  	[sflag:s9] =	ssyncset.done $0x0  }
0x22f: {  	[sflag:s9] =	ssyncadd.s32 $0xFFFFE700  }
0x230: {  	[bflag:$0x0] =	sbarrier.arrive $0xFFFF  }
0x231: {  	s11 =	simm.s32 $0x8;
	s1 =	rddreg [dreg:$0xa]  }
0x232: {  	[hbm:s1@s11], [sflag:s10] =	dma.strided [spmem:s17@s0], $0x3200, s26, $0x2   }
0x233: {  	_ =	swait.ge [sflag:s24], $0x3200  }
0x234: {  	s16 =	sadd.s32 $0x1, s16;
	s17 =	rddreg [dreg:$0xb]  }
0x235: {  	p0 =	sne.s32 s16, s17  }
.Ltmp4:
0x236: {  	_ = 	snop;
	(pc) =	sbr.rel @p0 .LBB2_1-.Ltmp4, $3  }
0x237: {  	[sflag:s24] =	ssyncset.done $0x0  }
0x238: {  	[sflag:s24] =	ssyncadd.s32 $0xFFFFCE00  }
0x239: {  	[bflag:$0x0] =	sbarrier.arrive $0xFFFF;
	_ =	sdelay $0x1  }
0x23a: {  	_ =	sfence.sel $0x180000  }
0x23b: {  	[bflag:$0x0] =	sbarrier.arrive $0xFFFF  }
0x23c: {  	_ =	strace $0x9000004D  }
0x23d: {  	s0 =	stileid.u32;
	[bflag:$0x2] =	sbarrier.arrive $0xFFFF  }
0x23e: {  	p0 =	sne.s32 s0, $0x0;
	s0 =	rddreg [dreg:$0x3]  }
0x23f: {  	s0 =	sadd.s32 @!p0 $0x100000, s0  }
0x240: {  	[sflag:s0] =	ssyncadd.tile.s32 @!p0 $0x1;
	_ =	shalt  }
.Lfunc_end2:
_tile_overlayer_lowered:
.L_overlay_start_2:
0x241: {  	(tag) =	ssettag $0x2  }
0x242: {  	s0 =	rddreg [dreg:$0x0];
	s2 =	stileid.u32  }
0x243: {  	s1 =	rddreg [dreg:$0x1];
	p0 =	sne.s32 s2, $0x0  }
0x244: {  	s3 =	rddreg [dreg:$0x2];
	[bflag:$0x3] =	sbarrier.arrive $0xFFFF;
	s2 =	simm.s32 @!p0 $0x1C07  }
0x245: {  	[timem:s3], [sflag:s2] =	dma.local @!p0 [hbm:s0], s1  }
0x246: {  	s0 =	simm.s32 @!p0 $0x7  }
0x247: {  	_ =	swait.ge @!p0 [sflag:s0], s1  }
0x248: {  	s1 =	ssub.s32 @!p0 $0x0, s1;
	[sflag:s0] =	ssyncset.done @!p0 $0x0  }
0x249: {  	[sflag:s0] =	ssyncadd.s32 @!p0 s1  }
0x24a: {  	[bflag:$0x3] =	sbarrier.arrive $0xFFFF  }
0x24b: {  	_ =	shalt  }

// kernel: kernel.8.cloned.1.call-start
scs
__scs_entry_jumppad:
0x0: {  	(pc) =	sbr.rel $0x88, $3  }
0x1: {  	(tag) =	ssettag $0x0;
	lr =	simm.s32 $0x1  }
0x2: {  	[smem:$0x3F99] =	sst lr;
	_ =	strace $0xD0000000  }
0x3: {  	_ = 	snop  }
0x4: {  	_ = 	snop  }
0x5: {  	_ = 	snop  }
0x6: {  	_ = 	snop  }
0x7: {  	_ = 	snop  }
__scs_overlays_trampoline_lowered:
0x8: {  	[smem:$0x3FA8] =	sst s0  }
0x9: {  	[smem:$0x3FA9] =	sst s1  }
0xa: {  	[smem:$0x3FAA] =	sst s2  }
0xb: {  	[smem:$0x3FAB] =	sst s3  }
0xc: {  	[smem:$0x3FAC] =	sst s4  }
0xd: {  	[smem:$0x3FAD] =	sst s5  }
0xe: {  	[smem:$0x3FAE] =	sst s6  }
0xf: {  	[smem:$0x3FAF] =	sst s7  }
0x10: {  	[smem:$0x3FB0] =	sst s8  }
0x11: {  	[smem:$0x3FB1] =	sst s9;
	s0 =	simm.s32 @!p0 $0x0  }
0x12: {  	s1 =	sld [smem:$0x3F97];
	s0 =	simm.s32 @p0 $0x1  }
0x13: {  	[smem:$0x3FB2] =	sst s0;
	s0 =	simm.s32 @!p1 $0x0  }
0x14: {  	s2 =	sld [smem:$0x3F96];
	s0 =	simm.s32 @p1 $0x1  }
0x15: {  	[smem:$0x3FB3] =	sst s0;
	s0 =	simm.s32 @!p2 $0x0  }
0x16: {  	s3 =	sld [smem:$0x3FDB];
	s0 =	simm.s32 @p2 $0x1  }
0x17: {  	s4 =	simm.s32 $0x1BF5;
	[smem:$0x3FB5] =	sst s0  }
0x18: {  	s0 =	sld [smem:$0x3F98];
	_ =	swait.ge [sflag:s4], $0x0  }
0x19: {  	s7 =	sld [smem:$0x3F99]  }
0x1a: {  	s8 =	sadd.s32 $0xFFFFE003, lr  }
0x1b: {  	s9 =	sadd.s32 $0xFFFFFEF7, lr;
	s5 =	simm.s32 $0xFFFFFFFF;
	p2 =	slt.u32 s8, $0xFFFFF086  }
0x1c: {  	p1 =	slt.u32 s9, $0xF7A;
	s5 =	simm.s32 @!p2 $0x0  }
0x1d: {  	s5 =	simm.s32 @p1 $0x1;
	p0 =	seq.s32 s7, s2  }
0x1e: {  	s7 =	smul.u32 @!p0 $0xF7A, s2;
	p2 =	seq.s32 @!p0 s5, $0x0  }
0x1f: {  	s9 =	smul.u32 $0xF7A, s1;
	s8 =	simm.s32 @!p0 $0x1BF5;
	p2 =	por !p2, p0  }
0x20: {  	[sflag:s8] =	ssyncset.s32 @!p0 $0xFFFFF086;
	s6 =	sadd.s32 @!p0 s3, s7;
	s7 =	simm.s32 @!p0 $0x108  }
0x21: {  	s3 =	sadd.s32 s3, s9;
	s6 =	sadd.s32 @!p0 $0x88, s6;
	s7 =	simm.s32 @p2 $0x1082  }
0x22: {  	[simem:s7], [sflag:s8] =	dma.local @!p0 [hbm:s6], $0xF7A  }
0x23: {  	s9 =	sor.u32 $0xD0000000, s2;
	s6 =	simm.s32 $0x108;
	_ =	swait.ge @!p0 [sflag:s8], $0x0  }
0x24: {  	s3 =	sadd.s32 $0x88, s3;
	s6 =	simm.s32 @!p1 $0x1082;
	[sflag:s4] =	ssyncset.s32 $0xFFFFF086  }
0x25: {  	[simem:s6], [sflag:s4] =	dma.local [hbm:s3], $0xF7A  }
0x26: {  	[smem:$0x3F99] =	sst s1;
	(tag) =	ssettag s2;
	_ =	strace s9  }
0x27: {  	s1 =	sld [smem:$0x3FA9]  }
0x28: {  	s2 =	sld [smem:$0x3FAA]  }
0x29: {  	s4 =	sld [smem:$0x3FAC]  }
0x2a: {  	p0 =	seq.s32 s5, $0x0;
	s5 =	sld [smem:$0x3FAD]  }
0x2b: {  	s6 =	sld [smem:$0x3FAE]  }
0x2c: {  	s7 =	sld [smem:$0x3FAF]  }
0x2d: {  	s3 =	simm.s32 $0x108;
	s8 =	sld [smem:$0x3FB0]  }
0x2e: {  	s3 =	simm.s32 @!p0 $0x1082;
	s9 =	sld [smem:$0x3FB1]  }
0x2f: {  	lr =	sadd.s32 s0, s3;
	s0 =	sld [smem:$0x3FA8]  }
0x30: {  	s3 =	sld [smem:$0x3FAB]  }
0x31: {  	[smem:$0x3FB4] =	sst s10  }
0x32: {  	s10 =	sld [smem:$0x3FB2];
	_ =	sdelay $0x3  }
0x33: {  	p0 =	seq.s32 s10, $0x1;
	s10 =	sld [smem:$0x3FB4];
	_ =	sdelay $0x3  }
0x34: {  	[smem:$0x3FB4] =	sst s10  }
0x35: {  	s10 =	sld [smem:$0x3FB3];
	_ =	sdelay $0x3  }
0x36: {  	p1 =	seq.s32 s10, $0x1;
	s10 =	sld [smem:$0x3FB4];
	_ =	sdelay $0x3  }
0x37: {  	[smem:$0x3FB4] =	sst s10  }
0x38: {  	s10 =	sld [smem:$0x3FB5]  }
0x39: {  	_ = 	snop;
	(pc) =	sbr.ind lr, $3  }
0x3a: {  	_ = 	snop  }
0x3b: {  	_ = 	snop  }
0x3c: {  	p2 =	seq.s32 s10, $0x1;
	s10 =	sld [smem:$0x3FB4]  }
0x3d: {  	_ =	shalt  }
0x3e: {  	_ =	shalt  }
0x3f: {  	_ =	shalt  }
0x40: {  	_ =	shalt  }
0x41: {  	_ =	shalt  }
0x42: {  	_ =	shalt  }
0x43: {  	_ =	shalt  }
0x44: {  	_ =	shalt  }
0x45: {  	_ =	shalt  }
0x46: {  	_ =	shalt  }
0x47: {  	_ =	shalt  }
0x48: {  	_ =	shalt  }
0x49: {  	_ =	shalt  }
0x4a: {  	_ =	shalt  }
0x4b: {  	_ =	shalt  }
0x4c: {  	_ =	shalt  }
0x4d: {  	_ =	shalt  }
0x4e: {  	_ =	shalt  }
0x4f: {  	_ =	shalt  }
0x50: {  	_ =	shalt  }
0x51: {  	_ =	shalt  }
0x52: {  	_ =	shalt  }
0x53: {  	_ =	shalt  }
0x54: {  	_ =	shalt  }
0x55: {  	_ =	shalt  }
0x56: {  	_ =	shalt  }
0x57: {  	_ =	shalt  }
0x58: {  	_ =	shalt  }
0x59: {  	_ =	shalt  }
0x5a: {  	_ =	shalt  }
0x5b: {  	_ =	shalt  }
0x5c: {  	_ =	shalt  }
0x5d: {  	_ =	shalt  }
0x5e: {  	_ =	shalt  }
0x5f: {  	_ =	shalt  }
0x60: {  	_ =	shalt  }
0x61: {  	_ =	shalt  }
0x62: {  	_ =	shalt  }
0x63: {  	_ =	shalt  }
0x64: {  	_ =	shalt  }
0x65: {  	_ =	shalt  }
0x66: {  	_ =	shalt  }
0x67: {  	_ =	shalt  }
0x68: {  	_ =	shalt  }
0x69: {  	_ =	shalt  }
0x6a: {  	_ =	shalt  }
0x6b: {  	_ =	shalt  }
0x6c: {  	_ =	shalt  }
0x6d: {  	_ =	shalt  }
0x6e: {  	_ =	shalt  }
0x6f: {  	_ =	shalt  }
0x70: {  	_ =	shalt  }
0x71: {  	_ =	shalt  }
0x72: {  	_ =	shalt  }
0x73: {  	_ =	shalt  }
0x74: {  	_ =	shalt  }
0x75: {  	_ =	shalt  }
0x76: {  	_ =	shalt  }
0x77: {  	_ =	shalt  }
0x78: {  	_ =	shalt  }
0x79: {  	_ =	shalt  }
0x7a: {  	_ =	shalt  }
0x7b: {  	_ =	shalt  }
0x7c: {  	_ =	shalt  }
0x7d: {  	_ =	shalt  }
0x7e: {  	_ =	shalt  }
0x7f: {  	_ =	shalt  }
0x80: {  	_ =	shalt  }
0x81: {  	_ =	shalt  }
0x82: {  	_ =	shalt  }
0x83: {  	_ =	shalt  }
0x84: {  	_ =	shalt  }
0x85: {  	_ =	shalt  }
0x86: {  	_ =	shalt  }
0x87: {  	_ =	shalt  }
.Lfunc_end0:
.L_simem_size_0:
called_computation_lowered:
.L_overlay_start_0:
0x88: {  	s2 =	sld [smem:$0x3FD9]  }
0x89: {  	s3 =	sld [smem:$0x3FFE];
	_ =	sdelay $0x1  }
0x8a: {  	s1 =	srdreg.scid  }
0x8b: {  	s0 =	sand.u32 $0x1, s1  }
0x8c: {  	s17 =	sshll.u32 s0, $0xA;
	s2 =	sadd.s32 s3, s2  }
0x8d: {  	s2 =	sadd.s32 s2, s17  }
0x8e: {  	[smem:$0x3FC0] =	sst s2  }
0x8f: {  	_ = 	snop  }
0x90: {  	s2 =	sld [smem:$0x3FD0];
	(tm) =	ssettm $0x1  }
0x91: {  	s18 =	sld [smem:$0x3FFB];
	_ =	sdelay $0x3  }
0x92: {  	_ =	strace s18  }
0x93: {  	s3 =	sld [smem:$0x3FFC];
	_ =	sdelay $0x3  }
0x94: {  	_ =	strace s3  }
0x95: {  	s3 =	sld [smem:$0x3FFD];
	_ =	sdelay $0x3  }
0x96: {  	_ =	strace s3  }
0x97: {  	_ =	strace $0x8FFFFFFF  }
0x98: {  	s19 =	sld [smem:$0x3FDB];
	_ =	sdelay $0x1  }
0x99: {  	s4 =	simm.s32 $_scs_section_size  }
0x9a: {  	s5 =	simm.s32 $_size__tile_overlayer_lowered;
	s6 =	simm.s32 $_tile_overlayer_lowered  }
0x9b: {  	s22 =	simm.s32 $0x1BFF;
	s21 =	sshll.u32 s6, $0x1;
	s3 =	sadd.s32 s4, s19  }
0x9c: {  	s7 =	simm.s32 $0x0;
	s20 =	sshll.u32 s5, $0x1;
	s5 =	sadd.s32 s21, s3  }
0x9d: {  	[timem:s7], [sflag:s22] =	dma.local [hbm:s5], s20  }
0x9e: {  	_ =	swait.ge [sflag:s22], s20  }
0x9f: {  	s4 =	ssub.s32 $0x0, s20;
	[sflag:s22] =	ssyncset.done $0x0  }
0xa0: {  	[sflag:s22] =	ssyncadd.s32 s4;
	_ =	sdelay $0x1  }
0xa1: {  	s23 =	simm.s32 $0x1B8B  }
0xa2: {  	_ =	swait.ge [sflag:s23], $0x1  }
0xa3: {  	[sflag:s23] =	ssyncset.done $0x0  }
0xa4: {  	s25 =	simm.s32 $0x1B8E;
	s24 =	sld [smem:$0x3FFE];
	[sflag:s23] =	ssyncadd.s32 $0xFFFFFFFF  }
0xa5: {  	s26 =	simm.s32 $execute0_lowered;
	[smem:$0x3FD2] =	sst s25  }
0xa6: {  	s5 =	sshll.u32 s26, $0x1;
	_ =	strace $0x80000046;
	[dreg:$0x1] =	wrdreg $0xFFFFFFFF  }
0xa7: {  	s28 =	simm.s32 $_size_execute0_lowered;
	s3 =	sadd.s32 s3, s5;
	[dreg:$0x0] =	wrdreg $0x0  }
0xa8: {  	s5 =	sshll.u32 s28, $0x1;
	[dreg:$0x2] =	wrdreg s3  }
0xa9: {  	[dreg:$0x3] =	wrdreg s5  }
0xaa: {  	[dreg:$0x4] =	wrdreg $0xC0  }
0xab: {  	_ =	task [dreg:s7], $0x5FFFF  }
0xac: {  	[dreg:$0x1] =	wrdreg $0xFFFFFFFF  }
0xad: {  	[dreg:$0x0] =	wrdreg $0x60  }
0xae: {  	[dreg:$0x2] =	wrdreg s24  }
0xaf: {  	[dreg:$0x3] =	wrdreg s2  }
0xb0: {  	[dreg:$0x4] =	wrdreg $0x3A980  }
0xb1: {  	[dreg:$0x5] =	wrdreg $0x9  }
0xb2: {  	_ =	task.clear_ibuf [dreg:s7], $0x6FFFF;
	_ =	strace $0x90000046  }
0xb3: {  	s29 =	simm.s32 $0x9;
	_ =	strace $0x80000048  }
0xb4: {  	_ =	swait.ge [sflag:s29], $0x1  }
0xb5: {  	[sflag:s29] =	ssyncadd.s32 $0xFFFFFFFF  }
0xb6: {  	_ =	strace $0x90000048  }
0xb7: {  	_ =	sfence  }
0xb8: {  	s30 =	sld [smem:$0x0];
	_ =	sdelay $0x2  }
0xb9: {  	s31 =	sshll.u32 s1, $0xD;
	s1 =	sshrl.u32 s1, $0x2  }
0xba: {  	s3 =	sand.u32 $0x4000, s31;
	s1 =	sadd.s32 s1, s30  }
0xbb: {  	s0 =	sor.u32 s3, s0;
	s1 =	sshll.u32 s1, $0x11  }
0xbc: {  	s0 =	sor.u32 s1, s0  }
0xbd: {  	s0 =	sadd.s32 $0x8F2B, s0  }
0xbe: {  	[sflag:s0] =	ssyncadd.remote.s32 $0x1  }
0xbf: {  	_ =	sfence.sel $0xFFFF  }
0xc0: {  	[dreg:$0x0] =	wrdreg $0xFFFFFFFF;
	(pc) =	sbr.abs _section_cstart, $3  }
0xc1: {  	[dreg:$0x1] =	wrdreg $0xFFFFFFFF  }
0xc2: {  	_ =	task.clear_ibuf [dreg:s7], $0x2FFFF;
	_ =	strace $0x9FFFFFFF  }
0xc3: {  	(tm) =	ssettm $0x7FFFFFFF  }
tec
execute0_lowered:
.L_overlay_start_1:
0x0: {  	(tag) =	ssettag $0x1  }
0x1: {  	s25 =	rddreg [dreg:$0x0]  }
0x2: {  	s1 =	rddreg [dreg:$0x1]  }
0x3: {  	s3 =	rddreg [dreg:$0x2]  }
0x4: {  	s0 =	rddreg [dreg:$0x3]  }
0x5: {  	s4 =	simm.s32 $0x0;
	s5 =	srdreg.scid;
	s2 =	stileid.u32  }
0x6: {  	s6 =	simm.s32 $0x5;
	[smem:$0x7FF] =	sst s4;
	s26 =	sand.u32 $0x1, s5  }
0x7: {  	s5 =	sadd.s32 $0x63000, s25;
	s28 =	smul.u32 $0x1900, s2;
	_ =	strace $0x80000047  }
0x8: {  	[tilespmem:s4], [sflag:$0x5] =	stream.linear.gather [hbm4b:s5+s4], $0x1388, $0x38;
	[tilespmem:$0x5398] =	vst v63  }
0x9: {  	s7 =	sshll.u32 s2, $0x1;
	s30 =	sshll.u32 s2, $0x6;
	_ =	swait.ge [sflag:s6], $0x1388  }
0xa: {  	s9 =	sor.u32 s26, s7;
	s8 =	sadd.s32 s28, s3;
	[sflag:s6] =	ssyncset.done $0x0  }
0xb: {  	s7 =	sor.u32 $0x1C05, s30;
	s8 =	sshrl.u32 s8, $0x3;
	[sflag:s6] =	ssyncadd.s32 $0xFFFFEC78  }
0xc: {  	[spmem:s8], [sflag:s7] =	dma.local [hbm:s1], $0x320  }
0xd: {  	s9 =	smul.u32 $0x271, s9;
	_ =	swait.ge [sflag:s6], $0x320  }
0xe: {  	[sflag:s6] =	ssyncset.done $0x0  }
0xf: {  	s24 =	sadd.s32 s9, s25;
	[sflag:s6] =	ssyncadd.s32 $0xFFFFFCE0  }
0x10: {  	s10 =	simm.s32 $0x1388;
	s9 =	sadd.s32 $0x1400, s24;
	[bflag:$0x0] =	sbarrier.arrive $0xFFFF  }
0x11: {  	[tilespmem:s10], [sflag:$0x1] =	stream.linear.gather [hbm4b:s9+s4], $0x1388, $0x38;
	[tilespmem:$0x5398] =	vst v63  }
0x12: {  	s11 =	simm.s32 $0x1  }
0x13: {  	[tilespmem:s10], [sflag:$0x1] =	stream.linear.gather [hbm4b:s9+s4], $0x1388, $0x38;
	[tilespmem:$0x5398] =	vst v63  }
0x14: {  	_ =	swait.ge [sflag:s11], $0x1388  }
0x15: {  	[sflag:s11] =	ssyncset.done $0x0  }
0x16: {  	[sflag:s11] =	ssyncadd.s32 $0xFFFFEC78  }
0x17: {  	_ =	swait.ge [sflag:s11], $0x1388  }
0x18: {  	[sflag:s11] =	ssyncset.done $0x0  }
0x19: {  	s13 =	simm.s32 $0x2710;
	s12 =	sadd.s32 $0x6220, s24;
	[sflag:s11] =	ssyncadd.s32 $0xFFFFEC78  }
0x1a: {  	[tilespmem:s13], [sflag:$0x2] =	stream.linear.gather [hbm4b:s12+s4], $0x1388, $0x38;
	[tilespmem:$0x5398] =	vst v63  }
0x1b: {  	_ = 	snop  }
0x1c: {  	[tilespmem:s13], [sflag:$0x2] =	stream.linear.gather [hbm4b:s12+s4], $0x1388, $0x38;
	[tilespmem:$0x5398] =	vst v63  }
0x1d: {  	s14 =	simm.s32 $0x2  }
0x1e: {  	[spmem:s3] =	stream.indirect.scatter.add.f32 [tilespmem:s4], [sflag:$0x3], $0x1, s10, s10, $0xb8;
	[tilespmem:$0x5398] =	vst v63  }
0x1f: {  	_ =	swait.ge [sflag:s14], $0x1388  }
0x20: {  	[sflag:s14] =	ssyncset.done $0x0  }
0x21: {  	[sflag:s14] =	ssyncadd.s32 $0xFFFFEC78  }
0x22: {  	_ =	swait.ge [sflag:s14], $0x1388  }
0x23: {  	[sflag:s14] =	ssyncset.done $0x0  }
0x24: {  	s15 =	simm.s32 $0x3;
	[sflag:s14] =	ssyncadd.s32 $0xFFFFEC78  }
0x25: {  	_ =	swait.ge [sflag:s15], $0x1388  }
0x26: {  	[sflag:s15] =	ssyncset.done $0x0  }
0x27: {  	s16 =	sadd.s32 $0xB040, s24;
	[sflag:s15] =	ssyncadd.s32 $0xFFFFEC78  }
0x28: {  	[tilespmem:s10], [sflag:$0x1] =	stream.linear.gather [hbm4b:s16+s4], $0x1388, $0x38;
	[tilespmem:$0x5398] =	vst v63  }
0x29: {  	_ = 	snop  }
0x2a: {  	[tilespmem:s10], [sflag:$0x1] =	stream.linear.gather [hbm4b:s16+s4], $0x1388, $0x38;
	[tilespmem:$0x5398] =	vst v63  }
0x2b: {  	_ = 	snop  }
0x2c: {  	[spmem:s3] =	stream.indirect.scatter.add.f32 [tilespmem:s4], [sflag:$0x4], $0x1, s13, s10, $0xb8;
	[tilespmem:$0x5398] =	vst v63  }
0x2d: {  	_ =	swait.ge [sflag:s11], $0x1388  }
0x2e: {  	[sflag:s11] =	ssyncset.done $0x0  }
0x2f: {  	[sflag:s11] =	ssyncadd.s32 $0xFFFFEC78  }
0x30: {  	_ =	swait.ge [sflag:s11], $0x1388  }
0x31: {  	[sflag:s11] =	ssyncset.done $0x0  }
0x32: {  	s17 =	simm.s32 $0x4;
	[sflag:s11] =	ssyncadd.s32 $0xFFFFEC78  }
0x33: {  	_ =	swait.ge [sflag:s17], $0x1388  }
0x34: {  	[sflag:s17] =	ssyncset.done $0x0  }
0x35: {  	s18 =	sadd.s32 $0xFE60, s24;
	[sflag:s17] =	ssyncadd.s32 $0xFFFFEC78  }
0x36: {  	[tilespmem:s13], [sflag:$0x2] =	stream.linear.gather [hbm4b:s18+s4], $0x1388, $0x38;
	[tilespmem:$0x5398] =	vst v63  }
0x37: {  	_ = 	snop  }
0x38: {  	[tilespmem:s13], [sflag:$0x2] =	stream.linear.gather [hbm4b:s18+s4], $0x1388, $0x38;
	[tilespmem:$0x5398] =	vst v63  }
0x39: {  	_ = 	snop  }
0x3a: {  	[spmem:s3] =	stream.indirect.scatter.add.f32 [tilespmem:s4], [sflag:$0x3], $0x1, s10, s10, $0xb8;
	[tilespmem:$0x5398] =	vst v63  }
0x3b: {  	_ =	swait.ge [sflag:s14], $0x1388  }
0x3c: {  	[sflag:s14] =	ssyncset.done $0x0  }
0x3d: {  	[sflag:s14] =	ssyncadd.s32 $0xFFFFEC78  }
0x3e: {  	_ =	swait.ge [sflag:s14], $0x1388  }
0x3f: {  	[sflag:s14] =	ssyncset.done $0x0  }
0x40: {  	[sflag:s14] =	ssyncadd.s32 $0xFFFFEC78  }
0x41: {  	_ =	swait.ge [sflag:s15], $0x1388  }
0x42: {  	[sflag:s15] =	ssyncset.done $0x0  }
0x43: {  	s19 =	sadd.s32 $0x14C80, s24;
	[sflag:s15] =	ssyncadd.s32 $0xFFFFEC78  }
0x44: {  	[tilespmem:s10], [sflag:$0x1] =	stream.linear.gather [hbm4b:s19+s4], $0x1388, $0x38;
	[tilespmem:$0x5398] =	vst v63  }
0x45: {  	_ = 	snop  }
0x46: {  	[tilespmem:s10], [sflag:$0x1] =	stream.linear.gather [hbm4b:s19+s4], $0x1388, $0x38;
	[tilespmem:$0x5398] =	vst v63  }
0x47: {  	_ = 	snop  }
0x48: {  	[spmem:s3] =	stream.indirect.scatter.add.f32 [tilespmem:s4], [sflag:$0x4], $0x1, s13, s10, $0xb8;
	[tilespmem:$0x5398] =	vst v63  }
0x49: {  	_ =	swait.ge [sflag:s11], $0x1388  }
0x4a: {  	[sflag:s11] =	ssyncset.done $0x0  }
0x4b: {  	[sflag:s11] =	ssyncadd.s32 $0xFFFFEC78  }
0x4c: {  	_ =	swait.ge [sflag:s11], $0x1388  }
0x4d: {  	[sflag:s11] =	ssyncset.done $0x0  }
0x4e: {  	[sflag:s11] =	ssyncadd.s32 $0xFFFFEC78  }
0x4f: {  	_ =	swait.ge [sflag:s17], $0x1388  }
0x50: {  	[sflag:s17] =	ssyncset.done $0x0  }
0x51: {  	s20 =	sadd.s32 $0x19AA0, s24;
	[sflag:s17] =	ssyncadd.s32 $0xFFFFEC78  }
0x52: {  	[tilespmem:s13], [sflag:$0x2] =	stream.linear.gather [hbm4b:s20+s4], $0x1388, $0x38;
	[tilespmem:$0x5398] =	vst v63  }
0x53: {  	_ = 	snop  }
0x54: {  	[tilespmem:s13], [sflag:$0x2] =	stream.linear.gather [hbm4b:s20+s4], $0x1388, $0x38;
	[tilespmem:$0x5398] =	vst v63  }
0x55: {  	_ = 	snop  }
0x56: {  	[spmem:s3] =	stream.indirect.scatter.add.f32 [tilespmem:s4], [sflag:$0x3], $0x1, s10, s10, $0xb8;
	[tilespmem:$0x5398] =	vst v63  }
0x57: {  	_ =	swait.ge [sflag:s14], $0x1388  }
0x58: {  	[sflag:s14] =	ssyncset.done $0x0  }
0x59: {  	[sflag:s14] =	ssyncadd.s32 $0xFFFFEC78  }
0x5a: {  	_ =	swait.ge [sflag:s14], $0x1388  }
0x5b: {  	[sflag:s14] =	ssyncset.done $0x0  }
0x5c: {  	[sflag:s14] =	ssyncadd.s32 $0xFFFFEC78  }
0x5d: {  	_ =	swait.ge [sflag:s15], $0x1388  }
0x5e: {  	[sflag:s15] =	ssyncset.done $0x0  }
0x5f: {  	s21 =	sadd.s32 $0x1E8C0, s24;
	[sflag:s15] =	ssyncadd.s32 $0xFFFFEC78  }
0x60: {  	[tilespmem:s10], [sflag:$0x1] =	stream.linear.gather [hbm4b:s21+s4], $0x1388, $0x38;
	[tilespmem:$0x5398] =	vst v63  }
0x61: {  	_ = 	snop  }
0x62: {  	[tilespmem:s10], [sflag:$0x1] =	stream.linear.gather [hbm4b:s21+s4], $0x1388, $0x38;
	[tilespmem:$0x5398] =	vst v63  }
0x63: {  	_ = 	snop  }
0x64: {  	[spmem:s3] =	stream.indirect.scatter.add.f32 [tilespmem:s4], [sflag:$0x4], $0x1, s13, s10, $0xb8;
	[tilespmem:$0x5398] =	vst v63  }
0x65: {  	_ =	swait.ge [sflag:s11], $0x1388  }
0x66: {  	[sflag:s11] =	ssyncset.done $0x0  }
0x67: {  	[sflag:s11] =	ssyncadd.s32 $0xFFFFEC78  }
0x68: {  	_ =	swait.ge [sflag:s11], $0x1388  }
0x69: {  	[sflag:s11] =	ssyncset.done $0x0  }
0x6a: {  	[sflag:s11] =	ssyncadd.s32 $0xFFFFEC78  }
0x6b: {  	_ =	swait.ge [sflag:s17], $0x1388  }
0x6c: {  	[sflag:s17] =	ssyncset.done $0x0  }
0x6d: {  	s22 =	sadd.s32 $0x236E0, s24;
	[sflag:s17] =	ssyncadd.s32 $0xFFFFEC78  }
0x6e: {  	[tilespmem:s13], [sflag:$0x2] =	stream.linear.gather [hbm4b:s22+s4], $0x1388, $0x38;
	[tilespmem:$0x5398] =	vst v63  }
0x6f: {  	_ = 	snop  }
0x70: {  	[tilespmem:s13], [sflag:$0x2] =	stream.linear.gather [hbm4b:s22+s4], $0x1388, $0x38;
	[tilespmem:$0x5398] =	vst v63  }
0x71: {  	_ = 	snop  }
0x72: {  	[spmem:s3] =	stream.indirect.scatter.add.f32 [tilespmem:s4], [sflag:$0x3], $0x1, s10, s10, $0xb8;
	[tilespmem:$0x5398] =	vst v63  }
0x73: {  	_ =	swait.ge [sflag:s14], $0x1388  }
0x74: {  	[sflag:s14] =	ssyncset.done $0x0  }
0x75: {  	[sflag:s14] =	ssyncadd.s32 $0xFFFFEC78  }
0x76: {  	_ =	swait.ge [sflag:s14], $0x1388  }
0x77: {  	[sflag:s14] =	ssyncset.done $0x0  }
0x78: {  	[sflag:s14] =	ssyncadd.s32 $0xFFFFEC78  }
0x79: {  	_ =	swait.ge [sflag:s15], $0x1388  }
0x7a: {  	[sflag:s15] =	ssyncset.done $0x0  }
0x7b: {  	s23 =	sadd.s32 $0x28500, s24;
	[sflag:s15] =	ssyncadd.s32 $0xFFFFEC78  }
0x7c: {  	[tilespmem:s10], [sflag:$0x1] =	stream.linear.gather [hbm4b:s23+s4], $0x1388, $0x38;
	[tilespmem:$0x5398] =	vst v63  }
0x7d: {  	_ = 	snop  }
0x7e: {  	[tilespmem:s10], [sflag:$0x1] =	stream.linear.gather [hbm4b:s23+s4], $0x1388, $0x38;
	[tilespmem:$0x5398] =	vst v63  }
0x7f: {  	_ = 	snop  }
0x80: {  	[spmem:s3] =	stream.indirect.scatter.add.f32 [tilespmem:s4], [sflag:$0x4], $0x1, s13, s10, $0xb8;
	[tilespmem:$0x5398] =	vst v63  }
0x81: {  	_ =	swait.ge [sflag:s11], $0x1388  }
0x82: {  	[sflag:s11] =	ssyncset.done $0x0  }
0x83: {  	[sflag:s11] =	ssyncadd.s32 $0xFFFFEC78  }
0x84: {  	_ =	swait.ge [sflag:s11], $0x1388  }
0x85: {  	[sflag:s11] =	ssyncset.done $0x0  }
0x86: {  	[sflag:s11] =	ssyncadd.s32 $0xFFFFEC78  }
0x87: {  	_ =	swait.ge [sflag:s17], $0x1388  }
0x88: {  	[sflag:s17] =	ssyncset.done $0x0  }
0x89: {  	s24 =	sadd.s32 $0x2D320, s24;
	[sflag:s17] =	ssyncadd.s32 $0xFFFFEC78  }
0x8a: {  	[tilespmem:s13], [sflag:$0x2] =	stream.linear.gather [hbm4b:s24+s4], $0x1388, $0x38;
	[tilespmem:$0x5398] =	vst v63  }
0x8b: {  	_ = 	snop  }
0x8c: {  	[tilespmem:s13], [sflag:$0x2] =	stream.linear.gather [hbm4b:s24+s4], $0x1388, $0x38;
	[tilespmem:$0x5398] =	vst v63  }
0x8d: {  	_ = 	snop  }
0x8e: {  	[spmem:s3] =	stream.indirect.scatter.add.f32 [tilespmem:s4], [sflag:$0x3], $0x1, s10, s10, $0xb8;
	[tilespmem:$0x5398] =	vst v63  }
0x8f: {  	_ =	swait.ge [sflag:s14], $0x1388  }
0x90: {  	[sflag:s14] =	ssyncset.done $0x0  }
0x91: {  	[sflag:s14] =	ssyncadd.s32 $0xFFFFEC78  }
0x92: {  	_ =	swait.ge [sflag:s14], $0x1388  }
0x93: {  	[sflag:s14] =	ssyncset.done $0x0  }
0x94: {  	[sflag:s14] =	ssyncadd.s32 $0xFFFFEC78  }
0x95: {  	s29 =	smul.u32 $0x19000, s26;
	s26 =	ssub.s32 $0x2, s26;
	_ =	swait.ge [sflag:s15], $0x1388  }
0x96: {  	s31 =	sshrl.u32 s26, $0x1;
	[sflag:s15] =	ssyncset.done $0x0  }
0x97: {  	s26 =	ssub.s32 s26, s31;
	[sflag:s15] =	ssyncadd.s32 $0xFFFFEC78  }
0x98: {  	[spmem:s3] =	stream.indirect.scatter.add.f32 [tilespmem:s4], [sflag:$0x4], $0x1, s13, s10, $0xb8;
	[tilespmem:$0x5398] =	vst v63  }
0x99: {  	s28 =	sadd.s32 s28, s29;
	s26 =	smax.u32 s26, $0x1;
	_ =	swait.ge [sflag:s17], $0x1388  }
0x9a: {  	s28 =	sshrl.u32 s28, $0x3;
	p0 =	sne.s32 s26, $0x1;
	[sflag:s17] =	ssyncset.done $0x0  }
.Ltmp0:
0x9b: {  	s25 =	sadd.s32 s28, s25;
	[sflag:s17] =	ssyncadd.s32 $0xFFFFEC78;
	(pc) =	sbr.rel @!p0 .LBB2_2-.Ltmp0, $4  }
0x9c: {  	s25 =	sadd.s32 $0x63400, s25;
	[bflag:$0x0] =	sbarrier.arrive $0xFFFF  }
0x9d: {  	[hbm:s25], [sflag:s7] =	dma.local [spmem:s8], $0x320  }
0x9e: {  	_ =	swait.ge [sflag:s6], $0x320  }
0x9f: {  	s26 =	sadd.s32 $0xFFFFFFFF, s26;
	[sflag:s6] =	ssyncset.done $0x0  }
.LBB2_1:
0xa0: {  	p0 =	sne.s32 s26, $0x1;
	s26 =	sadd.s32 $0xFFFFFFFF, s26;
	[sflag:s6] =	ssyncadd.s32 $0xFFFFFCE0  }
0xa1: {  	[tilespmem:s4], [sflag:$0x5] =	stream.linear.gather [hbm4b:s5+s4], $0x1388, $0x38;
	[tilespmem:$0x5398] =	vst v63  }
0xa2: {  	_ =	swait.ge [sflag:s6], $0x1388  }
0xa3: {  	[sflag:s6] =	ssyncset.done $0x0  }
0xa4: {  	[sflag:s6] =	ssyncadd.s32 $0xFFFFEC78  }
0xa5: {  	[spmem:s8], [sflag:s7] =	dma.local [hbm:s1], $0x320  }
0xa6: {  	_ =	swait.ge [sflag:s6], $0x320  }
0xa7: {  	[sflag:s6] =	ssyncset.done $0x0  }
0xa8: {  	[sflag:s6] =	ssyncadd.s32 $0xFFFFFCE0  }
0xa9: {  	[bflag:$0x0] =	sbarrier.arrive $0xFFFF  }
0xaa: {  	[tilespmem:s10], [sflag:$0x1] =	stream.linear.gather [hbm4b:s9+s4], $0x1388, $0x38;
	[tilespmem:$0x5398] =	vst v63  }
0xab: {  	_ = 	snop  }
0xac: {  	[tilespmem:s10], [sflag:$0x1] =	stream.linear.gather [hbm4b:s9+s4], $0x1388, $0x38;
	[tilespmem:$0x5398] =	vst v63  }
0xad: {  	_ =	swait.ge [sflag:s11], $0x1388  }
0xae: {  	[sflag:s11] =	ssyncset.done $0x0  }
0xaf: {  	[sflag:s11] =	ssyncadd.s32 $0xFFFFEC78  }
0xb0: {  	_ =	swait.ge [sflag:s11], $0x1388  }
0xb1: {  	[sflag:s11] =	ssyncset.done $0x0  }
0xb2: {  	[sflag:s11] =	ssyncadd.s32 $0xFFFFEC78  }
0xb3: {  	[tilespmem:s13], [sflag:$0x2] =	stream.linear.gather [hbm4b:s12+s4], $0x1388, $0x38;
	[tilespmem:$0x5398] =	vst v63  }
0xb4: {  	_ = 	snop  }
0xb5: {  	[tilespmem:s13], [sflag:$0x2] =	stream.linear.gather [hbm4b:s12+s4], $0x1388, $0x38;
	[tilespmem:$0x5398] =	vst v63  }
0xb6: {  	_ = 	snop  }
0xb7: {  	[spmem:s3] =	stream.indirect.scatter.add.f32 [tilespmem:s4], [sflag:$0x3], $0x1, s10, s10, $0xb8;
	[tilespmem:$0x5398] =	vst v63  }
0xb8: {  	_ =	swait.ge [sflag:s14], $0x1388  }
0xb9: {  	[sflag:s14] =	ssyncset.done $0x0  }
0xba: {  	[sflag:s14] =	ssyncadd.s32 $0xFFFFEC78  }
0xbb: {  	_ =	swait.ge [sflag:s14], $0x1388  }
0xbc: {  	[sflag:s14] =	ssyncset.done $0x0  }
0xbd: {  	[sflag:s14] =	ssyncadd.s32 $0xFFFFEC78  }
0xbe: {  	_ =	swait.ge [sflag:s15], $0x1388  }
0xbf: {  	[sflag:s15] =	ssyncset.done $0x0  }
0xc0: {  	[sflag:s15] =	ssyncadd.s32 $0xFFFFEC78  }
0xc1: {  	[tilespmem:s10], [sflag:$0x1] =	stream.linear.gather [hbm4b:s16+s4], $0x1388, $0x38;
	[tilespmem:$0x5398] =	vst v63  }
0xc2: {  	_ = 	snop  }
0xc3: {  	[tilespmem:s10], [sflag:$0x1] =	stream.linear.gather [hbm4b:s16+s4], $0x1388, $0x38;
	[tilespmem:$0x5398] =	vst v63  }
0xc4: {  	_ = 	snop  }
0xc5: {  	[spmem:s3] =	stream.indirect.scatter.add.f32 [tilespmem:s4], [sflag:$0x4], $0x1, s13, s10, $0xb8;
	[tilespmem:$0x5398] =	vst v63  }
0xc6: {  	_ =	swait.ge [sflag:s11], $0x1388  }
0xc7: {  	[sflag:s11] =	ssyncset.done $0x0  }
0xc8: {  	[sflag:s11] =	ssyncadd.s32 $0xFFFFEC78  }
0xc9: {  	_ =	swait.ge [sflag:s11], $0x1388  }
0xca: {  	[sflag:s11] =	ssyncset.done $0x0  }
0xcb: {  	[sflag:s11] =	ssyncadd.s32 $0xFFFFEC78  }
0xcc: {  	_ =	swait.ge [sflag:s17], $0x1388  }
0xcd: {  	[sflag:s17] =	ssyncset.done $0x0  }
0xce: {  	[sflag:s17] =	ssyncadd.s32 $0xFFFFEC78  }
0xcf: {  	[tilespmem:s13], [sflag:$0x2] =	stream.linear.gather [hbm4b:s18+s4], $0x1388, $0x38;
	[tilespmem:$0x5398] =	vst v63  }
0xd0: {  	_ = 	snop  }
0xd1: {  	[tilespmem:s13], [sflag:$0x2] =	stream.linear.gather [hbm4b:s18+s4], $0x1388, $0x38;
	[tilespmem:$0x5398] =	vst v63  }
0xd2: {  	_ = 	snop  }
0xd3: {  	[spmem:s3] =	stream.indirect.scatter.add.f32 [tilespmem:s4], [sflag:$0x3], $0x1, s10, s10, $0xb8;
	[tilespmem:$0x5398] =	vst v63  }
0xd4: {  	_ =	swait.ge [sflag:s14], $0x1388  }
0xd5: {  	[sflag:s14] =	ssyncset.done $0x0  }
0xd6: {  	[sflag:s14] =	ssyncadd.s32 $0xFFFFEC78  }
0xd7: {  	_ =	swait.ge [sflag:s14], $0x1388  }
0xd8: {  	[sflag:s14] =	ssyncset.done $0x0  }
0xd9: {  	[sflag:s14] =	ssyncadd.s32 $0xFFFFEC78  }
0xda: {  	_ =	swait.ge [sflag:s15], $0x1388  }
0xdb: {  	[sflag:s15] =	ssyncset.done $0x0  }
0xdc: {  	[sflag:s15] =	ssyncadd.s32 $0xFFFFEC78  }
0xdd: {  	[tilespmem:s10], [sflag:$0x1] =	stream.linear.gather [hbm4b:s19+s4], $0x1388, $0x38;
	[tilespmem:$0x5398] =	vst v63  }
0xde: {  	_ = 	snop  }
0xdf: {  	[tilespmem:s10], [sflag:$0x1] =	stream.linear.gather [hbm4b:s19+s4], $0x1388, $0x38;
	[tilespmem:$0x5398] =	vst v63  }
0xe0: {  	_ = 	snop  }
0xe1: {  	[spmem:s3] =	stream.indirect.scatter.add.f32 [tilespmem:s4], [sflag:$0x4], $0x1, s13, s10, $0xb8;
	[tilespmem:$0x5398] =	vst v63  }
0xe2: {  	_ =	swait.ge [sflag:s11], $0x1388  }
0xe3: {  	[sflag:s11] =	ssyncset.done $0x0  }
0xe4: {  	[sflag:s11] =	ssyncadd.s32 $0xFFFFEC78  }
0xe5: {  	_ =	swait.ge [sflag:s11], $0x1388  }
0xe6: {  	[sflag:s11] =	ssyncset.done $0x0  }
0xe7: {  	[sflag:s11] =	ssyncadd.s32 $0xFFFFEC78  }
0xe8: {  	_ =	swait.ge [sflag:s17], $0x1388  }
0xe9: {  	[sflag:s17] =	ssyncset.done $0x0  }
0xea: {  	[sflag:s17] =	ssyncadd.s32 $0xFFFFEC78  }
0xeb: {  	[tilespmem:s13], [sflag:$0x2] =	stream.linear.gather [hbm4b:s20+s4], $0x1388, $0x38;
	[tilespmem:$0x5398] =	vst v63  }
0xec: {  	_ = 	snop  }
0xed: {  	[tilespmem:s13], [sflag:$0x2] =	stream.linear.gather [hbm4b:s20+s4], $0x1388, $0x38;
	[tilespmem:$0x5398] =	vst v63  }
0xee: {  	_ = 	snop  }
0xef: {  	[spmem:s3] =	stream.indirect.scatter.add.f32 [tilespmem:s4], [sflag:$0x3], $0x1, s10, s10, $0xb8;
	[tilespmem:$0x5398] =	vst v63  }
0xf0: {  	_ =	swait.ge [sflag:s14], $0x1388  }
0xf1: {  	[sflag:s14] =	ssyncset.done $0x0  }
0xf2: {  	[sflag:s14] =	ssyncadd.s32 $0xFFFFEC78  }
0xf3: {  	_ =	swait.ge [sflag:s14], $0x1388  }
0xf4: {  	[sflag:s14] =	ssyncset.done $0x0  }
0xf5: {  	[sflag:s14] =	ssyncadd.s32 $0xFFFFEC78  }
0xf6: {  	_ =	swait.ge [sflag:s15], $0x1388  }
0xf7: {  	[sflag:s15] =	ssyncset.done $0x0  }
0xf8: {  	[sflag:s15] =	ssyncadd.s32 $0xFFFFEC78  }
0xf9: {  	[tilespmem:s10], [sflag:$0x1] =	stream.linear.gather [hbm4b:s21+s4], $0x1388, $0x38;
	[tilespmem:$0x5398] =	vst v63  }
0xfa: {  	_ = 	snop  }
0xfb: {  	[tilespmem:s10], [sflag:$0x1] =	stream.linear.gather [hbm4b:s21+s4], $0x1388, $0x38;
	[tilespmem:$0x5398] =	vst v63  }
0xfc: {  	_ = 	snop  }
0xfd: {  	[spmem:s3] =	stream.indirect.scatter.add.f32 [tilespmem:s4], [sflag:$0x4], $0x1, s13, s10, $0xb8;
	[tilespmem:$0x5398] =	vst v63  }
0xfe: {  	_ =	swait.ge [sflag:s11], $0x1388  }
0xff: {  	[sflag:s11] =	ssyncset.done $0x0  }
0x100: {  	[sflag:s11] =	ssyncadd.s32 $0xFFFFEC78  }
0x101: {  	_ =	swait.ge [sflag:s11], $0x1388  }
0x102: {  	[sflag:s11] =	ssyncset.done $0x0  }
0x103: {  	[sflag:s11] =	ssyncadd.s32 $0xFFFFEC78  }
0x104: {  	_ =	swait.ge [sflag:s17], $0x1388  }
0x105: {  	[sflag:s17] =	ssyncset.done $0x0  }
0x106: {  	[sflag:s17] =	ssyncadd.s32 $0xFFFFEC78  }
0x107: {  	[tilespmem:s13], [sflag:$0x2] =	stream.linear.gather [hbm4b:s22+s4], $0x1388, $0x38;
	[tilespmem:$0x5398] =	vst v63  }
0x108: {  	_ = 	snop  }
0x109: {  	[tilespmem:s13], [sflag:$0x2] =	stream.linear.gather [hbm4b:s22+s4], $0x1388, $0x38;
	[tilespmem:$0x5398] =	vst v63  }
0x10a: {  	_ = 	snop  }
0x10b: {  	[spmem:s3] =	stream.indirect.scatter.add.f32 [tilespmem:s4], [sflag:$0x3], $0x1, s10, s10, $0xb8;
	[tilespmem:$0x5398] =	vst v63  }
0x10c: {  	_ =	swait.ge [sflag:s14], $0x1388  }
0x10d: {  	[sflag:s14] =	ssyncset.done $0x0  }
0x10e: {  	[sflag:s14] =	ssyncadd.s32 $0xFFFFEC78  }
0x10f: {  	_ =	swait.ge [sflag:s14], $0x1388  }
0x110: {  	[sflag:s14] =	ssyncset.done $0x0  }
0x111: {  	[sflag:s14] =	ssyncadd.s32 $0xFFFFEC78  }
0x112: {  	_ =	swait.ge [sflag:s15], $0x1388  }
0x113: {  	[sflag:s15] =	ssyncset.done $0x0  }
0x114: {  	[sflag:s15] =	ssyncadd.s32 $0xFFFFEC78  }
0x115: {  	[tilespmem:s10], [sflag:$0x1] =	stream.linear.gather [hbm4b:s23+s4], $0x1388, $0x38;
	[tilespmem:$0x5398] =	vst v63  }
0x116: {  	_ = 	snop  }
0x117: {  	[tilespmem:s10], [sflag:$0x1] =	stream.linear.gather [hbm4b:s23+s4], $0x1388, $0x38;
	[tilespmem:$0x5398] =	vst v63  }
0x118: {  	_ = 	snop  }
0x119: {  	[spmem:s3] =	stream.indirect.scatter.add.f32 [tilespmem:s4], [sflag:$0x4], $0x1, s13, s10, $0xb8;
	[tilespmem:$0x5398] =	vst v63  }
0x11a: {  	_ =	swait.ge [sflag:s11], $0x1388  }
0x11b: {  	[sflag:s11] =	ssyncset.done $0x0  }
0x11c: {  	[sflag:s11] =	ssyncadd.s32 $0xFFFFEC78  }
0x11d: {  	_ =	swait.ge [sflag:s11], $0x1388  }
0x11e: {  	[sflag:s11] =	ssyncset.done $0x0  }
0x11f: {  	[sflag:s11] =	ssyncadd.s32 $0xFFFFEC78  }
0x120: {  	_ =	swait.ge [sflag:s17], $0x1388  }
0x121: {  	[sflag:s17] =	ssyncset.done $0x0  }
0x122: {  	[sflag:s17] =	ssyncadd.s32 $0xFFFFEC78  }
0x123: {  	[tilespmem:s13], [sflag:$0x2] =	stream.linear.gather [hbm4b:s24+s4], $0x1388, $0x38;
	[tilespmem:$0x5398] =	vst v63  }
0x124: {  	_ = 	snop  }
0x125: {  	[tilespmem:s13], [sflag:$0x2] =	stream.linear.gather [hbm4b:s24+s4], $0x1388, $0x38;
	[tilespmem:$0x5398] =	vst v63  }
0x126: {  	_ = 	snop  }
0x127: {  	[spmem:s3] =	stream.indirect.scatter.add.f32 [tilespmem:s4], [sflag:$0x3], $0x1, s10, s10, $0xb8;
	[tilespmem:$0x5398] =	vst v63  }
0x128: {  	_ =	swait.ge [sflag:s14], $0x1388  }
0x129: {  	[sflag:s14] =	ssyncset.done $0x0  }
0x12a: {  	[sflag:s14] =	ssyncadd.s32 $0xFFFFEC78  }
0x12b: {  	_ =	swait.ge [sflag:s14], $0x1388  }
0x12c: {  	[sflag:s14] =	ssyncset.done $0x0  }
0x12d: {  	[sflag:s14] =	ssyncadd.s32 $0xFFFFEC78  }
0x12e: {  	_ =	swait.ge [sflag:s15], $0x1388  }
0x12f: {  	[sflag:s15] =	ssyncset.done $0x0  }
0x130: {  	[sflag:s15] =	ssyncadd.s32 $0xFFFFEC78  }
0x131: {  	[spmem:s3] =	stream.indirect.scatter.add.f32 [tilespmem:s4], [sflag:$0x4], $0x1, s13, s10, $0xb8;
	[tilespmem:$0x5398] =	vst v63  }
0x132: {  	_ =	swait.ge [sflag:s17], $0x1388  }
0x133: {  	[sflag:s17] =	ssyncset.done $0x0  }
.Ltmp1:
0x134: {  	[sflag:s17] =	ssyncadd.s32 $0xFFFFEC78;
	(pc) =	sbr.rel @p0 .LBB2_1-.Ltmp1, $4  }
0x135: {  	[bflag:$0x0] =	sbarrier.arrive $0xFFFF  }
0x136: {  	[hbm:s25], [sflag:s7] =	dma.local [spmem:s8], $0x320  }
0x137: {  	_ =	swait.ge [sflag:s6], $0x320  }
0x138: {  	[sflag:s6] =	ssyncset.done $0x0  }
.LBB2_2:
0x139: {  	[sflag:s6] =	ssyncadd.s32 $0xFFFFFCE0  }
0x13a: {  	_ =	sfence.sel $0x180000  }
0x13b: {  	[bflag:$0x0] =	sbarrier.arrive $0xFFFF  }
0x13c: {  	p0 =	sne.s32 s2, $0x0;
	_ =	strace $0x90000047  }
0x13d: {  	s0 =	sadd.s32 @!p0 $0x100000, s0;
	[bflag:$0x2] =	sbarrier.arrive $0xFFFF  }
0x13e: {  	[sflag:s0] =	ssyncadd.tile.s32 @!p0 $0x1;
	_ =	shalt  }
.Lfunc_end2:
_tile_overlayer_lowered:
.L_overlay_start_2:
0x13f: {  	(tag) =	ssettag $0x2  }
0x140: {  	s0 =	rddreg [dreg:$0x0];
	s2 =	stileid.u32  }
0x141: {  	s1 =	rddreg [dreg:$0x1];
	p0 =	sne.s32 s2, $0x0  }
0x142: {  	s3 =	rddreg [dreg:$0x2];
	[bflag:$0x3] =	sbarrier.arrive $0xFFFF;
	s2 =	simm.s32 @!p0 $0x1C05  }
0x143: {  	[timem:s3], [sflag:s2] =	dma.local @!p0 [hbm:s0], s1  }
0x144: {  	s0 =	simm.s32 @!p0 $0x5  }
0x145: {  	_ =	swait.ge @!p0 [sflag:s0], s1  }
0x146: {  	s1 =	ssub.s32 @!p0 $0x0, s1;
	[sflag:s0] =	ssyncset.done @!p0 $0x0  }
0x147: {  	[sflag:s0] =	ssyncadd.s32 @!p0 s1  }
0x148: {  	[bflag:$0x3] =	sbarrier.arrive $0xFFFF  }
0x149: {  	_ =	shalt  }

</sc_bundles>
